<compile_context>
chip_gen: v7x
topology: tpu7x:2x2x1
jax: 0.10.2.dev20260603
libtpu: 0.0.44.dev20260713+nightly
codegen_flags: <defaults>
</compile_context>

<pallas_src>
import jax
import jax.numpy as jnp
from jax import lax
from jax.experimental import pallas as pl
from jax.experimental.pallas import tpu as pltpu
from jax.experimental.pallas import tpu_sc as plsc

NC = 2
NS = 16
LL = 16
CE = 80


def _mm_body(x_ref, w_ref, b_ref, o_ref):
    o_ref[0] = (jnp.dot(x_ref[0], w_ref[...], preferred_element_type=jnp.float32)
                + b_ref[...])


def _rows_mm(x, w, b, tm):
    _, m, k = x.shape
    ko = w.shape[1]
    assert m % tm == 0
    return pl.pallas_call(
        _mm_body,
        grid=(1, m // tm),
        in_specs=[pl.BlockSpec((1, tm, k), lambda bb, i: (bb, i, 0)),
                  pl.BlockSpec((k, ko), lambda bb, i: (0, 0)),
                  pl.BlockSpec((1, ko), lambda bb, i: (0, 0))],
        out_specs=pl.BlockSpec((1, tm, ko), lambda bb, i: (bb, i, 0)),
        out_shape=jax.ShapeDtypeStruct((1, m, ko), jnp.float32),
    )(x, w, b.reshape(1, ko))


def _pq_body(x_ref, w_ref, p_ref, q_ref):
    r = jnp.dot(x_ref[0], w_ref[...], preferred_element_type=jnp.float32)
    hh = w_ref.shape[1] // 2
    p_ref[0] = r[:, :hh]
    q_ref[0] = r[:, hh:]


def _small_mm_body(a_ref, b_ref, o_ref):
    o_ref[...] = jnp.dot(a_ref[...], b_ref[...],
                         preferred_element_type=jnp.float32)


def _node_body(h_ref, s_ref, wa_ref, wc_ref, w2_ref, b1_ref, b2_ref, o_ref):
    hh = h_ref[0]
    t = (jnp.dot(hh, wa_ref[...], preferred_element_type=jnp.float32)
         + jnp.dot(s_ref[0], wc_ref[...], preferred_element_type=jnp.float32)
         + b1_ref[...])
    u = t / (1.0 + jnp.exp(-t))
    o_ref[0] = hh + jnp.dot(u, w2_ref[...],
                            preferred_element_type=jnp.float32) + b2_ref[...]


def kernel(h, edges, edge_feat, edge_mask, node_mask,
           W1e, b1e, W2e, b2e, W1n, b1n, W2n, b2n):
    B, N, H = h.shape
    E = edge_feat.shape[1]
    assert B == NC and N % NS == 0 and E % NS == 0 and H % LL == 0
    ept = E // NS
    assert ept % CE == 0
    rows_pt = -(-N // (NS * CE)) * CE
    Npad = rows_pt * NS

    Ws, Wd, Wf = W1e[:H], W1e[H:2 * H], W1e[2 * H:]

    h2 = h.reshape(1, B * N, H)
    tm_pq = 2000
    Wsd = jnp.concatenate([Ws, Wd], axis=1)
    P2, Q2 = pl.pallas_call(
        _pq_body,
        grid=(1, (B * N) // tm_pq),
        in_specs=[pl.BlockSpec((1, tm_pq, H), lambda bb, i: (bb, i, 0)),
                  pl.BlockSpec((H, 2 * H), lambda bb, i: (0, 0))],
        out_specs=[pl.BlockSpec((1, tm_pq, H), lambda bb, i: (bb, i, 0)),
                   pl.BlockSpec((1, tm_pq, H), lambda bb, i: (bb, i, 0))],
        out_shape=[jax.ShapeDtypeStruct((1, B * N, H), jnp.float32),
                   jax.ShapeDtypeStruct((1, B * N, H), jnp.float32)],
    )(h2, Wsd)
    P2, Q2 = P2[0], Q2[0]
    F2 = _rows_mm(edge_feat.reshape(1, B * E, H), Wf, b1e, 4000)[0]
    Wc = pl.pallas_call(
        _small_mm_body,
        out_shape=jax.ShapeDtypeStruct((H, H), jnp.float32),
    )(W2e, W1n[H:])

    src2 = edges[..., 0].reshape(B * E)
    dst2 = edges[..., 1].reshape(B * E)

    nch = ept // CE
    assert rows_pt % CE == 0

    def edge_body(p_hbm, q_hbm, f_hbm, src_hbm, dst_hbm, out_hbm,
                  idx_s, idx_d, idx_sg, idx_dg, idx_sc, pbuf, qbuf, fbuf,
                  obuf, Ssh, sem, semsc, semi):
        c = lax.axis_index("c")
        s = lax.axis_index("s")
        cN = c * N
        ebase = c * E + s * ept

        zero = jnp.zeros((LL,), jnp.float32)

        def zrow(i, carry):
            for j in range(H // LL):
                fbuf[i, pl.ds(j * LL, LL)] = zero
            return carry
        lax.fori_loop(0, CE, zrow, 0)
        r0 = s * rows_pt
        for t in range(rows_pt // CE):
            pltpu.sync_copy(fbuf.at[pl.ds(0, CE)], Ssh.at[pl.ds(r0 + t * CE, CE)])
        plsc.subcore_barrier()

        def chunk(k, carry):
            e0 = ebase + k * CE
            pltpu.async_copy(src_hbm.at[pl.ds(e0, CE)], idx_s, semi)
            pltpu.async_copy(dst_hbm.at[pl.ds(e0, CE)], idx_d, semi)
            pltpu.make_async_copy(src_hbm.at[pl.ds(e0, CE)], idx_s,
                                  semi).wait()
            pltpu.make_async_copy(dst_hbm.at[pl.ds(e0, CE)], idx_d,
                                  semi).wait()
            for t in range(CE // LL):
                sl = pl.ds(t * LL, LL)
                idx_sg[sl] = idx_s[sl] + cN
                idx_dg[sl] = idx_d[sl] + cN
            pltpu.async_copy(p_hbm.at[idx_sg], pbuf, sem)
            pltpu.async_copy(q_hbm.at[idx_dg], qbuf, sem)
            pltpu.async_copy(f_hbm.at[pl.ds(e0, CE)], fbuf, sem)

            @pl.when(k > 0)
            def _():
                pltpu.make_async_copy(obuf, Ssh.at[idx_sc], semsc).wait()
            pltpu.make_async_copy(p_hbm.at[idx_sg], pbuf, sem).wait()
            pltpu.make_async_copy(q_hbm.at[idx_dg], qbuf, sem).wait()
            pltpu.make_async_copy(f_hbm.at[pl.ds(e0, CE)], fbuf, sem).wait()

            @plsc.parallel_loop(0, CE, step=1, unroll=4)
            def _(i):
                for j in range(H // LL):
                    sl2 = (i, pl.ds(j * LL, LL))
                    z = pbuf[sl2] + qbuf[sl2] + fbuf[sl2]
                    obuf[sl2] = z / (1.0 + jnp.exp(-z))
            for t in range(CE // LL):
                sl = pl.ds(t * LL, LL)
                idx_sc[sl] = idx_d[sl]
            pltpu.make_async_copy(obuf, Ssh.at[idx_sc], semsc).start(add=True)
            return carry
        lax.fori_loop(0, nch, chunk, 0)

        pltpu.make_async_copy(obuf, Ssh.at[idx_sc], semsc).wait()
        plsc.subcore_barrier()
        pltpu.sync_copy(Ssh.at[pl.ds(r0, rows_pt)],
                        out_hbm.at[pl.ds(c * Npad + r0, rows_pt)])

    mesh = plsc.VectorSubcoreMesh(core_axis_name="c", subcore_axis_name="s",
                                  num_cores=NC, num_subcores=NS)
    S2 = pl.kernel(
        edge_body,
        out_type=jax.ShapeDtypeStruct((B * Npad, H), jnp.float32),
        mesh=mesh,
        scratch_types=[
            pltpu.VMEM((CE,), jnp.int32),
            pltpu.VMEM((CE,), jnp.int32),
            pltpu.VMEM((CE,), jnp.int32),
            pltpu.VMEM((CE,), jnp.int32),
            pltpu.VMEM((CE,), jnp.int32),
            pltpu.VMEM((CE, H), jnp.float32),
            pltpu.VMEM((CE, H), jnp.float32),
            pltpu.VMEM((CE, H), jnp.float32),
            pltpu.VMEM((CE, H), jnp.float32),
            pltpu.VMEM_SHARED((Npad, H), jnp.float32),
            pltpu.SemaphoreType.DMA,
            pltpu.SemaphoreType.DMA,
            pltpu.SemaphoreType.DMA,
        ],
    )(P2, Q2, F2, src2, dst2)

    S = S2.reshape(B, Npad, H)
    tn = 2000
    h_new = pl.pallas_call(
        _node_body,
        grid=(B, N // tn),
        in_specs=[pl.BlockSpec((1, tn, H), lambda bb, i: (bb, i, 0)),
                  pl.BlockSpec((1, tn, H), lambda bb, i: (bb, i, 0)),
                  pl.BlockSpec((H, H), lambda bb, i: (0, 0)),
                  pl.BlockSpec((H, H), lambda bb, i: (0, 0)),
                  pl.BlockSpec((H, H), lambda bb, i: (0, 0)),
                  pl.BlockSpec((1, H), lambda bb, i: (0, 0)),
                  pl.BlockSpec((1, H), lambda bb, i: (0, 0))],
        out_specs=pl.BlockSpec((1, tn, H), lambda bb, i: (bb, i, 0)),
        out_shape=jax.ShapeDtypeStruct((B, N, H), jnp.float32),
    )(h, S, W1n[:H], Wc, W2n, b1n.reshape(1, H), b2n.reshape(1, H))
    return h_new

# --- scband reference (transcript-rebuilt; emitter-appended) ---
"""Pipeline reference for scband-mplayer-69011534512456 (READ-ONLY COPY).

The authoritative reference and input builder live on the scoring server;
editing this copy changes nothing except your own understanding.
"""

import jax, jax.numpy as jnp
import numpy as np

B, N, H, E = 2, 10000, 128, 160000


def setup_inputs(seed: int = 0) -> dict:
    key = jax.random.key(seed)
    ks = jax.random.split(key, 10)
    h = jax.random.normal(ks[0], (B, N, H), dtype=jnp.float32)
    edges = jax.random.randint(ks[1], (B, E, 2), 0, N, dtype=jnp.int32)
    edge_feat = jax.random.normal(ks[2], (B, E, H), dtype=jnp.float32)
    edge_mask = jnp.ones((B, E), dtype=bool)
    node_mask = jnp.ones((B, N), dtype=bool)
    # edge MLP params (torch Linear weight [out,in] -> stored here as [in,out])
    W1e = 0.02 * jax.random.normal(ks[3], (3 * H, H), dtype=jnp.float32)
    b1e = jnp.zeros((H,), dtype=jnp.float32)
    W2e = 0.02 * jax.random.normal(ks[4], (H, H), dtype=jnp.float32)
    b2e = jnp.zeros((H,), dtype=jnp.float32)
    # node MLP params
    W1n = 0.02 * jax.random.normal(ks[5], (2 * H, H), dtype=jnp.float32)
    b1n = jnp.zeros((H,), dtype=jnp.float32)
    W2n = 0.02 * jax.random.normal(ks[6], (H, H), dtype=jnp.float32)
    b2n = jnp.zeros((H,), dtype=jnp.float32)
    return {
        "h": h, "edges": edges, "edge_feat": edge_feat,
        "edge_mask": edge_mask, "node_mask": node_mask,
        "W1e": W1e, "b1e": b1e, "W2e": W2e, "b2e": b2e,
        "W1n": W1n, "b1n": b1n, "W2n": W2n, "b2n": b2n,
    }


def reference(h, edges, edge_feat, edge_mask, node_mask,
              W1e, b1e, W2e, b2e, W1n, b1n, W2n, b2n):
    Bs, Ns, Hs = h.shape
    src = edges[..., 0]
    dst = edges[..., 1]
    src_safe = jnp.clip(src, 0, Ns - 1)
    dst_safe = jnp.clip(dst, 0, Ns - 1)
    # gather source / destination node features: [B, E, H]
    h_src = jnp.take_along_axis(h, src_safe[:, :, None], axis=1)
    h_dst = jnp.take_along_axis(h, dst_safe[:, :, None], axis=1)
    cat = jnp.concatenate([h_src, h_dst, edge_feat], axis=-1)  # [B, E, 3H]
    msg = jax.nn.silu(cat @ W1e + b1e) @ W2e + b2e  # [B, E, H]
    msg = msg * edge_mask[..., None].astype(msg.dtype)
    # scatter-add messages into destination nodes
    b_idx = jnp.broadcast_to(jnp.arange(Bs)[:, None], dst_safe.shape)
    agg = jnp.zeros_like(h).at[b_idx, dst_safe].add(msg)
    cat_node = jnp.concatenate([h, agg], axis=-1)  # [B, N, 2H]
    upd = jax.nn.silu(cat_node @ W1n + b1n) @ W2n + b2n
    h_new = h + upd
    h_new = h_new * node_mask[..., None].astype(h_new.dtype)
    return h_new

if __name__ == "__main__":
    import jax
    _d = setup_inputs()
    print(jax.jit(kernel)(*tuple(_d.values())))

</pallas_src>

<mosaic_0001>
#map = affine_map<(d0, d1) -> (0, 0)>
#map1 = affine_map<(d0, d1) -> (0)>
module attributes {stable_mosaic.version = 14 : i64} {
  func.func @edge_body(%arg0: i32, %arg1: i32, %arg2: memref<20000x128xf32, #tpu.memory_space<hbm>>, %arg3: memref<20000x128xf32, #tpu.memory_space<hbm>>, %arg4: memref<320000x128xf32, #tpu.memory_space<hbm>>, %arg5: memref<320000xi32, #tpu.memory_space<hbm>>, %arg6: memref<320000xi32, #tpu.memory_space<hbm>>, %arg7: memref<20480x128xf32, #tpu.memory_space<hbm>>, %arg8: memref<80xi32, #tpu.memory_space<vmem>>, %arg9: memref<80xi32, #tpu.memory_space<vmem>>, %arg10: memref<80xi32, #tpu.memory_space<vmem>>, %arg11: memref<80xi32, #tpu.memory_space<vmem>>, %arg12: memref<80xi32, #tpu.memory_space<vmem>>, %arg13: memref<80x128xf32, #tpu.memory_space<vmem>>, %arg14: memref<80x128xf32, #tpu.memory_space<vmem>>, %arg15: memref<80x128xf32, #tpu.memory_space<vmem>>, %arg16: memref<80x128xf32, #tpu.memory_space<vmem>>, %arg17: memref<10240x128xf32, #tpu.memory_space<vmem_shared>>, %arg18: memref<!tpu.dma_semaphore, #tpu.memory_space<semaphore_mem>>, %arg19: memref<!tpu.dma_semaphore, #tpu.memory_space<semaphore_mem>>, %arg20: memref<!tpu.dma_semaphore, #tpu.memory_space<semaphore_mem>>) attributes {dimension_semantics = [#tpu.dimension_semantics<core_parallel>, #tpu.dimension_semantics<subcore_parallel>], iteration_bounds = array<i64: 2, 16>, scalar_prefetch = 0 : i64, scratch_operands = 13 : i64, tpu.core_type = #tpu.core_type<sc_vector_subcore>, window_params = [{transform_indices = #map}, {transform_indices = #map}, {transform_indices = #map}, {transform_indices = #map1}, {transform_indices = #map1}, {transform_indices = #map}]} {
    %mul3A = arith.constant 10000 : i32
    %mul3A_0 = arith.muli %arg0, %mul3A : i32
    %mul3A_1 = arith.constant 160000 : i32
    %mul3A_2 = arith.muli %arg0, %mul3A_1 : i32
    %mul3A_3 = arith.constant 10000 : i32
    %mul3A_4 = arith.muli %arg1, %mul3A_3 : i32
    %add3A = arith.addi %mul3A_2, %mul3A_4 : i32
    %broadcast_in_dim3A = arith.constant 0.000000e+00 : f32
    %broadcast_in_dim3A_5 = vector.broadcast %broadcast_in_dim3A : f32 to vector<16xf32>
    %scan3A = arith.constant 0 : i32
    %scan3A_6 = arith.constant 0 : i32
    %scan3A_7 = arith.constant 80 : i32
    %scan3A_8 = arith.addi %scan3A_6, %scan3A_7 : i32
    %scan3A_9 = arith.constant 1 : i32
    scf.for %scan3A_41 = %scan3A_6 to %scan3A_8 step %scan3A_9  : i32 {
      %swap3A = arith.index_cast %scan3A_41 : i32 to index
      %swap3A_42 = arith.constant 0 : index
      %swap3A_43 = tpu.vector_load %arg15[%swap3A, %swap3A_42] {strides = array<i32>} : memref<80x128xf32, #tpu.memory_space<vmem>>, vector<1x16xf32>,
      %swap3A_44 = vector.shape_cast %swap3A_43 : vector<1x16xf32> to vector<16xf32>
      %swap3A_45 = vector.shape_cast %broadcast_in_dim3A_5 : vector<16xf32> to vector<1x16xf32>
      tpu.vector_store %arg15[%swap3A, %swap3A_42], %swap3A_45 {strides = array<i32>} : memref<80x128xf32, #tpu.memory_space<vmem>>, vector<1x16xf32>,
      %swap3A_46 = arith.index_cast %scan3A_41 : i32 to index
      %swap3A_47 = arith.constant 16 : index
      %swap3A_48 = tpu.vector_load %arg15[%swap3A_46, %swap3A_47] {strides = array<i32>} : memref<80x128xf32, #tpu.memory_space<vmem>>, vector<1x16xf32>,
      %swap3A_49 = vector.shape_cast %swap3A_48 : vector<1x16xf32> to vector<16xf32>
      %swap3A_50 = vector.shape_cast %broadcast_in_dim3A_5 : vector<16xf32> to vector<1x16xf32>
      tpu.vector_store %arg15[%swap3A_46, %swap3A_47], %swap3A_50 {strides = array<i32>} : memref<80x128xf32, #tpu.memory_space<vmem>>, vector<1x16xf32>,
      %swap3A_51 = arith.index_cast %scan3A_41 : i32 to index
      %swap3A_52 = arith.constant 32 : index
      %swap3A_53 = tpu.vector_load %arg15[%swap3A_51, %swap3A_52] {strides = array<i32>} : memref<80x128xf32, #tpu.memory_space<vmem>>, vector<1x16xf32>,
      %swap3A_54 = vector.shape_cast %swap3A_53 : vector<1x16xf32> to vector<16xf32>
      %swap3A_55 = vector.shape_cast %broadcast_in_dim3A_5 : vector<16xf32> to vector<1x16xf32>
      tpu.vector_store %arg15[%swap3A_51, %swap3A_52], %swap3A_55 {strides = array<i32>} : memref<80x128xf32, #tpu.memory_space<vmem>>, vector<1x16xf32>,
      %swap3A_56 = arith.index_cast %scan3A_41 : i32 to index
      %swap3A_57 = arith.constant 48 : index
      %swap3A_58 = tpu.vector_load %arg15[%swap3A_56, %swap3A_57] {strides = array<i32>} : memref<80x128xf32, #tpu.memory_space<vmem>>, vector<1x16xf32>,
      %swap3A_59 = vector.shape_cast %swap3A_58 : vector<1x16xf32> to vector<16xf32>
      %swap3A_60 = vector.shape_cast %broadcast_in_dim3A_5 : vector<16xf32> to vector<1x16xf32>
      tpu.vector_store %arg15[%swap3A_56, %swap3A_57], %swap3A_60 {strides = array<i32>} : memref<80x128xf32, #tpu.memory_space<vmem>>, vector<1x16xf32>,
      %swap3A_61 = arith.index_cast %scan3A_41 : i32 to index
      %swap3A_62 = arith.constant 64 : index
      %swap3A_63 = tpu.vector_load %arg15[%swap3A_61, %swap3A_62] {strides = array<i32>} : memref<80x128xf32, #tpu.memory_space<vmem>>, vector<1x16xf32>,
      %swap3A_64 = vector.shape_cast %swap3A_63 : vector<1x16xf32> to vector<16xf32>
      %swap3A_65 = vector.shape_cast %broadcast_in_dim3A_5 : vector<16xf32> to vector<1x16xf32>
      tpu.vector_store %arg15[%swap3A_61, %swap3A_62], %swap3A_65 {strides = array<i32>} : memref<80x128xf32, #tpu.memory_space<vmem>>, vector<1x16xf32>,
      %swap3A_66 = arith.index_cast %scan3A_41 : i32 to index
      %swap3A_67 = arith.constant 80 : index
      %swap3A_68 = tpu.vector_load %arg15[%swap3A_66, %swap3A_67] {strides = array<i32>} : memref<80x128xf32, #tpu.memory_space<vmem>>, vector<1x16xf32>,
      %swap3A_69 = vector.shape_cast %swap3A_68 : vector<1x16xf32> to vector<16xf32>
      %swap3A_70 = vector.shape_cast %broadcast_in_dim3A_5 : vector<16xf32> to vector<1x16xf32>
      tpu.vector_store %arg15[%swap3A_66, %swap3A_67], %swap3A_70 {strides = array<i32>} : memref<80x128xf32, #tpu.memory_space<vmem>>, vector<1x16xf32>,
      %swap3A_71 = arith.index_cast %scan3A_41 : i32 to index
      %swap3A_72 = arith.constant 96 : index
      %swap3A_73 = tpu.vector_load %arg15[%swap3A_71, %swap3A_72] {strides = array<i32>} : memref<80x128xf32, #tpu.memory_space<vmem>>, vector<1x16xf32>,
      %swap3A_74 = vector.shape_cast %swap3A_73 : vector<1x16xf32> to vector<16xf32>
      %swap3A_75 = vector.shape_cast %broadcast_in_dim3A_5 : vector<16xf32> to vector<1x16xf32>
      tpu.vector_store %arg15[%swap3A_71, %swap3A_72], %swap3A_75 {strides = array<i32>} : memref<80x128xf32, #tpu.memory_space<vmem>>, vector<1x16xf32>,
      %swap3A_76 = arith.index_cast %scan3A_41 : i32 to index
      %swap3A_77 = arith.constant 112 : index
      %swap3A_78 = tpu.vector_load %arg15[%swap3A_76, %swap3A_77] {strides = array<i32>} : memref<80x128xf32, #tpu.memory_space<vmem>>, vector<1x16xf32>,
      %swap3A_79 = vector.shape_cast %swap3A_78 : vector<1x16xf32> to vector<16xf32>
      %swap3A_80 = vector.shape_cast %broadcast_in_dim3A_5 : vector<16xf32> to vector<1x16xf32>
      tpu.vector_store %arg15[%swap3A_76, %swap3A_77], %swap3A_80 {strides = array<i32>} : memref<80x128xf32, #tpu.memory_space<vmem>>, vector<1x16xf32>,
    }
    %scan3A_10 = arith.constant 80 : i32
    %mul3A_11 = arith.constant 640 : i32
    %mul3A_12 = arith.muli %arg1, %mul3A_11 : i32
    %add3A_13 = arith.constant 0 : i32
    %add3A_14 = arith.addi %mul3A_12, %add3A_13 : i32
    "tpu.region"() ({
      %run_scoped3A = tpu.sem_alloc : memref<!tpu.dma_semaphore, #tpu.memory_space<semaphore_mem>>
      %dma_start3A = arith.constant 0 : i32
      %dma_start3A_41 = arith.constant 0 : i32
      %dma_start3A_42 = tpu.memref_slice %arg15[%dma_start3A, %dma_start3A_41] : memref<80x128xf32, #tpu.memory_space<vmem>> -> memref<80x128xf32, #tpu.memory_space<vmem>>
      %dma_start3A_43 = arith.constant 0 : i32
      %dma_start3A_44 = tpu.memref_slice %arg17[%add3A_14, %dma_start3A_43] : memref<10240x128xf32, #tpu.memory_space<vmem_shared>> -> memref<80x128xf32, #tpu.memory_space<vmem_shared>>
      %dma_start3A_45 = arith.constant 0 : i32
      %dma_start3A_46 = tpu.memref_slice %arg17[%add3A_14, %dma_start3A_45] : memref<10240x128xf32, #tpu.memory_space<vmem_shared>> -> memref<80x128xf32, #tpu.memory_space<vmem_shared>>
      %dma_start3A_47 = arith.constant 0 : i32
      %dma_start3A_48 = arith.constant 0 : i32
      %dma_start3A_49 = tpu.memref_slice %arg15[%dma_start3A_47, %dma_start3A_48] : memref<80x128xf32, #tpu.memory_space<vmem>> -> memref<80x128xf32, #tpu.memory_space<vmem>>
      tpu.enqueue_dma source(%dma_start3A_49 : memref<80x128xf32, #tpu.memory_space<vmem>>) target(%dma_start3A_46 : memref<80x128xf32, #tpu.memory_space<vmem_shared>>) target_semaphore(%run_scoped3A : memref<!tpu.dma_semaphore, #tpu.memory_space<semaphore_mem>>)
      %dma_wait3A_50 = arith.constant 0 : i32
      %dma_wait3A_51 = arith.constant 0 : i32
      %dma_wait3A_52 = tpu.memref_slice %arg15[%dma_wait3A_50, %dma_wait3A_51] : memref<80x128xf32, #tpu.memory_space<vmem>> -> memref<80x128xf32, #tpu.memory_space<vmem>>
      %dma_wait3A_53 = arith.constant 0 : i32
      %dma_wait3A_54 = tpu.memref_slice %arg17[%add3A_14, %dma_wait3A_53] : memref<10240x128xf32, #tpu.memory_space<vmem_shared>> -> memref<80x128xf32, #tpu.memory_space<vmem_shared>>
      %dma_wait3A_55 = arith.constant 0 : i32
      %dma_wait3A_56 = tpu.memref_slice %arg17[%add3A_14, %dma_wait3A_55] : memref<10240x128xf32, #tpu.memory_space<vmem_shared>> -> memref<80x128xf32, #tpu.memory_space<vmem_shared>>
      %dma_wait3A_57 = arith.constant 0 : i32
      %dma_wait3A_58 = arith.constant 0 : i32
      %dma_wait3A_59 = tpu.memref_slice %arg15[%dma_wait3A_57, %dma_wait3A_58] : memref<80x128xf32, #tpu.memory_space<vmem>> -> memref<80x128xf32, #tpu.memory_space<vmem>>
      tpu.wait_dma2 semaphore(%run_scoped3A : memref<!tpu.dma_semaphore, #tpu.memory_space<semaphore_mem>>) src(%dma_wait3A_59 : memref<80x128xf32, #tpu.memory_space<vmem>>) dst(%dma_wait3A_56 : memref<80x128xf32, #tpu.memory_space<vmem_shared>>)
      tpu.yield
    }) : () -> ()
    %add3A_15 = arith.constant 80 : i32
    %add3A_16 = arith.addi %mul3A_12, %add3A_15 : i32
    "tpu.region"() ({
      %run_scoped3A = tpu.sem_alloc : memref<!tpu.dma_semaphore, #tpu.memory_space<semaphore_mem>>
      %dma_start3A = arith.constant 0 : i32
      %dma_start3A_41 = arith.constant 0 : i32
      %dma_start3A_42 = tpu.memref_slice %arg15[%dma_start3A, %dma_start3A_41] : memref<80x128xf32, #tpu.memory_space<vmem>> -> memref<80x128xf32, #tpu.memory_space<vmem>>
      %dma_start3A_43 = arith.constant 0 : i32
      %dma_start3A_44 = tpu.memref_slice %arg17[%add3A_16, %dma_start3A_43] : memref<10240x128xf32, #tpu.memory_space<vmem_shared>> -> memref<80x128xf32, #tpu.memory_space<vmem_shared>>
      %dma_start3A_45 = arith.constant 0 : i32
      %dma_start3A_46 = tpu.memref_slice %arg17[%add3A_16, %dma_start3A_45] : memref<10240x128xf32, #tpu.memory_space<vmem_shared>> -> memref<80x128xf32, #tpu.memory_space<vmem_shared>>
      %dma_start3A_47 = arith.constant 0 : i32
      %dma_start3A_48 = arith.constant 0 : i32
      %dma_start3A_49 = tpu.memref_slice %arg15[%dma_start3A_47, %dma_start3A_48] : memref<80x128xf32, #tpu.memory_space<vmem>> -> memref<80x128xf32, #tpu.memory_space<vmem>>
      tpu.enqueue_dma source(%dma_start3A_49 : memref<80x128xf32, #tpu.memory_space<vmem>>) target(%dma_start3A_46 : memref<80x128xf32, #tpu.memory_space<vmem_shared>>) target_semaphore(%run_scoped3A : memref<!tpu.dma_semaphore, #tpu.memory_space<semaphore_mem>>)
      %dma_wait3A_50 = arith.constant 0 : i32
      %dma_wait3A_51 = arith.constant 0 : i32
      %dma_wait3A_52 = tpu.memref_slice %arg15[%dma_wait3A_50, %dma_wait3A_51] : memref<80x128xf32, #tpu.memory_space<vmem>> -> memref<80x128xf32, #tpu.memory_space<vmem>>
      %dma_wait3A_53 = arith.constant 0 : i32
      %dma_wait3A_54 = tpu.memref_slice %arg17[%add3A_16, %dma_wait3A_53] : memref<10240x128xf32, #tpu.memory_space<vmem_shared>> -> memref<80x128xf32, #tpu.memory_space<vmem_shared>>
      %dma_wait3A_55 = arith.constant 0 : i32
      %dma_wait3A_56 = tpu.memref_slice %arg17[%add3A_16, %dma_wait3A_55] : memref<10240x128xf32, #tpu.memory_space<vmem_shared>> -> memref<80x128xf32, #tpu.memory_space<vmem_shared>>
      %dma_wait3A_57 = arith.constant 0 : i32
      %dma_wait3A_58 = arith.constant 0 : i32
      %dma_wait3A_59 = tpu.memref_slice %arg15[%dma_wait3A_57, %dma_wait3A_58] : memref<80x128xf32, #tpu.memory_space<vmem>> -> memref<80x128xf32, #tpu.memory_space<vmem>>
      tpu.wait_dma2 semaphore(%run_scoped3A : memref<!tpu.dma_semaphore, #tpu.memory_space<semaphore_mem>>) src(%dma_wait3A_59 : memref<80x128xf32, #tpu.memory_space<vmem>>) dst(%dma_wait3A_56 : memref<80x128xf32, #tpu.memory_space<vmem_shared>>)
      tpu.yield
    }) : () -> ()
    %add3A_17 = arith.constant 160 : i32
    %add3A_18 = arith.addi %mul3A_12, %add3A_17 : i32
    "tpu.region"() ({
      %run_scoped3A = tpu.sem_alloc : memref<!tpu.dma_semaphore, #tpu.memory_space<semaphore_mem>>
      %dma_start3A = arith.constant 0 : i32
      %dma_start3A_41 = arith.constant 0 : i32
      %dma_start3A_42 = tpu.memref_slice %arg15[%dma_start3A, %dma_start3A_41] : memref<80x128xf32, #tpu.memory_space<vmem>> -> memref<80x128xf32, #tpu.memory_space<vmem>>
      %dma_start3A_43 = arith.constant 0 : i32
      %dma_start3A_44 = tpu.memref_slice %arg17[%add3A_18, %dma_start3A_43] : memref<10240x128xf32, #tpu.memory_space<vmem_shared>> -> memref<80x128xf32, #tpu.memory_space<vmem_shared>>
      %dma_start3A_45 = arith.constant 0 : i32
      %dma_start3A_46 = tpu.memref_slice %arg17[%add3A_18, %dma_start3A_45] : memref<10240x128xf32, #tpu.memory_space<vmem_shared>> -> memref<80x128xf32, #tpu.memory_space<vmem_shared>>
      %dma_start3A_47 = arith.constant 0 : i32
      %dma_start3A_48 = arith.constant 0 : i32
      %dma_start3A_49 = tpu.memref_slice %arg15[%dma_start3A_47, %dma_start3A_48] : memref<80x128xf32, #tpu.memory_space<vmem>> -> memref<80x128xf32, #tpu.memory_space<vmem>>
      tpu.enqueue_dma source(%dma_start3A_49 : memref<80x128xf32, #tpu.memory_space<vmem>>) target(%dma_start3A_46 : memref<80x128xf32, #tpu.memory_space<vmem_shared>>) target_semaphore(%run_scoped3A : memref<!tpu.dma_semaphore, #tpu.memory_space<semaphore_mem>>)
      %dma_wait3A_50 = arith.constant 0 : i32
      %dma_wait3A_51 = arith.constant 0 : i32
      %dma_wait3A_52 = tpu.memref_slice %arg15[%dma_wait3A_50, %dma_wait3A_51] : memref<80x128xf32, #tpu.memory_space<vmem>> -> memref<80x128xf32, #tpu.memory_space<vmem>>
      %dma_wait3A_53 = arith.constant 0 : i32
      %dma_wait3A_54 = tpu.memref_slice %arg17[%add3A_18, %dma_wait3A_53] : memref<10240x128xf32, #tpu.memory_space<vmem_shared>> -> memref<80x128xf32, #tpu.memory_space<vmem_shared>>
      %dma_wait3A_55 = arith.constant 0 : i32
      %dma_wait3A_56 = tpu.memref_slice %arg17[%add3A_18, %dma_wait3A_55] : memref<10240x128xf32, #tpu.memory_space<vmem_shared>> -> memref<80x128xf32, #tpu.memory_space<vmem_shared>>
      %dma_wait3A_57 = arith.constant 0 : i32
      %dma_wait3A_58 = arith.constant 0 : i32
      %dma_wait3A_59 = tpu.memref_slice %arg15[%dma_wait3A_57, %dma_wait3A_58] : memref<80x128xf32, #tpu.memory_space<vmem>> -> memref<80x128xf32, #tpu.memory_space<vmem>>
      tpu.wait_dma2 semaphore(%run_scoped3A : memref<!tpu.dma_semaphore, #tpu.memory_space<semaphore_mem>>) src(%dma_wait3A_59 : memref<80x128xf32, #tpu.memory_space<vmem>>) dst(%dma_wait3A_56 : memref<80x128xf32, #tpu.memory_space<vmem_shared>>)
      tpu.yield
    }) : () -> ()
    %add3A_19 = arith.constant 240 : i32
    %add3A_20 = arith.addi %mul3A_12, %add3A_19 : i32
    "tpu.region"() ({
      %run_scoped3A = tpu.sem_alloc : memref<!tpu.dma_semaphore, #tpu.memory_space<semaphore_mem>>
      %dma_start3A = arith.constant 0 : i32
      %dma_start3A_41 = arith.constant 0 : i32
      %dma_start3A_42 = tpu.memref_slice %arg15[%dma_start3A, %dma_start3A_41] : memref<80x128xf32, #tpu.memory_space<vmem>> -> memref<80x128xf32, #tpu.memory_space<vmem>>
      %dma_start3A_43 = arith.constant 0 : i32
      %dma_start3A_44 = tpu.memref_slice %arg17[%add3A_20, %dma_start3A_43] : memref<10240x128xf32, #tpu.memory_space<vmem_shared>> -> memref<80x128xf32, #tpu.memory_space<vmem_shared>>
      %dma_start3A_45 = arith.constant 0 : i32
      %dma_start3A_46 = tpu.memref_slice %arg17[%add3A_20, %dma_start3A_45] : memref<10240x128xf32, #tpu.memory_space<vmem_shared>> -> memref<80x128xf32, #tpu.memory_space<vmem_shared>>
      %dma_start3A_47 = arith.constant 0 : i32
      %dma_start3A_48 = arith.constant 0 : i32
      %dma_start3A_49 = tpu.memref_slice %arg15[%dma_start3A_47, %dma_start3A_48] : memref<80x128xf32, #tpu.memory_space<vmem>> -> memref<80x128xf32, #tpu.memory_space<vmem>>
      tpu.enqueue_dma source(%dma_start3A_49 : memref<80x128xf32, #tpu.memory_space<vmem>>) target(%dma_start3A_46 : memref<80x128xf32, #tpu.memory_space<vmem_shared>>) target_semaphore(%run_scoped3A : memref<!tpu.dma_semaphore, #tpu.memory_space<semaphore_mem>>)
      %dma_wait3A_50 = arith.constant 0 : i32
      %dma_wait3A_51 = arith.constant 0 : i32
      %dma_wait3A_52 = tpu.memref_slice %arg15[%dma_wait3A_50, %dma_wait3A_51] : memref<80x128xf32, #tpu.memory_space<vmem>> -> memref<80x128xf32, #tpu.memory_space<vmem>>
      %dma_wait3A_53 = arith.constant 0 : i32
      %dma_wait3A_54 = tpu.memref_slice %arg17[%add3A_20, %dma_wait3A_53] : memref<10240x128xf32, #tpu.memory_space<vmem_shared>> -> memref<80x128xf32, #tpu.memory_space<vmem_shared>>
      %dma_wait3A_55 = arith.constant 0 : i32
      %dma_wait3A_56 = tpu.memref_slice %arg17[%add3A_20, %dma_wait3A_55] : memref<10240x128xf32, #tpu.memory_space<vmem_shared>> -> memref<80x128xf32, #tpu.memory_space<vmem_shared>>
      %dma_wait3A_57 = arith.constant 0 : i32
      %dma_wait3A_58 = arith.constant 0 : i32
      %dma_wait3A_59 = tpu.memref_slice %arg15[%dma_wait3A_57, %dma_wait3A_58] : memref<80x128xf32, #tpu.memory_space<vmem>> -> memref<80x128xf32, #tpu.memory_space<vmem>>
      tpu.wait_dma2 semaphore(%run_scoped3A : memref<!tpu.dma_semaphore, #tpu.memory_space<semaphore_mem>>) src(%dma_wait3A_59 : memref<80x128xf32, #tpu.memory_space<vmem>>) dst(%dma_wait3A_56 : memref<80x128xf32, #tpu.memory_space<vmem_shared>>)
      tpu.yield
    }) : () -> ()
    %add3A_21 = arith.constant 320 : i32
    %add3A_22 = arith.addi %mul3A_12, %add3A_21 : i32
    "tpu.region"() ({
      %run_scoped3A = tpu.sem_alloc : memref<!tpu.dma_semaphore, #tpu.memory_space<semaphore_mem>>
      %dma_start3A = arith.constant 0 : i32
      %dma_start3A_41 = arith.constant 0 : i32
      %dma_start3A_42 = tpu.memref_slice %arg15[%dma_start3A, %dma_start3A_41] : memref<80x128xf32, #tpu.memory_space<vmem>> -> memref<80x128xf32, #tpu.memory_space<vmem>>
      %dma_start3A_43 = arith.constant 0 : i32
      %dma_start3A_44 = tpu.memref_slice %arg17[%add3A_22, %dma_start3A_43] : memref<10240x128xf32, #tpu.memory_space<vmem_shared>> -> memref<80x128xf32, #tpu.memory_space<vmem_shared>>
      %dma_start3A_45 = arith.constant 0 : i32
      %dma_start3A_46 = tpu.memref_slice %arg17[%add3A_22, %dma_start3A_45] : memref<10240x128xf32, #tpu.memory_space<vmem_shared>> -> memref<80x128xf32, #tpu.memory_space<vmem_shared>>
      %dma_start3A_47 = arith.constant 0 : i32
      %dma_start3A_48 = arith.constant 0 : i32
      %dma_start3A_49 = tpu.memref_slice %arg15[%dma_start3A_47, %dma_start3A_48] : memref<80x128xf32, #tpu.memory_space<vmem>> -> memref<80x128xf32, #tpu.memory_space<vmem>>
      tpu.enqueue_dma source(%dma_start3A_49 : memref<80x128xf32, #tpu.memory_space<vmem>>) target(%dma_start3A_46 : memref<80x128xf32, #tpu.memory_space<vmem_shared>>) target_semaphore(%run_scoped3A : memref<!tpu.dma_semaphore, #tpu.memory_space<semaphore_mem>>)
      %dma_wait3A_50 = arith.constant 0 : i32
      %dma_wait3A_51 = arith.constant 0 : i32
      %dma_wait3A_52 = tpu.memref_slice %arg15[%dma_wait3A_50, %dma_wait3A_51] : memref<80x128xf32, #tpu.memory_space<vmem>> -> memref<80x128xf32, #tpu.memory_space<vmem>>
      %dma_wait3A_53 = arith.constant 0 : i32
      %dma_wait3A_54 = tpu.memref_slice %arg17[%add3A_22, %dma_wait3A_53] : memref<10240x128xf32, #tpu.memory_space<vmem_shared>> -> memref<80x128xf32, #tpu.memory_space<vmem_shared>>
      %dma_wait3A_55 = arith.constant 0 : i32
      %dma_wait3A_56 = tpu.memref_slice %arg17[%add3A_22, %dma_wait3A_55] : memref<10240x128xf32, #tpu.memory_space<vmem_shared>> -> memref<80x128xf32, #tpu.memory_space<vmem_shared>>
      %dma_wait3A_57 = arith.constant 0 : i32
      %dma_wait3A_58 = arith.constant 0 : i32
      %dma_wait3A_59 = tpu.memref_slice %arg15[%dma_wait3A_57, %dma_wait3A_58] : memref<80x128xf32, #tpu.memory_space<vmem>> -> memref<80x128xf32, #tpu.memory_space<vmem>>
      tpu.wait_dma2 semaphore(%run_scoped3A : memref<!tpu.dma_semaphore, #tpu.memory_space<semaphore_mem>>) src(%dma_wait3A_59 : memref<80x128xf32, #tpu.memory_space<vmem>>) dst(%dma_wait3A_56 : memref<80x128xf32, #tpu.memory_space<vmem_shared>>)
      tpu.yield
    }) : () -> ()
    %add3A_23 = arith.constant 400 : i32
    %add3A_24 = arith.addi %mul3A_12, %add3A_23 : i32
    "tpu.region"() ({
      %run_scoped3A = tpu.sem_alloc : memref<!tpu.dma_semaphore, #tpu.memory_space<semaphore_mem>>
      %dma_start3A = arith.constant 0 : i32
      %dma_start3A_41 = arith.constant 0 : i32
      %dma_start3A_42 = tpu.memref_slice %arg15[%dma_start3A, %dma_start3A_41] : memref<80x128xf32, #tpu.memory_space<vmem>> -> memref<80x128xf32, #tpu.memory_space<vmem>>
      %dma_start3A_43 = arith.constant 0 : i32
      %dma_start3A_44 = tpu.memref_slice %arg17[%add3A_24, %dma_start3A_43] : memref<10240x128xf32, #tpu.memory_space<vmem_shared>> -> memref<80x128xf32, #tpu.memory_space<vmem_shared>>
      %dma_start3A_45 = arith.constant 0 : i32
      %dma_start3A_46 = tpu.memref_slice %arg17[%add3A_24, %dma_start3A_45] : memref<10240x128xf32, #tpu.memory_space<vmem_shared>> -> memref<80x128xf32, #tpu.memory_space<vmem_shared>>
      %dma_start3A_47 = arith.constant 0 : i32
      %dma_start3A_48 = arith.constant 0 : i32
      %dma_start3A_49 = tpu.memref_slice %arg15[%dma_start3A_47, %dma_start3A_48] : memref<80x128xf32, #tpu.memory_space<vmem>> -> memref<80x128xf32, #tpu.memory_space<vmem>>
      tpu.enqueue_dma source(%dma_start3A_49 : memref<80x128xf32, #tpu.memory_space<vmem>>) target(%dma_start3A_46 : memref<80x128xf32, #tpu.memory_space<vmem_shared>>) target_semaphore(%run_scoped3A : memref<!tpu.dma_semaphore, #tpu.memory_space<semaphore_mem>>)
      %dma_wait3A_50 = arith.constant 0 : i32
      %dma_wait3A_51 = arith.constant 0 : i32
      %dma_wait3A_52 = tpu.memref_slice %arg15[%dma_wait3A_50, %dma_wait3A_51] : memref<80x128xf32, #tpu.memory_space<vmem>> -> memref<80x128xf32, #tpu.memory_space<vmem>>
      %dma_wait3A_53 = arith.constant 0 : i32
      %dma_wait3A_54 = tpu.memref_slice %arg17[%add3A_24, %dma_wait3A_53] : memref<10240x128xf32, #tpu.memory_space<vmem_shared>> -> memref<80x128xf32, #tpu.memory_space<vmem_shared>>
      %dma_wait3A_55 = arith.constant 0 : i32
      %dma_wait3A_56 = tpu.memref_slice %arg17[%add3A_24, %dma_wait3A_55] : memref<10240x128xf32, #tpu.memory_space<vmem_shared>> -> memref<80x128xf32, #tpu.memory_space<vmem_shared>>
      %dma_wait3A_57 = arith.constant 0 : i32
      %dma_wait3A_58 = arith.constant 0 : i32
      %dma_wait3A_59 = tpu.memref_slice %arg15[%dma_wait3A_57, %dma_wait3A_58] : memref<80x128xf32, #tpu.memory_space<vmem>> -> memref<80x128xf32, #tpu.memory_space<vmem>>
      tpu.wait_dma2 semaphore(%run_scoped3A : memref<!tpu.dma_semaphore, #tpu.memory_space<semaphore_mem>>) src(%dma_wait3A_59 : memref<80x128xf32, #tpu.memory_space<vmem>>) dst(%dma_wait3A_56 : memref<80x128xf32, #tpu.memory_space<vmem_shared>>)
      tpu.yield
    }) : () -> ()
    %add3A_25 = arith.constant 480 : i32
    %add3A_26 = arith.addi %mul3A_12, %add3A_25 : i32
    "tpu.region"() ({
      %run_scoped3A = tpu.sem_alloc : memref<!tpu.dma_semaphore, #tpu.memory_space<semaphore_mem>>
      %dma_start3A = arith.constant 0 : i32
      %dma_start3A_41 = arith.constant 0 : i32
      %dma_start3A_42 = tpu.memref_slice %arg15[%dma_start3A, %dma_start3A_41] : memref<80x128xf32, #tpu.memory_space<vmem>> -> memref<80x128xf32, #tpu.memory_space<vmem>>
      %dma_start3A_43 = arith.constant 0 : i32
      %dma_start3A_44 = tpu.memref_slice %arg17[%add3A_26, %dma_start3A_43] : memref<10240x128xf32, #tpu.memory_space<vmem_shared>> -> memref<80x128xf32, #tpu.memory_space<vmem_shared>>
      %dma_start3A_45 = arith.constant 0 : i32
      %dma_start3A_46 = tpu.memref_slice %arg17[%add3A_26, %dma_start3A_45] : memref<10240x128xf32, #tpu.memory_space<vmem_shared>> -> memref<80x128xf32, #tpu.memory_space<vmem_shared>>
      %dma_start3A_47 = arith.constant 0 : i32
      %dma_start3A_48 = arith.constant 0 : i32
      %dma_start3A_49 = tpu.memref_slice %arg15[%dma_start3A_47, %dma_start3A_48] : memref<80x128xf32, #tpu.memory_space<vmem>> -> memref<80x128xf32, #tpu.memory_space<vmem>>
      tpu.enqueue_dma source(%dma_start3A_49 : memref<80x128xf32, #tpu.memory_space<vmem>>) target(%dma_start3A_46 : memref<80x128xf32, #tpu.memory_space<vmem_shared>>) target_semaphore(%run_scoped3A : memref<!tpu.dma_semaphore, #tpu.memory_space<semaphore_mem>>)
      %dma_wait3A_50 = arith.constant 0 : i32
      %dma_wait3A_51 = arith.constant 0 : i32
      %dma_wait3A_52 = tpu.memref_slice %arg15[%dma_wait3A_50, %dma_wait3A_51] : memref<80x128xf32, #tpu.memory_space<vmem>> -> memref<80x128xf32, #tpu.memory_space<vmem>>
      %dma_wait3A_53 = arith.constant 0 : i32
      %dma_wait3A_54 = tpu.memref_slice %arg17[%add3A_26, %dma_wait3A_53] : memref<10240x128xf32, #tpu.memory_space<vmem_shared>> -> memref<80x128xf32, #tpu.memory_space<vmem_shared>>
      %dma_wait3A_55 = arith.constant 0 : i32
      %dma_wait3A_56 = tpu.memref_slice %arg17[%add3A_26, %dma_wait3A_55] : memref<10240x128xf32, #tpu.memory_space<vmem_shared>> -> memref<80x128xf32, #tpu.memory_space<vmem_shared>>
      %dma_wait3A_57 = arith.constant 0 : i32
      %dma_wait3A_58 = arith.constant 0 : i32
      %dma_wait3A_59 = tpu.memref_slice %arg15[%dma_wait3A_57, %dma_wait3A_58] : memref<80x128xf32, #tpu.memory_space<vmem>> -> memref<80x128xf32, #tpu.memory_space<vmem>>
      tpu.wait_dma2 semaphore(%run_scoped3A : memref<!tpu.dma_semaphore, #tpu.memory_space<semaphore_mem>>) src(%dma_wait3A_59 : memref<80x128xf32, #tpu.memory_space<vmem>>) dst(%dma_wait3A_56 : memref<80x128xf32, #tpu.memory_space<vmem_shared>>)
      tpu.yield
    }) : () -> ()
    %add3A_27 = arith.constant 560 : i32
    %add3A_28 = arith.addi %mul3A_12, %add3A_27 : i32
    "tpu.region"() ({
      %run_scoped3A = tpu.sem_alloc : memref<!tpu.dma_semaphore, #tpu.memory_space<semaphore_mem>>
      %dma_start3A = arith.constant 0 : i32
      %dma_start3A_41 = arith.constant 0 : i32
      %dma_start3A_42 = tpu.memref_slice %arg15[%dma_start3A, %dma_start3A_41] : memref<80x128xf32, #tpu.memory_space<vmem>> -> memref<80x128xf32, #tpu.memory_space<vmem>>
      %dma_start3A_43 = arith.constant 0 : i32
      %dma_start3A_44 = tpu.memref_slice %arg17[%add3A_28, %dma_start3A_43] : memref<10240x128xf32, #tpu.memory_space<vmem_shared>> -> memref<80x128xf32, #tpu.memory_space<vmem_shared>>
      %dma_start3A_45 = arith.constant 0 : i32
      %dma_start3A_46 = tpu.memref_slice %arg17[%add3A_28, %dma_start3A_45] : memref<10240x128xf32, #tpu.memory_space<vmem_shared>> -> memref<80x128xf32, #tpu.memory_space<vmem_shared>>
      %dma_start3A_47 = arith.constant 0 : i32
      %dma_start3A_48 = arith.constant 0 : i32
      %dma_start3A_49 = tpu.memref_slice %arg15[%dma_start3A_47, %dma_start3A_48] : memref<80x128xf32, #tpu.memory_space<vmem>> -> memref<80x128xf32, #tpu.memory_space<vmem>>
      tpu.enqueue_dma source(%dma_start3A_49 : memref<80x128xf32, #tpu.memory_space<vmem>>) target(%dma_start3A_46 : memref<80x128xf32, #tpu.memory_space<vmem_shared>>) target_semaphore(%run_scoped3A : memref<!tpu.dma_semaphore, #tpu.memory_space<semaphore_mem>>)
      %dma_wait3A_50 = arith.constant 0 : i32
      %dma_wait3A_51 = arith.constant 0 : i32
      %dma_wait3A_52 = tpu.memref_slice %arg15[%dma_wait3A_50, %dma_wait3A_51] : memref<80x128xf32, #tpu.memory_space<vmem>> -> memref<80x128xf32, #tpu.memory_space<vmem>>
      %dma_wait3A_53 = arith.constant 0 : i32
      %dma_wait3A_54 = tpu.memref_slice %arg17[%add3A_28, %dma_wait3A_53] : memref<10240x128xf32, #tpu.memory_space<vmem_shared>> -> memref<80x128xf32, #tpu.memory_space<vmem_shared>>
      %dma_wait3A_55 = arith.constant 0 : i32
      %dma_wait3A_56 = tpu.memref_slice %arg17[%add3A_28, %dma_wait3A_55] : memref<10240x128xf32, #tpu.memory_space<vmem_shared>> -> memref<80x128xf32, #tpu.memory_space<vmem_shared>>
      %dma_wait3A_57 = arith.constant 0 : i32
      %dma_wait3A_58 = arith.constant 0 : i32
      %dma_wait3A_59 = tpu.memref_slice %arg15[%dma_wait3A_57, %dma_wait3A_58] : memref<80x128xf32, #tpu.memory_space<vmem>> -> memref<80x128xf32, #tpu.memory_space<vmem>>
      tpu.wait_dma2 semaphore(%run_scoped3A : memref<!tpu.dma_semaphore, #tpu.memory_space<semaphore_mem>>) src(%dma_wait3A_59 : memref<80x128xf32, #tpu.memory_space<vmem>>) dst(%dma_wait3A_56 : memref<80x128xf32, #tpu.memory_space<vmem_shared>>)
      tpu.yield
    }) : () -> ()
    %barrier3A = arith.constant 0 : index
    tpu.barrier barrier_id(%barrier3A)
    %scan3A_29 = arith.constant 0 : i32
    %scan3A_30 = arith.constant 0 : i32
    %scan3A_31 = arith.constant 125 : i32
    %scan3A_32 = arith.addi %scan3A_30, %scan3A_31 : i32
    %scan3A_33 = arith.constant 1 : i32
    scf.for %scan3A_41 = %scan3A_30 to %scan3A_32 step %scan3A_33  : i32 {
      %mul3A_42 = arith.constant 80 : i32
      %mul3A_43 = arith.muli %scan3A_41, %mul3A_42 : i32
      %add3A_44 = arith.addi %add3A, %mul3A_43 : i32
      %dma_start3A = tpu.memref_slice %arg5[%add3A_44] : memref<320000xi32, #tpu.memory_space<hbm>> -> memref<80xi32, #tpu.memory_space<hbm>>
      %dma_start3A_45 = tpu.memref_slice %arg5[%add3A_44] : memref<320000xi32, #tpu.memory_space<hbm>> -> memref<80xi32, #tpu.memory_space<hbm>>
      tpu.enqueue_dma source(%dma_start3A_45 : memref<80xi32, #tpu.memory_space<hbm>>) target(%arg8 : memref<80xi32, #tpu.memory_space<vmem>>) target_semaphore(%arg20 : memref<!tpu.dma_semaphore, #tpu.memory_space<semaphore_mem>>)
      %dma_start3A_46 = tpu.memref_slice %arg6[%add3A_44] : memref<320000xi32, #tpu.memory_space<hbm>> -> memref<80xi32, #tpu.memory_space<hbm>>
      %dma_start3A_47 = tpu.memref_slice %arg6[%add3A_44] : memref<320000xi32, #tpu.memory_space<hbm>> -> memref<80xi32, #tpu.memory_space<hbm>>
      tpu.enqueue_dma source(%dma_start3A_47 : memref<80xi32, #tpu.memory_space<hbm>>) target(%arg9 : memref<80xi32, #tpu.memory_space<vmem>>) target_semaphore(%arg20 : memref<!tpu.dma_semaphore, #tpu.memory_space<semaphore_mem>>)
      %dma_wait3A_48 = tpu.memref_slice %arg5[%add3A_44] : memref<320000xi32, #tpu.memory_space<hbm>> -> memref<80xi32, #tpu.memory_space<hbm>>
      %dma_wait3A_49 = tpu.memref_slice %arg5[%add3A_44] : memref<320000xi32, #tpu.memory_space<hbm>> -> memref<80xi32, #tpu.memory_space<hbm>>
      tpu.wait_dma2 semaphore(%arg20 : memref<!tpu.dma_semaphore, #tpu.memory_space<semaphore_mem>>) src(%dma_wait3A_49 : memref<80xi32, #tpu.memory_space<hbm>>) dst(%arg8 : memref<80xi32, #tpu.memory_space<vmem>>)
      %dma_wait3A_50 = tpu.memref_slice %arg6[%add3A_44] : memref<320000xi32, #tpu.memory_space<hbm>> -> memref<80xi32, #tpu.memory_space<hbm>>
      %dma_wait3A_51 = tpu.memref_slice %arg6[%add3A_44] : memref<320000xi32, #tpu.memory_space<hbm>> -> memref<80xi32, #tpu.memory_space<hbm>>
      tpu.wait_dma2 semaphore(%arg20 : memref<!tpu.dma_semaphore, #tpu.memory_space<semaphore_mem>>) src(%dma_wait3A_51 : memref<80xi32, #tpu.memory_space<hbm>>) dst(%arg9 : memref<80xi32, #tpu.memory_space<vmem>>)
      %get3A = arith.constant 0 : index
      %get3A_52 = tpu.vector_load %arg8[%get3A] {strides = array<i32>} : memref<80xi32, #tpu.memory_space<vmem>>, vector<16xi32>,
      %get3A_53 = vector.shape_cast %get3A_52 : vector<16xi32> to vector<16xi32>
      %add3A_54 = vector.broadcast %mul3A_0 : i32 to vector<16xi32>
      %add3A_55 = arith.addi %get3A_53, %add3A_54 : vector<16xi32>
      %swap3A = arith.constant 0 : index
      %swap3A_56 = tpu.vector_load %arg10[%swap3A] {strides = array<i32>} : memref<80xi32, #tpu.memory_space<vmem>>, vector<16xi32>,
      %swap3A_57 = vector.shape_cast %swap3A_56 : vector<16xi32> to vector<16xi32>
      %swap3A_58 = vector.shape_cast %add3A_55 : vector<16xi32> to vector<16xi32>
      tpu.vector_store %arg10[%swap3A], %swap3A_58 {strides = array<i32>} : memref<80xi32, #tpu.memory_space<vmem>>, vector<16xi32>,
      %get3A_59 = arith.constant 0 : index
      %get3A_60 = tpu.vector_load %arg9[%get3A_59] {strides = array<i32>} : memref<80xi32, #tpu.memory_space<vmem>>, vector<16xi32>,
      %get3A_61 = vector.shape_cast %get3A_60 : vector<16xi32> to vector<16xi32>
      %add3A_62 = vector.broadcast %mul3A_0 : i32 to vector<16xi32>
      %add3A_63 = arith.addi %get3A_61, %add3A_62 : vector<16xi32>
      %swap3A_64 = arith.constant 0 : index
      %swap3A_65 = tpu.vector_load %arg11[%swap3A_64] {strides = array<i32>} : memref<80xi32, #tpu.memory_space<vmem>>, vector<16xi32>,
      %swap3A_66 = vector.shape_cast %swap3A_65 : vector<16xi32> to vector<16xi32>
      %swap3A_67 = vector.shape_cast %add3A_63 : vector<16xi32> to vector<16xi32>
      tpu.vector_store %arg11[%swap3A_64], %swap3A_67 {strides = array<i32>} : memref<80xi32, #tpu.memory_space<vmem>>, vector<16xi32>,
      %get3A_68 = arith.constant 16 : index
      %get3A_69 = tpu.vector_load %arg8[%get3A_68] {strides = array<i32>} : memref<80xi32, #tpu.memory_space<vmem>>, vector<16xi32>,
      %get3A_70 = vector.shape_cast %get3A_69 : vector<16xi32> to vector<16xi32>
      %add3A_71 = vector.broadcast %mul3A_0 : i32 to vector<16xi32>
      %add3A_72 = arith.addi %get3A_70, %add3A_71 : vector<16xi32>
      %swap3A_73 = arith.constant 16 : index
      %swap3A_74 = tpu.vector_load %arg10[%swap3A_73] {strides = array<i32>} : memref<80xi32, #tpu.memory_space<vmem>>, vector<16xi32>,
      %swap3A_75 = vector.shape_cast %swap3A_74 : vector<16xi32> to vector<16xi32>
      %swap3A_76 = vector.shape_cast %add3A_72 : vector<16xi32> to vector<16xi32>
      tpu.vector_store %arg10[%swap3A_73], %swap3A_76 {strides = array<i32>} : memref<80xi32, #tpu.memory_space<vmem>>, vector<16xi32>,
      %get3A_77 = arith.constant 16 : index
      %get3A_78 = tpu.vector_load %arg9[%get3A_77] {strides = array<i32>} : memref<80xi32, #tpu.memory_space<vmem>>, vector<16xi32>,
      %get3A_79 = vector.shape_cast %get3A_78 : vector<16xi32> to vector<16xi32>
      %add3A_80 = vector.broadcast %mul3A_0 : i32 to vector<16xi32>
      %add3A_81 = arith.addi %get3A_79, %add3A_80 : vector<16xi32>
      %swap3A_82 = arith.constant 16 : index
      %swap3A_83 = tpu.vector_load %arg11[%swap3A_82] {strides = array<i32>} : memref<80xi32, #tpu.memory_space<vmem>>, vector<16xi32>,
      %swap3A_84 = vector.shape_cast %swap3A_83 : vector<16xi32> to vector<16xi32>
      %swap3A_85 = vector.shape_cast %add3A_81 : vector<16xi32> to vector<16xi32>
      tpu.vector_store %arg11[%swap3A_82], %swap3A_85 {strides = array<i32>} : memref<80xi32, #tpu.memory_space<vmem>>, vector<16xi32>,
      %get3A_86 = arith.constant 32 : index
      %get3A_87 = tpu.vector_load %arg8[%get3A_86] {strides = array<i32>} : memref<80xi32, #tpu.memory_space<vmem>>, vector<16xi32>,
      %get3A_88 = vector.shape_cast %get3A_87 : vector<16xi32> to vector<16xi32>
      %add3A_89 = vector.broadcast %mul3A_0 : i32 to vector<16xi32>
      %add3A_90 = arith.addi %get3A_88, %add3A_89 : vector<16xi32>
      %swap3A_91 = arith.constant 32 : index
      %swap3A_92 = tpu.vector_load %arg10[%swap3A_91] {strides = array<i32>} : memref<80xi32, #tpu.memory_space<vmem>>, vector<16xi32>,
      %swap3A_93 = vector.shape_cast %swap3A_92 : vector<16xi32> to vector<16xi32>
      %swap3A_94 = vector.shape_cast %add3A_90 : vector<16xi32> to vector<16xi32>
      tpu.vector_store %arg10[%swap3A_91], %swap3A_94 {strides = array<i32>} : memref<80xi32, #tpu.memory_space<vmem>>, vector<16xi32>,
      %get3A_95 = arith.constant 32 : index
      %get3A_96 = tpu.vector_load %arg9[%get3A_95] {strides = array<i32>} : memref<80xi32, #tpu.memory_space<vmem>>, vector<16xi32>,
      %get3A_97 = vector.shape_cast %get3A_96 : vector<16xi32> to vector<16xi32>
      %add3A_98 = vector.broadcast %mul3A_0 : i32 to vector<16xi32>
      %add3A_99 = arith.addi %get3A_97, %add3A_98 : vector<16xi32>
      %swap3A_100 = arith.constant 32 : index
      %swap3A_101 = tpu.vector_load %arg11[%swap3A_100] {strides = array<i32>} : memref<80xi32, #tpu.memory_space<vmem>>, vector<16xi32>,
      %swap3A_102 = vector.shape_cast %swap3A_101 : vector<16xi32> to vector<16xi32>
      %swap3A_103 = vector.shape_cast %add3A_99 : vector<16xi32> to vector<16xi32>
      tpu.vector_store %arg11[%swap3A_100], %swap3A_103 {strides = array<i32>} : memref<80xi32, #tpu.memory_space<vmem>>, vector<16xi32>,
      %get3A_104 = arith.constant 48 : index
      %get3A_105 = tpu.vector_load %arg8[%get3A_104] {strides = array<i32>} : memref<80xi32, #tpu.memory_space<vmem>>, vector<16xi32>,
      %get3A_106 = vector.shape_cast %get3A_105 : vector<16xi32> to vector<16xi32>
      %add3A_107 = vector.broadcast %mul3A_0 : i32 to vector<16xi32>
      %add3A_108 = arith.addi %get3A_106, %add3A_107 : vector<16xi32>
      %swap3A_109 = arith.constant 48 : index
      %swap3A_110 = tpu.vector_load %arg10[%swap3A_109] {strides = array<i32>} : memref<80xi32, #tpu.memory_space<vmem>>, vector<16xi32>,
      %swap3A_111 = vector.shape_cast %swap3A_110 : vector<16xi32> to vector<16xi32>
      %swap3A_112 = vector.shape_cast %add3A_108 : vector<16xi32> to vector<16xi32>
      tpu.vector_store %arg10[%swap3A_109], %swap3A_112 {strides = array<i32>} : memref<80xi32, #tpu.memory_space<vmem>>, vector<16xi32>,
      %get3A_113 = arith.constant 48 : index
      %get3A_114 = tpu.vector_load %arg9[%get3A_113] {strides = array<i32>} : memref<80xi32, #tpu.memory_space<vmem>>, vector<16xi32>,
      %get3A_115 = vector.shape_cast %get3A_114 : vector<16xi32> to vector<16xi32>
      %add3A_116 = vector.broadcast %mul3A_0 : i32 to vector<16xi32>
      %add3A_117 = arith.addi %get3A_115, %add3A_116 : vector<16xi32>
      %swap3A_118 = arith.constant 48 : index
      %swap3A_119 = tpu.vector_load %arg11[%swap3A_118] {strides = array<i32>} : memref<80xi32, #tpu.memory_space<vmem>>, vector<16xi32>,
      %swap3A_120 = vector.shape_cast %swap3A_119 : vector<16xi32> to vector<16xi32>
      %swap3A_121 = vector.shape_cast %add3A_117 : vector<16xi32> to vector<16xi32>
      tpu.vector_store %arg11[%swap3A_118], %swap3A_121 {strides = array<i32>} : memref<80xi32, #tpu.memory_space<vmem>>, vector<16xi32>,
      %get3A_122 = arith.constant 64 : index
      %get3A_123 = tpu.vector_load %arg8[%get3A_122] {strides = array<i32>} : memref<80xi32, #tpu.memory_space<vmem>>, vector<16xi32>,
      %get3A_124 = vector.shape_cast %get3A_123 : vector<16xi32> to vector<16xi32>
      %add3A_125 = vector.broadcast %mul3A_0 : i32 to vector<16xi32>
      %add3A_126 = arith.addi %get3A_124, %add3A_125 : vector<16xi32>
      %swap3A_127 = arith.constant 64 : index
      %swap3A_128 = tpu.vector_load %arg10[%swap3A_127] {strides = array<i32>} : memref<80xi32, #tpu.memory_space<vmem>>, vector<16xi32>,
      %swap3A_129 = vector.shape_cast %swap3A_128 : vector<16xi32> to vector<16xi32>
      %swap3A_130 = vector.shape_cast %add3A_126 : vector<16xi32> to vector<16xi32>
      tpu.vector_store %arg10[%swap3A_127], %swap3A_130 {strides = array<i32>} : memref<80xi32, #tpu.memory_space<vmem>>, vector<16xi32>,
      %get3A_131 = arith.constant 64 : index
      %get3A_132 = tpu.vector_load %arg9[%get3A_131] {strides = array<i32>} : memref<80xi32, #tpu.memory_space<vmem>>, vector<16xi32>,
      %get3A_133 = vector.shape_cast %get3A_132 : vector<16xi32> to vector<16xi32>
      %add3A_134 = vector.broadcast %mul3A_0 : i32 to vector<16xi32>
      %add3A_135 = arith.addi %get3A_133, %add3A_134 : vector<16xi32>
      %swap3A_136 = arith.constant 64 : index
      %swap3A_137 = tpu.vector_load %arg11[%swap3A_136] {strides = array<i32>} : memref<80xi32, #tpu.memory_space<vmem>>, vector<16xi32>,
      %swap3A_138 = vector.shape_cast %swap3A_137 : vector<16xi32> to vector<16xi32>
      %swap3A_139 = vector.shape_cast %add3A_135 : vector<16xi32> to vector<16xi32>
      tpu.vector_store %arg11[%swap3A_136], %swap3A_139 {strides = array<i32>} : memref<80xi32, #tpu.memory_space<vmem>>, vector<16xi32>,
      %dma_start3A_140 = arith.constant 0 : i32
      %dma_start3A_141 = arith.constant 0 : i32
      %dma_start3A_142 = tpu.memref_slice %arg2[%dma_start3A_140, %dma_start3A_141] : memref<20000x128xf32, #tpu.memory_space<hbm>> -> memref<20000x128xf32, #tpu.memory_space<hbm>>
      tpu.enqueue_indirect_dma source(%dma_start3A_142 : memref<20000x128xf32, #tpu.memory_space<hbm>>) target(%arg13 : memref<80x128xf32, #tpu.memory_space<vmem>>) offsets(%arg10 : memref<80xi32, #tpu.memory_space<vmem>>) semaphore(%arg18 : memref<!tpu.dma_semaphore, #tpu.memory_space<semaphore_mem>>)
      %dma_start3A_143 = arith.constant 0 : i32
      %dma_start3A_144 = arith.constant 0 : i32
      %dma_start3A_145 = tpu.memref_slice %arg3[%dma_start3A_143, %dma_start3A_144] : memref<20000x128xf32, #tpu.memory_space<hbm>> -> memref<20000x128xf32, #tpu.memory_space<hbm>>
      tpu.enqueue_indirect_dma source(%dma_start3A_145 : memref<20000x128xf32, #tpu.memory_space<hbm>>) target(%arg14 : memref<80x128xf32, #tpu.memory_space<vmem>>) offsets(%arg11 : memref<80xi32, #tpu.memory_space<vmem>>) semaphore(%arg18 : memref<!tpu.dma_semaphore, #tpu.memory_space<semaphore_mem>>)
      %dma_start3A_146 = arith.constant 0 : i32
      %dma_start3A_147 = tpu.memref_slice %arg4[%add3A_44, %dma_start3A_146] : memref<320000x128xf32, #tpu.memory_space<hbm>> -> memref<80x128xf32, #tpu.memory_space<hbm>>
      %dma_start3A_148 = arith.constant 0 : i32
      %dma_start3A_149 = tpu.memref_slice %arg4[%add3A_44, %dma_start3A_148] : memref<320000x128xf32, #tpu.memory_space<hbm>> -> memref<80x128xf32, #tpu.memory_space<hbm>>
      tpu.enqueue_dma source(%dma_start3A_149 : memref<80x128xf32, #tpu.memory_space<hbm>>) target(%arg15 : memref<80x128xf32, #tpu.memory_space<vmem>>) target_semaphore(%arg18 : memref<!tpu.dma_semaphore, #tpu.memory_space<semaphore_mem>>)
      %gt3A = arith.constant 0 : i32
      %gt3A_150 = arith.cmpi sgt, %scan3A_41, %gt3A : i32
      %convert_element_type3A = arith.extui %gt3A_150 : i1 to i32
      %cond3A = arith.constant 0 : i32
      %cond3A_151 = arith.cmpi ne, %convert_element_type3A, %cond3A : i32
      scf.if %cond3A_151 {
        %dma_wait3A_202 = arith.constant 0 : i32
        %dma_wait3A_203 = arith.constant 0 : i32
        %dma_wait3A_204 = tpu.memref_slice %arg17[%dma_wait3A_202, %dma_wait3A_203] : memref<10240x128xf32, #tpu.memory_space<vmem_shared>> -> memref<10240x128xf32, #tpu.memory_space<vmem_shared>>
        tpu.wait_indirect_dma semaphore(%arg19 : memref<!tpu.dma_semaphore, #tpu.memory_space<semaphore_mem>>) src(%arg16 : memref<80x128xf32, #tpu.memory_space<vmem>>) dst(%dma_wait3A_204 : memref<10240x128xf32, #tpu.memory_space<vmem_shared>>)
      } else {
      }
      %dma_wait3A_152 = arith.constant 0 : i32
      %dma_wait3A_153 = arith.constant 0 : i32
      %dma_wait3A_154 = tpu.memref_slice %arg2[%dma_wait3A_152, %dma_wait3A_153] : memref<20000x128xf32, #tpu.memory_space<hbm>> -> memref<20000x128xf32, #tpu.memory_space<hbm>>
      tpu.wait_indirect_dma semaphore(%arg18 : memref<!tpu.dma_semaphore, #tpu.memory_space<semaphore_mem>>) src(%dma_wait3A_154 : memref<20000x128xf32, #tpu.memory_space<hbm>>) dst(%arg13 : memref<80x128xf32, #tpu.memory_space<vmem>>)
      %dma_wait3A_155 = arith.constant 0 : i32
      %dma_wait3A_156 = arith.constant 0 : i32
      %dma_wait3A_157 = tpu.memref_slice %arg3[%dma_wait3A_155, %dma_wait3A_156] : memref<20000x128xf32, #tpu.memory_space<hbm>> -> memref<20000x128xf32, #tpu.memory_space<hbm>>
      tpu.wait_indirect_dma semaphore(%arg18 : memref<!tpu.dma_semaphore, #tpu.memory_space<semaphore_mem>>) src(%dma_wait3A_157 : memref<20000x128xf32, #tpu.memory_space<hbm>>) dst(%arg14 : memref<80x128xf32, #tpu.memory_space<vmem>>)
      %dma_wait3A_158 = arith.constant 0 : i32
      %dma_wait3A_159 = tpu.memref_slice %arg4[%add3A_44, %dma_wait3A_158] : memref<320000x128xf32, #tpu.memory_space<hbm>> -> memref<80x128xf32, #tpu.memory_space<hbm>>
      %dma_wait3A_160 = arith.constant 0 : i32
      %dma_wait3A_161 = tpu.memref_slice %arg4[%add3A_44, %dma_wait3A_160] : memref<320000x128xf32, #tpu.memory_space<hbm>> -> memref<80x128xf32, #tpu.memory_space<hbm>>
      tpu.wait_dma2 semaphore(%arg18 : memref<!tpu.dma_semaphore, #tpu.memory_space<semaphore_mem>>) src(%dma_wait3A_161 : memref<80x128xf32, #tpu.memory_space<hbm>>) dst(%arg15 : memref<80x128xf32, #tpu.memory_space<vmem>>)
      %parallel_loop3A = arith.constant 0 : i32
      %parallel_loop3A_162 = arith.constant 80 : i32
      %parallel_loop3A_163 = arith.constant 1 : i32
      scf.for %parallel_loop3A_202 = %parallel_loop3A to %parallel_loop3A_162 step %parallel_loop3A_163  : i32 {
        %parallel_loop3A_203 = arith.index_cast %parallel_loop3A_202 : i32 to index
        %parallel_loop3A_204 = arith.constant 0 : index
        %parallel_loop3A_205 = tpu.vector_load %arg13[%parallel_loop3A_203, %parallel_loop3A_204] {strides = array<i32>} : memref<80x128xf32, #tpu.memory_space<vmem>>, vector<1x16xf32>,
        %parallel_loop3A_206 = vector.shape_cast %parallel_loop3A_205 : vector<1x16xf32> to vector<16xf32>
        %parallel_loop3A_207 = arith.index_cast %parallel_loop3A_202 : i32 to index
        %parallel_loop3A_208 = arith.constant 0 : index
        %parallel_loop3A_209 = tpu.vector_load %arg14[%parallel_loop3A_207, %parallel_loop3A_208] {strides = array<i32>} : memref<80x128xf32, #tpu.memory_space<vmem>>, vector<1x16xf32>,
        %parallel_loop3A_210 = vector.shape_cast %parallel_loop3A_209 : vector<1x16xf32> to vector<16xf32>
        %parallel_loop3A_211 = arith.addf %parallel_loop3A_206, %parallel_loop3A_210 : vector<16xf32>
        %parallel_loop3A_212 = arith.index_cast %parallel_loop3A_202 : i32 to index
        %parallel_loop3A_213 = arith.constant 0 : index
        %parallel_loop3A_214 = tpu.vector_load %arg15[%parallel_loop3A_212, %parallel_loop3A_213] {strides = array<i32>} : memref<80x128xf32, #tpu.memory_space<vmem>>, vector<1x16xf32>,
        %parallel_loop3A_215 = vector.shape_cast %parallel_loop3A_214 : vector<1x16xf32> to vector<16xf32>
        %parallel_loop3A_216 = arith.addf %parallel_loop3A_211, %parallel_loop3A_215 : vector<16xf32>
        %parallel_loop3A_217 = arith.constant 0.000000e+00 : f32
        %parallel_loop3A_218 = vector.broadcast %parallel_loop3A_217 : f32 to vector<16xf32>
        %parallel_loop3A_219 = arith.subf %parallel_loop3A_218, %parallel_loop3A_216 : vector<16xf32>
        %parallel_loop3A_220 = math.exp %parallel_loop3A_219 : vector<16xf32>
        %parallel_loop3A_221 = arith.constant 1.000000e+00 : f32
        %parallel_loop3A_222 = vector.broadcast %parallel_loop3A_221 : f32 to vector<16xf32>
        %parallel_loop3A_223 = arith.addf %parallel_loop3A_222, %parallel_loop3A_220 : vector<16xf32>
        %parallel_loop3A_224 = arith.divf %parallel_loop3A_216, %parallel_loop3A_223 : vector<16xf32>
        %parallel_loop3A_225 = arith.index_cast %parallel_loop3A_202 : i32 to index
        %parallel_loop3A_226 = arith.constant 0 : index
        %parallel_loop3A_227 = tpu.vector_load %arg16[%parallel_loop3A_225, %parallel_loop3A_226] {strides = array<i32>} : memref<80x128xf32, #tpu.memory_space<vmem>>, vector<1x16xf32>,
        %parallel_loop3A_228 = vector.shape_cast %parallel_loop3A_227 : vector<1x16xf32> to vector<16xf32>
        %parallel_loop3A_229 = vector.shape_cast %parallel_loop3A_224 : vector<16xf32> to vector<1x16xf32>
        tpu.vector_store %arg16[%parallel_loop3A_225, %parallel_loop3A_226], %parallel_loop3A_229 {strides = array<i32>} : memref<80x128xf32, #tpu.memory_space<vmem>>, vector<1x16xf32>,
        %parallel_loop3A_230 = arith.index_cast %parallel_loop3A_202 : i32 to index
        %parallel_loop3A_231 = arith.constant 16 : index
        %parallel_loop3A_232 = tpu.vector_load %arg13[%parallel_loop3A_230, %parallel_loop3A_231] {strides = array<i32>} : memref<80x128xf32, #tpu.memory_space<vmem>>, vector<1x16xf32>,
        %parallel_loop3A_233 = vector.shape_cast %parallel_loop3A_232 : vector<1x16xf32> to vector<16xf32>
        %parallel_loop3A_234 = arith.index_cast %parallel_loop3A_202 : i32 to index
        %parallel_loop3A_235 = arith.constant 16 : index
        %parallel_loop3A_236 = tpu.vector_load %arg14[%parallel_loop3A_234, %parallel_loop3A_235] {strides = array<i32>} : memref<80x128xf32, #tpu.memory_space<vmem>>, vector<1x16xf32>,
        %parallel_loop3A_237 = vector.shape_cast %parallel_loop3A_236 : vector<1x16xf32> to vector<16xf32>
        %parallel_loop3A_238 = arith.addf %parallel_loop3A_233, %parallel_loop3A_237 : vector<16xf32>
        %parallel_loop3A_239 = arith.index_cast %parallel_loop3A_202 : i32 to index
        %parallel_loop3A_240 = arith.constant 16 : index
        %parallel_loop3A_241 = tpu.vector_load %arg15[%parallel_loop3A_239, %parallel_loop3A_240] {strides = array<i32>} : memref<80x128xf32, #tpu.memory_space<vmem>>, vector<1x16xf32>,
        %parallel_loop3A_242 = vector.shape_cast %parallel_loop3A_241 : vector<1x16xf32> to vector<16xf32>
        %parallel_loop3A_243 = arith.addf %parallel_loop3A_238, %parallel_loop3A_242 : vector<16xf32>
        %parallel_loop3A_244 = arith.constant 0.000000e+00 : f32
        %parallel_loop3A_245 = vector.broadcast %parallel_loop3A_244 : f32 to vector<16xf32>
        %parallel_loop3A_246 = arith.subf %parallel_loop3A_245, %parallel_loop3A_243 : vector<16xf32>
        %parallel_loop3A_247 = math.exp %parallel_loop3A_246 : vector<16xf32>
        %parallel_loop3A_248 = arith.constant 1.000000e+00 : f32
        %parallel_loop3A_249 = vector.broadcast %parallel_loop3A_248 : f32 to vector<16xf32>
        %parallel_loop3A_250 = arith.addf %parallel_loop3A_249, %parallel_loop3A_247 : vector<16xf32>
        %parallel_loop3A_251 = arith.divf %parallel_loop3A_243, %parallel_loop3A_250 : vector<16xf32>
        %parallel_loop3A_252 = arith.index_cast %parallel_loop3A_202 : i32 to index
        %parallel_loop3A_253 = arith.constant 16 : index
        %parallel_loop3A_254 = tpu.vector_load %arg16[%parallel_loop3A_252, %parallel_loop3A_253] {strides = array<i32>} : memref<80x128xf32, #tpu.memory_space<vmem>>, vector<1x16xf32>,
        %parallel_loop3A_255 = vector.shape_cast %parallel_loop3A_254 : vector<1x16xf32> to vector<16xf32>
        %parallel_loop3A_256 = vector.shape_cast %parallel_loop3A_251 : vector<16xf32> to vector<1x16xf32>
        tpu.vector_store %arg16[%parallel_loop3A_252, %parallel_loop3A_253], %parallel_loop3A_256 {strides = array<i32>} : memref<80x128xf32, #tpu.memory_space<vmem>>, vector<1x16xf32>,
        %parallel_loop3A_257 = arith.index_cast %parallel_loop3A_202 : i32 to index
        %parallel_loop3A_258 = arith.constant 32 : index
        %parallel_loop3A_259 = tpu.vector_load %arg13[%parallel_loop3A_257, %parallel_loop3A_258] {strides = array<i32>} : memref<80x128xf32, #tpu.memory_space<vmem>>, vector<1x16xf32>,
        %parallel_loop3A_260 = vector.shape_cast %parallel_loop3A_259 : vector<1x16xf32> to vector<16xf32>
        %parallel_loop3A_261 = arith.index_cast %parallel_loop3A_202 : i32 to index
        %parallel_loop3A_262 = arith.constant 32 : index
        %parallel_loop3A_263 = tpu.vector_load %arg14[%parallel_loop3A_261, %parallel_loop3A_262] {strides = array<i32>} : memref<80x128xf32, #tpu.memory_space<vmem>>, vector<1x16xf32>,
        %parallel_loop3A_264 = vector.shape_cast %parallel_loop3A_263 : vector<1x16xf32> to vector<16xf32>
        %parallel_loop3A_265 = arith.addf %parallel_loop3A_260, %parallel_loop3A_264 : vector<16xf32>
        %parallel_loop3A_266 = arith.index_cast %parallel_loop3A_202 : i32 to index
        %parallel_loop3A_267 = arith.constant 32 : index
        %parallel_loop3A_268 = tpu.vector_load %arg15[%parallel_loop3A_266, %parallel_loop3A_267] {strides = array<i32>} : memref<80x128xf32, #tpu.memory_space<vmem>>, vector<1x16xf32>,
        %parallel_loop3A_269 = vector.shape_cast %parallel_loop3A_268 : vector<1x16xf32> to vector<16xf32>
        %parallel_loop3A_270 = arith.addf %parallel_loop3A_265, %parallel_loop3A_269 : vector<16xf32>
        %parallel_loop3A_271 = arith.constant 0.000000e+00 : f32
        %parallel_loop3A_272 = vector.broadcast %parallel_loop3A_271 : f32 to vector<16xf32>
        %parallel_loop3A_273 = arith.subf %parallel_loop3A_272, %parallel_loop3A_270 : vector<16xf32>
        %parallel_loop3A_274 = math.exp %parallel_loop3A_273 : vector<16xf32>
        %parallel_loop3A_275 = arith.constant 1.000000e+00 : f32
        %parallel_loop3A_276 = vector.broadcast %parallel_loop3A_275 : f32 to vector<16xf32>
        %parallel_loop3A_277 = arith.addf %parallel_loop3A_276, %parallel_loop3A_274 : vector<16xf32>
        %parallel_loop3A_278 = arith.divf %parallel_loop3A_270, %parallel_loop3A_277 : vector<16xf32>
        %parallel_loop3A_279 = arith.index_cast %parallel_loop3A_202 : i32 to index
        %parallel_loop3A_280 = arith.constant 32 : index
        %parallel_loop3A_281 = tpu.vector_load %arg16[%parallel_loop3A_279, %parallel_loop3A_280] {strides = array<i32>} : memref<80x128xf32, #tpu.memory_space<vmem>>, vector<1x16xf32>,
        %parallel_loop3A_282 = vector.shape_cast %parallel_loop3A_281 : vector<1x16xf32> to vector<16xf32>
        %parallel_loop3A_283 = vector.shape_cast %parallel_loop3A_278 : vector<16xf32> to vector<1x16xf32>
        tpu.vector_store %arg16[%parallel_loop3A_279, %parallel_loop3A_280], %parallel_loop3A_283 {strides = array<i32>} : memref<80x128xf32, #tpu.memory_space<vmem>>, vector<1x16xf32>,
        %parallel_loop3A_284 = arith.index_cast %parallel_loop3A_202 : i32 to index
        %parallel_loop3A_285 = arith.constant 48 : index
        %parallel_loop3A_286 = tpu.vector_load %arg13[%parallel_loop3A_284, %parallel_loop3A_285] {strides = array<i32>} : memref<80x128xf32, #tpu.memory_space<vmem>>, vector<1x16xf32>,
        %parallel_loop3A_287 = vector.shape_cast %parallel_loop3A_286 : vector<1x16xf32> to vector<16xf32>
        %parallel_loop3A_288 = arith.index_cast %parallel_loop3A_202 : i32 to index
        %parallel_loop3A_289 = arith.constant 48 : index
        %parallel_loop3A_290 = tpu.vector_load %arg14[%parallel_loop3A_288, %parallel_loop3A_289] {strides = array<i32>} : memref<80x128xf32, #tpu.memory_space<vmem>>, vector<1x16xf32>,
        %parallel_loop3A_291 = vector.shape_cast %parallel_loop3A_290 : vector<1x16xf32> to vector<16xf32>
        %parallel_loop3A_292 = arith.addf %parallel_loop3A_287, %parallel_loop3A_291 : vector<16xf32>
        %parallel_loop3A_293 = arith.index_cast %parallel_loop3A_202 : i32 to index
        %parallel_loop3A_294 = arith.constant 48 : index
        %parallel_loop3A_295 = tpu.vector_load %arg15[%parallel_loop3A_293, %parallel_loop3A_294] {strides = array<i32>} : memref<80x128xf32, #tpu.memory_space<vmem>>, vector<1x16xf32>,
        %parallel_loop3A_296 = vector.shape_cast %parallel_loop3A_295 : vector<1x16xf32> to vector<16xf32>
        %parallel_loop3A_297 = arith.addf %parallel_loop3A_292, %parallel_loop3A_296 : vector<16xf32>
        %parallel_loop3A_298 = arith.constant 0.000000e+00 : f32
        %parallel_loop3A_299 = vector.broadcast %parallel_loop3A_298 : f32 to vector<16xf32>
        %parallel_loop3A_300 = arith.subf %parallel_loop3A_299, %parallel_loop3A_297 : vector<16xf32>
        %parallel_loop3A_301 = math.exp %parallel_loop3A_300 : vector<16xf32>
        %parallel_loop3A_302 = arith.constant 1.000000e+00 : f32
        %parallel_loop3A_303 = vector.broadcast %parallel_loop3A_302 : f32 to vector<16xf32>
        %parallel_loop3A_304 = arith.addf %parallel_loop3A_303, %parallel_loop3A_301 : vector<16xf32>
        %parallel_loop3A_305 = arith.divf %parallel_loop3A_297, %parallel_loop3A_304 : vector<16xf32>
        %parallel_loop3A_306 = arith.index_cast %parallel_loop3A_202 : i32 to index
        %parallel_loop3A_307 = arith.constant 48 : index
        %parallel_loop3A_308 = tpu.vector_load %arg16[%parallel_loop3A_306, %parallel_loop3A_307] {strides = array<i32>} : memref<80x128xf32, #tpu.memory_space<vmem>>, vector<1x16xf32>,
        %parallel_loop3A_309 = vector.shape_cast %parallel_loop3A_308 : vector<1x16xf32> to vector<16xf32>
        %parallel_loop3A_310 = vector.shape_cast %parallel_loop3A_305 : vector<16xf32> to vector<1x16xf32>
        tpu.vector_store %arg16[%parallel_loop3A_306, %parallel_loop3A_307], %parallel_loop3A_310 {strides = array<i32>} : memref<80x128xf32, #tpu.memory_space<vmem>>, vector<1x16xf32>,
        %parallel_loop3A_311 = arith.index_cast %parallel_loop3A_202 : i32 to index
        %parallel_loop3A_312 = arith.constant 64 : index
        %parallel_loop3A_313 = tpu.vector_load %arg13[%parallel_loop3A_311, %parallel_loop3A_312] {strides = array<i32>} : memref<80x128xf32, #tpu.memory_space<vmem>>, vector<1x16xf32>,
        %parallel_loop3A_314 = vector.shape_cast %parallel_loop3A_313 : vector<1x16xf32> to vector<16xf32>
        %parallel_loop3A_315 = arith.index_cast %parallel_loop3A_202 : i32 to index
        %parallel_loop3A_316 = arith.constant 64 : index
        %parallel_loop3A_317 = tpu.vector_load %arg14[%parallel_loop3A_315, %parallel_loop3A_316] {strides = array<i32>} : memref<80x128xf32, #tpu.memory_space<vmem>>, vector<1x16xf32>,
        %parallel_loop3A_318 = vector.shape_cast %parallel_loop3A_317 : vector<1x16xf32> to vector<16xf32>
        %parallel_loop3A_319 = arith.addf %parallel_loop3A_314, %parallel_loop3A_318 : vector<16xf32>
        %parallel_loop3A_320 = arith.index_cast %parallel_loop3A_202 : i32 to index
        %parallel_loop3A_321 = arith.constant 64 : index
        %parallel_loop3A_322 = tpu.vector_load %arg15[%parallel_loop3A_320, %parallel_loop3A_321] {strides = array<i32>} : memref<80x128xf32, #tpu.memory_space<vmem>>, vector<1x16xf32>,
        %parallel_loop3A_323 = vector.shape_cast %parallel_loop3A_322 : vector<1x16xf32> to vector<16xf32>
        %parallel_loop3A_324 = arith.addf %parallel_loop3A_319, %parallel_loop3A_323 : vector<16xf32>
        %parallel_loop3A_325 = arith.constant 0.000000e+00 : f32
        %parallel_loop3A_326 = vector.broadcast %parallel_loop3A_325 : f32 to vector<16xf32>
        %parallel_loop3A_327 = arith.subf %parallel_loop3A_326, %parallel_loop3A_324 : vector<16xf32>
        %parallel_loop3A_328 = math.exp %parallel_loop3A_327 : vector<16xf32>
        %parallel_loop3A_329 = arith.constant 1.000000e+00 : f32
        %parallel_loop3A_330 = vector.broadcast %parallel_loop3A_329 : f32 to vector<16xf32>
        %parallel_loop3A_331 = arith.addf %parallel_loop3A_330, %parallel_loop3A_328 : vector<16xf32>
        %parallel_loop3A_332 = arith.divf %parallel_loop3A_324, %parallel_loop3A_331 : vector<16xf32>
        %parallel_loop3A_333 = arith.index_cast %parallel_loop3A_202 : i32 to index
        %parallel_loop3A_334 = arith.constant 64 : index
        %parallel_loop3A_335 = tpu.vector_load %arg16[%parallel_loop3A_333, %parallel_loop3A_334] {strides = array<i32>} : memref<80x128xf32, #tpu.memory_space<vmem>>, vector<1x16xf32>,
        %parallel_loop3A_336 = vector.shape_cast %parallel_loop3A_335 : vector<1x16xf32> to vector<16xf32>
        %parallel_loop3A_337 = vector.shape_cast %parallel_loop3A_332 : vector<16xf32> to vector<1x16xf32>
        tpu.vector_store %arg16[%parallel_loop3A_333, %parallel_loop3A_334], %parallel_loop3A_337 {strides = array<i32>} : memref<80x128xf32, #tpu.memory_space<vmem>>, vector<1x16xf32>,
        %parallel_loop3A_338 = arith.index_cast %parallel_loop3A_202 : i32 to index
        %parallel_loop3A_339 = arith.constant 80 : index
        %parallel_loop3A_340 = tpu.vector_load %arg13[%parallel_loop3A_338, %parallel_loop3A_339] {strides = array<i32>} : memref<80x128xf32, #tpu.memory_space<vmem>>, vector<1x16xf32>,
        %parallel_loop3A_341 = vector.shape_cast %parallel_loop3A_340 : vector<1x16xf32> to vector<16xf32>
        %parallel_loop3A_342 = arith.index_cast %parallel_loop3A_202 : i32 to index
        %parallel_loop3A_343 = arith.constant 80 : index
        %parallel_loop3A_344 = tpu.vector_load %arg14[%parallel_loop3A_342, %parallel_loop3A_343] {strides = array<i32>} : memref<80x128xf32, #tpu.memory_space<vmem>>, vector<1x16xf32>,
        %parallel_loop3A_345 = vector.shape_cast %parallel_loop3A_344 : vector<1x16xf32> to vector<16xf32>
        %parallel_loop3A_346 = arith.addf %parallel_loop3A_341, %parallel_loop3A_345 : vector<16xf32>
        %parallel_loop3A_347 = arith.index_cast %parallel_loop3A_202 : i32 to index
        %parallel_loop3A_348 = arith.constant 80 : index
        %parallel_loop3A_349 = tpu.vector_load %arg15[%parallel_loop3A_347, %parallel_loop3A_348] {strides = array<i32>} : memref<80x128xf32, #tpu.memory_space<vmem>>, vector<1x16xf32>,
        %parallel_loop3A_350 = vector.shape_cast %parallel_loop3A_349 : vector<1x16xf32> to vector<16xf32>
        %parallel_loop3A_351 = arith.addf %parallel_loop3A_346, %parallel_loop3A_350 : vector<16xf32>
        %parallel_loop3A_352 = arith.constant 0.000000e+00 : f32
        %parallel_loop3A_353 = vector.broadcast %parallel_loop3A_352 : f32 to vector<16xf32>
        %parallel_loop3A_354 = arith.subf %parallel_loop3A_353, %parallel_loop3A_351 : vector<16xf32>
        %parallel_loop3A_355 = math.exp %parallel_loop3A_354 : vector<16xf32>
        %parallel_loop3A_356 = arith.constant 1.000000e+00 : f32
        %parallel_loop3A_357 = vector.broadcast %parallel_loop3A_356 : f32 to vector<16xf32>
        %parallel_loop3A_358 = arith.addf %parallel_loop3A_357, %parallel_loop3A_355 : vector<16xf32>
        %parallel_loop3A_359 = arith.divf %parallel_loop3A_351, %parallel_loop3A_358 : vector<16xf32>
        %parallel_loop3A_360 = arith.index_cast %parallel_loop3A_202 : i32 to index
        %parallel_loop3A_361 = arith.constant 80 : index
        %parallel_loop3A_362 = tpu.vector_load %arg16[%parallel_loop3A_360, %parallel_loop3A_361] {strides = array<i32>} : memref<80x128xf32, #tpu.memory_space<vmem>>, vector<1x16xf32>,
        %parallel_loop3A_363 = vector.shape_cast %parallel_loop3A_362 : vector<1x16xf32> to vector<16xf32>
        %parallel_loop3A_364 = vector.shape_cast %parallel_loop3A_359 : vector<16xf32> to vector<1x16xf32>
        tpu.vector_store %arg16[%parallel_loop3A_360, %parallel_loop3A_361], %parallel_loop3A_364 {strides = array<i32>} : memref<80x128xf32, #tpu.memory_space<vmem>>, vector<1x16xf32>,
        %parallel_loop3A_365 = arith.index_cast %parallel_loop3A_202 : i32 to index
        %parallel_loop3A_366 = arith.constant 96 : index
        %parallel_loop3A_367 = tpu.vector_load %arg13[%parallel_loop3A_365, %parallel_loop3A_366] {strides = array<i32>} : memref<80x128xf32, #tpu.memory_space<vmem>>, vector<1x16xf32>,
        %parallel_loop3A_368 = vector.shape_cast %parallel_loop3A_367 : vector<1x16xf32> to vector<16xf32>
        %parallel_loop3A_369 = arith.index_cast %parallel_loop3A_202 : i32 to index
        %parallel_loop3A_370 = arith.constant 96 : index
        %parallel_loop3A_371 = tpu.vector_load %arg14[%parallel_loop3A_369, %parallel_loop3A_370] {strides = array<i32>} : memref<80x128xf32, #tpu.memory_space<vmem>>, vector<1x16xf32>,
        %parallel_loop3A_372 = vector.shape_cast %parallel_loop3A_371 : vector<1x16xf32> to vector<16xf32>
        %parallel_loop3A_373 = arith.addf %parallel_loop3A_368, %parallel_loop3A_372 : vector<16xf32>
        %parallel_loop3A_374 = arith.index_cast %parallel_loop3A_202 : i32 to index
        %parallel_loop3A_375 = arith.constant 96 : index
        %parallel_loop3A_376 = tpu.vector_load %arg15[%parallel_loop3A_374, %parallel_loop3A_375] {strides = array<i32>} : memref<80x128xf32, #tpu.memory_space<vmem>>, vector<1x16xf32>,
        %parallel_loop3A_377 = vector.shape_cast %parallel_loop3A_376 : vector<1x16xf32> to vector<16xf32>
        %parallel_loop3A_378 = arith.addf %parallel_loop3A_373, %parallel_loop3A_377 : vector<16xf32>
        %parallel_loop3A_379 = arith.constant 0.000000e+00 : f32
        %parallel_loop3A_380 = vector.broadcast %parallel_loop3A_379 : f32 to vector<16xf32>
        %parallel_loop3A_381 = arith.subf %parallel_loop3A_380, %parallel_loop3A_378 : vector<16xf32>
        %parallel_loop3A_382 = math.exp %parallel_loop3A_381 : vector<16xf32>
        %parallel_loop3A_383 = arith.constant 1.000000e+00 : f32
        %parallel_loop3A_384 = vector.broadcast %parallel_loop3A_383 : f32 to vector<16xf32>
        %parallel_loop3A_385 = arith.addf %parallel_loop3A_384, %parallel_loop3A_382 : vector<16xf32>
        %parallel_loop3A_386 = arith.divf %parallel_loop3A_378, %parallel_loop3A_385 : vector<16xf32>
        %parallel_loop3A_387 = arith.index_cast %parallel_loop3A_202 : i32 to index
        %parallel_loop3A_388 = arith.constant 96 : index
        %parallel_loop3A_389 = tpu.vector_load %arg16[%parallel_loop3A_387, %parallel_loop3A_388] {strides = array<i32>} : memref<80x128xf32, #tpu.memory_space<vmem>>, vector<1x16xf32>,
        %parallel_loop3A_390 = vector.shape_cast %parallel_loop3A_389 : vector<1x16xf32> to vector<16xf32>
        %parallel_loop3A_391 = vector.shape_cast %parallel_loop3A_386 : vector<16xf32> to vector<1x16xf32>
        tpu.vector_store %arg16[%parallel_loop3A_387, %parallel_loop3A_388], %parallel_loop3A_391 {strides = array<i32>} : memref<80x128xf32, #tpu.memory_space<vmem>>, vector<1x16xf32>,
        %parallel_loop3A_392 = arith.index_cast %parallel_loop3A_202 : i32 to index
        %parallel_loop3A_393 = arith.constant 112 : index
        %parallel_loop3A_394 = tpu.vector_load %arg13[%parallel_loop3A_392, %parallel_loop3A_393] {strides = array<i32>} : memref<80x128xf32, #tpu.memory_space<vmem>>, vector<1x16xf32>,
        %parallel_loop3A_395 = vector.shape_cast %parallel_loop3A_394 : vector<1x16xf32> to vector<16xf32>
        %parallel_loop3A_396 = arith.index_cast %parallel_loop3A_202 : i32 to index
        %parallel_loop3A_397 = arith.constant 112 : index
        %parallel_loop3A_398 = tpu.vector_load %arg14[%parallel_loop3A_396, %parallel_loop3A_397] {strides = array<i32>} : memref<80x128xf32, #tpu.memory_space<vmem>>, vector<1x16xf32>,
        %parallel_loop3A_399 = vector.shape_cast %parallel_loop3A_398 : vector<1x16xf32> to vector<16xf32>
        %parallel_loop3A_400 = arith.addf %parallel_loop3A_395, %parallel_loop3A_399 : vector<16xf32>
        %parallel_loop3A_401 = arith.index_cast %parallel_loop3A_202 : i32 to index
        %parallel_loop3A_402 = arith.constant 112 : index
        %parallel_loop3A_403 = tpu.vector_load %arg15[%parallel_loop3A_401, %parallel_loop3A_402] {strides = array<i32>} : memref<80x128xf32, #tpu.memory_space<vmem>>, vector<1x16xf32>,
        %parallel_loop3A_404 = vector.shape_cast %parallel_loop3A_403 : vector<1x16xf32> to vector<16xf32>
        %parallel_loop3A_405 = arith.addf %parallel_loop3A_400, %parallel_loop3A_404 : vector<16xf32>
        %parallel_loop3A_406 = arith.constant 0.000000e+00 : f32
        %parallel_loop3A_407 = vector.broadcast %parallel_loop3A_406 : f32 to vector<16xf32>
        %parallel_loop3A_408 = arith.subf %parallel_loop3A_407, %parallel_loop3A_405 : vector<16xf32>
        %parallel_loop3A_409 = math.exp %parallel_loop3A_408 : vector<16xf32>
        %parallel_loop3A_410 = arith.constant 1.000000e+00 : f32
        %parallel_loop3A_411 = vector.broadcast %parallel_loop3A_410 : f32 to vector<16xf32>
        %parallel_loop3A_412 = arith.addf %parallel_loop3A_411, %parallel_loop3A_409 : vector<16xf32>
        %parallel_loop3A_413 = arith.divf %parallel_loop3A_405, %parallel_loop3A_412 : vector<16xf32>
        %parallel_loop3A_414 = arith.index_cast %parallel_loop3A_202 : i32 to index
        %parallel_loop3A_415 = arith.constant 112 : index
        %parallel_loop3A_416 = tpu.vector_load %arg16[%parallel_loop3A_414, %parallel_loop3A_415] {strides = array<i32>} : memref<80x128xf32, #tpu.memory_space<vmem>>, vector<1x16xf32>,
        %parallel_loop3A_417 = vector.shape_cast %parallel_loop3A_416 : vector<1x16xf32> to vector<16xf32>
        %parallel_loop3A_418 = vector.shape_cast %parallel_loop3A_413 : vector<16xf32> to vector<1x16xf32>
        tpu.vector_store %arg16[%parallel_loop3A_414, %parallel_loop3A_415], %parallel_loop3A_418 {strides = array<i32>} : memref<80x128xf32, #tpu.memory_space<vmem>>, vector<1x16xf32>,
      } {sc.loop_unroll_factor = 4 : i64, sc.parallel_access}
      %get3A_164 = arith.constant 0 : index
      %get3A_165 = tpu.vector_load %arg9[%get3A_164] {strides = array<i32>} : memref<80xi32, #tpu.memory_space<vmem>>, vector<16xi32>,
      %get3A_166 = vector.shape_cast %get3A_165 : vector<16xi32> to vector<16xi32>
      %swap3A_167 = arith.constant 0 : index
      %swap3A_168 = tpu.vector_load %arg12[%swap3A_167] {strides = array<i32>} : memref<80xi32, #tpu.memory_space<vmem>>, vector<16xi32>,
      %swap3A_169 = vector.shape_cast %swap3A_168 : vector<16xi32> to vector<16xi32>
      %swap3A_170 = vector.shape_cast %get3A_166 : vector<16xi32> to vector<16xi32>
      tpu.vector_store %arg12[%swap3A_167], %swap3A_170 {strides = array<i32>} : memref<80xi32, #tpu.memory_space<vmem>>, vector<16xi32>,
      %get3A_171 = arith.constant 16 : index
      %get3A_172 = tpu.vector_load %arg9[%get3A_171] {strides = array<i32>} : memref<80xi32, #tpu.memory_space<vmem>>, vector<16xi32>,
      %get3A_173 = vector.shape_cast %get3A_172 : vector<16xi32> to vector<16xi32>
      %swap3A_174 = arith.constant 16 : index
      %swap3A_175 = tpu.vector_load %arg12[%swap3A_174] {strides = array<i32>} : memref<80xi32, #tpu.memory_space<vmem>>, vector<16xi32>,
      %swap3A_176 = vector.shape_cast %swap3A_175 : vector<16xi32> to vector<16xi32>
      %swap3A_177 = vector.shape_cast %get3A_173 : vector<16xi32> to vector<16xi32>
      tpu.vector_store %arg12[%swap3A_174], %swap3A_177 {strides = array<i32>} : memref<80xi32, #tpu.memory_space<vmem>>, vector<16xi32>,
      %get3A_178 = arith.constant 32 : index
      %get3A_179 = tpu.vector_load %arg9[%get3A_178] {strides = array<i32>} : memref<80xi32, #tpu.memory_space<vmem>>, vector<16xi32>,
      %get3A_180 = vector.shape_cast %get3A_179 : vector<16xi32> to vector<16xi32>
      %swap3A_181 = arith.constant 32 : index
      %swap3A_182 = tpu.vector_load %arg12[%swap3A_181] {strides = array<i32>} : memref<80xi32, #tpu.memory_space<vmem>>, vector<16xi32>,
      %swap3A_183 = vector.shape_cast %swap3A_182 : vector<16xi32> to vector<16xi32>
      %swap3A_184 = vector.shape_cast %get3A_180 : vector<16xi32> to vector<16xi32>
      tpu.vector_store %arg12[%swap3A_181], %swap3A_184 {strides = array<i32>} : memref<80xi32, #tpu.memory_space<vmem>>, vector<16xi32>,
      %get3A_185 = arith.constant 48 : index
      %get3A_186 = tpu.vector_load %arg9[%get3A_185] {strides = array<i32>} : memref<80xi32, #tpu.memory_space<vmem>>, vector<16xi32>,
      %get3A_187 = vector.shape_cast %get3A_186 : vector<16xi32> to vector<16xi32>
      %swap3A_188 = arith.constant 48 : index
      %swap3A_189 = tpu.vector_load %arg12[%swap3A_188] {strides = array<i32>} : memref<80xi32, #tpu.memory_space<vmem>>, vector<16xi32>,
      %swap3A_190 = vector.shape_cast %swap3A_189 : vector<16xi32> to vector<16xi32>
      %swap3A_191 = vector.shape_cast %get3A_187 : vector<16xi32> to vector<16xi32>
      tpu.vector_store %arg12[%swap3A_188], %swap3A_191 {strides = array<i32>} : memref<80xi32, #tpu.memory_space<vmem>>, vector<16xi32>,
      %get3A_192 = arith.constant 64 : index
      %get3A_193 = tpu.vector_load %arg9[%get3A_192] {strides = array<i32>} : memref<80xi32, #tpu.memory_space<vmem>>, vector<16xi32>,
      %get3A_194 = vector.shape_cast %get3A_193 : vector<16xi32> to vector<16xi32>
      %swap3A_195 = arith.constant 64 : index
      %swap3A_196 = tpu.vector_load %arg12[%swap3A_195] {strides = array<i32>} : memref<80xi32, #tpu.memory_space<vmem>>, vector<16xi32>,
      %swap3A_197 = vector.shape_cast %swap3A_196 : vector<16xi32> to vector<16xi32>
      %swap3A_198 = vector.shape_cast %get3A_194 : vector<16xi32> to vector<16xi32>
      tpu.vector_store %arg12[%swap3A_195], %swap3A_198 {strides = array<i32>} : memref<80xi32, #tpu.memory_space<vmem>>, vector<16xi32>,
      %dma_start3A_199 = arith.constant 0 : i32
      %dma_start3A_200 = arith.constant 0 : i32
      %dma_start3A_201 = tpu.memref_slice %arg17[%dma_start3A_199, %dma_start3A_200] : memref<10240x128xf32, #tpu.memory_space<vmem_shared>> -> memref<10240x128xf32, #tpu.memory_space<vmem_shared>>
      tpu.enqueue_indirect_dma source(%arg16 : memref<80x128xf32, #tpu.memory_space<vmem>>) target(%dma_start3A_201 : memref<10240x128xf32, #tpu.memory_space<vmem_shared>>) offsets(%arg12 : memref<80xi32, #tpu.memory_space<vmem>>) semaphore(%arg19 : memref<!tpu.dma_semaphore, #tpu.memory_space<semaphore_mem>>) {add = true}
    }
    %scan3A_34 = arith.constant 125 : i32
    %dma_wait3A = arith.constant 0 : i32
    %dma_wait3A_35 = arith.constant 0 : i32
    %dma_wait3A_36 = tpu.memref_slice %arg17[%dma_wait3A, %dma_wait3A_35] : memref<10240x128xf32, #tpu.memory_space<vmem_shared>> -> memref<10240x128xf32, #tpu.memory_space<vmem_shared>>
    tpu.wait_indirect_dma semaphore(%arg19 : memref<!tpu.dma_semaphore, #tpu.memory_space<semaphore_mem>>) src(%arg16 : memref<80x128xf32, #tpu.memory_space<vmem>>) dst(%dma_wait3A_36 : memref<10240x128xf32, #tpu.memory_space<vmem_shared>>)
    %barrier3A_37 = arith.constant 0 : index
    tpu.barrier barrier_id(%barrier3A_37)
    %mul3A_38 = arith.constant 10240 : i32
    %mul3A_39 = arith.muli %arg0, %mul3A_38 : i32
    %add3A_40 = arith.addi %mul3A_39, %mul3A_12 : i32
    "tpu.region"() ({
      %run_scoped3A = tpu.sem_alloc : memref<!tpu.dma_semaphore, #tpu.memory_space<semaphore_mem>>
      %dma_start3A = arith.constant 0 : i32
      %dma_start3A_41 = tpu.memref_slice %arg7[%add3A_40, %dma_start3A] : memref<20480x128xf32, #tpu.memory_space<hbm>> -> memref<640x128xf32, #tpu.memory_space<hbm>>
      %dma_start3A_42 = arith.constant 0 : i32
      %dma_start3A_43 = tpu.memref_slice %arg17[%mul3A_12, %dma_start3A_42] : memref<10240x128xf32, #tpu.memory_space<vmem_shared>> -> memref<640x128xf32, #tpu.memory_space<vmem_shared>>
      tpu.enqueue_dma source(%dma_start3A_43 : memref<640x128xf32, #tpu.memory_space<vmem_shared>>) target(%dma_start3A_41 : memref<640x128xf32, #tpu.memory_space<hbm>>) target_semaphore(%run_scoped3A : memref<!tpu.dma_semaphore, #tpu.memory_space<semaphore_mem>>)
      %dma_wait3A_44 = arith.constant 0 : i32
      %dma_wait3A_45 = tpu.memref_slice %arg7[%add3A_40, %dma_wait3A_44] : memref<20480x128xf32, #tpu.memory_space<hbm>> -> memref<640x128xf32, #tpu.memory_space<hbm>>
      %dma_wait3A_46 = arith.constant 0 : i32
      %dma_wait3A_47 = tpu.memref_slice %arg17[%mul3A_12, %dma_wait3A_46] : memref<10240x128xf32, #tpu.memory_space<vmem_shared>> -> memref<640x128xf32, #tpu.memory_space<vmem_shared>>
      tpu.wait_dma2 semaphore(%run_scoped3A : memref<!tpu.dma_semaphore, #tpu.memory_space<semaphore_mem>>) src(%dma_wait3A_47 : memref<640x128xf32, #tpu.memory_space<vmem_shared>>) dst(%dma_wait3A_45 : memref<640x128xf32, #tpu.memory_space<hbm>>)
      tpu.yield
    }) : () -> ()
    return
  }
}

module attributes {stable_mosaic.version = 14 : i64} {
  func.func @_pq_body(%arg0: i32, %arg1: i32, %arg2: memref<1x2000x128xf32, #tpu.memory_space<vmem>>, %arg3: memref<128x256xf32, #tpu.memory_space<vmem>>, %arg4: memref<1x2000x128xf32, #tpu.memory_space<vmem>>, %arg5: memref<1x2000x128xf32, #tpu.memory_space<vmem>>) attributes {dimension_semantics = [#tpu.dimension_semantics<arbitrary>, #tpu.dimension_semantics<arbitrary>], iteration_bounds = array<i64: 1, 10>, scalar_prefetch = 0 : i64, scratch_operands = 0 : i64, tpu.core_type = #tpu.core_type<tc>, window_params = [{transform_indices = @transform_0, window_bounds = array<i64: 1, 2000, 128>}, {pipeline_mode = #tpu.pipeline_mode<synchronous>, transform_indices = @transform_1, window_bounds = array<i64: 128, 256>}, {transform_indices = @transform_2, window_bounds = array<i64: 1, 2000, 128>}, {transform_indices = @transform_3, window_bounds = array<i64: 1, 2000, 128>}]} {
    %get3A = arith.constant 0 : index
    %get3A_0 = arith.constant 0 : index
    %get3A_1 = arith.constant 0 : index
    %get3A_2 = vector.load %arg2[%get3A, %get3A_0, %get3A_1] : memref<1x2000x128xf32, #tpu.memory_space<vmem>>, vector<1x2000x128xf32>
    %get3A_3 = vector.shape_cast %get3A_2 : vector<1x2000x128xf32> to vector<2000x128xf32>
    %get3A_4 = arith.constant 0 : index
    %get3A_5 = arith.constant 0 : index
    %get3A_6 = vector.load %arg3[%get3A_4, %get3A_5] : memref<128x256xf32, #tpu.memory_space<vmem>>, vector<128x256xf32>
    %dot_general3A = arith.constant dense<0.000000e+00> : vector<2000x256xf32>
    %dot_general3A_7 = tpu.matmul %get3A_3, %get3A_6, %dot_general3A {dimension_numbers = #tpu.dot_dimension_numbers<[1], [0], [0], [1], [0, 0, 1, 1], [], []>, transpose_lhs_hint = false} : vector<2000x128xf32>, vector<128x256xf32>, vector<2000x256xf32> -> vector<2000x256xf32>
    %slice3A = vector.extract_strided_slice %dot_general3A_7 {offsets = [0, 0], sizes = [2000, 128], strides = [1, 1]} : vector<2000x256xf32> to vector<2000x128xf32>
    %swap3A = arith.constant 0 : index
    %swap3A_8 = arith.constant 0 : index
    %swap3A_9 = arith.constant 0 : index
    %swap3A_10 = vector.load %arg4[%swap3A, %swap3A_8, %swap3A_9] : memref<1x2000x128xf32, #tpu.memory_space<vmem>>, vector<1x2000x128xf32>
    %swap3A_11 = vector.shape_cast %swap3A_10 : vector<1x2000x128xf32> to vector<2000x128xf32>
    %swap3A_12 = vector.shape_cast %slice3A : vector<2000x128xf32> to vector<1x2000x128xf32>
    tpu.vector_store %arg4[%swap3A, %swap3A_8, %swap3A_9], %swap3A_12 {strides = array<i32>} : memref<1x2000x128xf32, #tpu.memory_space<vmem>>, vector<1x2000x128xf32>,
    %slice3A_13 = vector.extract_strided_slice %dot_general3A_7 {offsets = [0, 128], sizes = [2000, 128], strides = [1, 1]} : vector<2000x256xf32> to vector<2000x128xf32>
    %swap3A_14 = arith.constant 0 : index
    %swap3A_15 = arith.constant 0 : index
    %swap3A_16 = arith.constant 0 : index
    %swap3A_17 = vector.load %arg5[%swap3A_14, %swap3A_15, %swap3A_16] : memref<1x2000x128xf32, #tpu.memory_space<vmem>>, vector<1x2000x128xf32>
    %swap3A_18 = vector.shape_cast %swap3A_17 : vector<1x2000x128xf32> to vector<2000x128xf32>
    %swap3A_19 = vector.shape_cast %slice3A_13 : vector<2000x128xf32> to vector<1x2000x128xf32>
    tpu.vector_store %arg5[%swap3A_14, %swap3A_15, %swap3A_16], %swap3A_19 {strides = array<i32>} : memref<1x2000x128xf32, #tpu.memory_space<vmem>>, vector<1x2000x128xf32>,
    return
  }
  func.func @transform_0(%arg0: i32, %arg1: i32) -> (i32, i32, i32) {
    %c0_i32 = arith.constant 0 : i32
    %c0_i32_0 = arith.constant 0 : i32
    return %arg0, %arg1, %c0_i32 : i32, i32, i32
  }
  func.func @transform_1(%arg0: i32, %arg1: i32) -> (i32, i32) {
    %c0_i32 = arith.constant 0 : i32
    %c0_i32_0 = arith.constant 0 : i32
    %c0_i32_1 = arith.constant 0 : i32
    return %c0_i32, %c0_i32_0 : i32, i32
  }
  func.func @transform_2(%arg0: i32, %arg1: i32) -> (i32, i32, i32) {
    %c0_i32 = arith.constant 0 : i32
    %c0_i32_0 = arith.constant 0 : i32
    return %arg0, %arg1, %c0_i32 : i32, i32, i32
  }
  func.func @transform_3(%arg0: i32, %arg1: i32) -> (i32, i32, i32) {
    %c0_i32 = arith.constant 0 : i32
    %c0_i32_0 = arith.constant 0 : i32
    return %arg0, %arg1, %c0_i32 : i32, i32, i32
  }
}

module attributes {stable_mosaic.version = 14 : i64} {
  func.func @_mm_body(%arg0: i32, %arg1: i32, %arg2: memref<1x4000x128xf32, #tpu.memory_space<vmem>>, %arg3: memref<128x128xf32, #tpu.memory_space<vmem>>, %arg4: memref<1x128xf32, #tpu.memory_space<vmem>>, %arg5: memref<1x4000x128xf32, #tpu.memory_space<vmem>>) attributes {dimension_semantics = [#tpu.dimension_semantics<arbitrary>, #tpu.dimension_semantics<arbitrary>], iteration_bounds = array<i64: 1, 80>, scalar_prefetch = 0 : i64, scratch_operands = 0 : i64, tpu.core_type = #tpu.core_type<tc>, window_params = [{transform_indices = @transform_0, window_bounds = array<i64: 1, 4000, 128>}, {pipeline_mode = #tpu.pipeline_mode<synchronous>, transform_indices = @transform_1, window_bounds = array<i64: 128, 128>}, {pipeline_mode = #tpu.pipeline_mode<synchronous>, transform_indices = @transform_2, window_bounds = array<i64: 1, 128>}, {transform_indices = @transform_3, window_bounds = array<i64: 1, 4000, 128>}]} {
    %get3A = arith.constant 0 : index
    %get3A_0 = arith.constant 0 : index
    %get3A_1 = arith.constant 0 : index
    %get3A_2 = vector.load %arg2[%get3A, %get3A_0, %get3A_1] : memref<1x4000x128xf32, #tpu.memory_space<vmem>>, vector<1x4000x128xf32>
    %get3A_3 = vector.shape_cast %get3A_2 : vector<1x4000x128xf32> to vector<4000x128xf32>
    %get3A_4 = arith.constant 0 : index
    %get3A_5 = arith.constant 0 : index
    %get3A_6 = vector.load %arg3[%get3A_4, %get3A_5] : memref<128x128xf32, #tpu.memory_space<vmem>>, vector<128x128xf32>
    %dot_general3A = arith.constant dense<0.000000e+00> : vector<4000x128xf32>
    %dot_general3A_7 = tpu.matmul %get3A_3, %get3A_6, %dot_general3A {dimension_numbers = #tpu.dot_dimension_numbers<[1], [0], [0], [1], [0, 0, 1, 1], [], []>, transpose_lhs_hint = false} : vector<4000x128xf32>, vector<128x128xf32>, vector<4000x128xf32> -> vector<4000x128xf32>
    %get3A_8 = arith.constant 0 : index
    %get3A_9 = arith.constant 0 : index
    %get3A_10 = vector.load %arg4[%get3A_8, %get3A_9] : memref<1x128xf32, #tpu.memory_space<vmem>>, vector<1x128xf32>
    %add3A = vector.broadcast %get3A_10 : vector<1x128xf32> to vector<4000x128xf32>
    %add3A_11 = arith.addf %dot_general3A_7, %add3A : vector<4000x128xf32>
    %swap3A = arith.constant 0 : index
    %swap3A_12 = arith.constant 0 : index
    %swap3A_13 = arith.constant 0 : index
    %swap3A_14 = vector.load %arg5[%swap3A, %swap3A_12, %swap3A_13] : memref<1x4000x128xf32, #tpu.memory_space<vmem>>, vector<1x4000x128xf32>
    %swap3A_15 = vector.shape_cast %swap3A_14 : vector<1x4000x128xf32> to vector<4000x128xf32>
    %swap3A_16 = vector.shape_cast %add3A_11 : vector<4000x128xf32> to vector<1x4000x128xf32>
    tpu.vector_store %arg5[%swap3A, %swap3A_12, %swap3A_13], %swap3A_16 {strides = array<i32>} : memref<1x4000x128xf32, #tpu.memory_space<vmem>>, vector<1x4000x128xf32>,
    return
  }
  func.func @transform_0(%arg0: i32, %arg1: i32) -> (i32, i32, i32) {
    %c0_i32 = arith.constant 0 : i32
    %c0_i32_0 = arith.constant 0 : i32
    return %arg0, %arg1, %c0_i32 : i32, i32, i32
  }
  func.func @transform_1(%arg0: i32, %arg1: i32) -> (i32, i32) {
    %c0_i32 = arith.constant 0 : i32
    %c0_i32_0 = arith.constant 0 : i32
    %c0_i32_1 = arith.constant 0 : i32
    return %c0_i32, %c0_i32_0 : i32, i32
  }
  func.func @transform_2(%arg0: i32, %arg1: i32) -> (i32, i32) {
    %c0_i32 = arith.constant 0 : i32
    %c0_i32_0 = arith.constant 0 : i32
    %c0_i32_1 = arith.constant 0 : i32
    return %c0_i32, %c0_i32_0 : i32, i32
  }
  func.func @transform_3(%arg0: i32, %arg1: i32) -> (i32, i32, i32) {
    %c0_i32 = arith.constant 0 : i32
    %c0_i32_0 = arith.constant 0 : i32
    return %arg0, %arg1, %c0_i32 : i32, i32, i32
  }
}

module attributes {stable_mosaic.version = 14 : i64} {
  func.func @_small_mm_body(%arg0: memref<128x128xf32, #tpu.memory_space<vmem>>, %arg1: memref<128x128xf32, #tpu.memory_space<vmem>>, %arg2: memref<128x128xf32, #tpu.memory_space<vmem>>) attributes {dimension_semantics = [], scalar_prefetch = 0 : i64, scratch_operands = 0 : i64, tpu.core_type = #tpu.core_type<tc>} {
    %get3A = arith.constant 0 : index
    %get3A_0 = arith.constant 0 : index
    %get3A_1 = vector.load %arg0[%get3A, %get3A_0] : memref<128x128xf32, #tpu.memory_space<vmem>>, vector<128x128xf32>
    %get3A_2 = arith.constant 0 : index
    %get3A_3 = arith.constant 0 : index
    %get3A_4 = vector.load %arg1[%get3A_2, %get3A_3] : memref<128x128xf32, #tpu.memory_space<vmem>>, vector<128x128xf32>
    %dot_general3A = arith.constant dense<0.000000e+00> : vector<128x128xf32>
    %dot_general3A_5 = tpu.matmul %get3A_1, %get3A_4, %dot_general3A {dimension_numbers = #tpu.dot_dimension_numbers<[1], [0], [0], [1], [0, 0, 1, 1], [], []>, transpose_lhs_hint = false} : vector<128x128xf32>, vector<128x128xf32>, vector<128x128xf32> -> vector<128x128xf32>
    %swap3A = arith.constant 0 : index
    %swap3A_6 = arith.constant 0 : index
    %swap3A_7 = vector.load %arg2[%swap3A, %swap3A_6] : memref<128x128xf32, #tpu.memory_space<vmem>>, vector<128x128xf32>
    tpu.vector_store %arg2[%swap3A, %swap3A_6], %dot_general3A_5 {strides = array<i32>} : memref<128x128xf32, #tpu.memory_space<vmem>>, vector<128x128xf32>,
    return
  }
}

module attributes {stable_mosaic.version = 14 : i64} {
  func.func @_node_body(%arg0: i32, %arg1: i32, %arg2: memref<1x2000x128xf32, #tpu.memory_space<vmem>>, %arg3: memref<1x2000x128xf32, #tpu.memory_space<vmem>>, %arg4: memref<128x128xf32, #tpu.memory_space<vmem>>, %arg5: memref<128x128xf32, #tpu.memory_space<vmem>>, %arg6: memref<128x128xf32, #tpu.memory_space<vmem>>, %arg7: memref<1x128xf32, #tpu.memory_space<vmem>>, %arg8: memref<1x128xf32, #tpu.memory_space<vmem>>, %arg9: memref<1x2000x128xf32, #tpu.memory_space<vmem>>) attributes {dimension_semantics = [#tpu.dimension_semantics<arbitrary>, #tpu.dimension_semantics<arbitrary>], iteration_bounds = array<i64: 2, 5>, scalar_prefetch = 0 : i64, scratch_operands = 0 : i64, tpu.core_type = #tpu.core_type<tc>, window_params = [{transform_indices = @transform_0, window_bounds = array<i64: 1, 2000, 128>}, {transform_indices = @transform_1, window_bounds = array<i64: 1, 2000, 128>}, {pipeline_mode = #tpu.pipeline_mode<synchronous>, transform_indices = @transform_2, window_bounds = array<i64: 128, 128>}, {pipeline_mode = #tpu.pipeline_mode<synchronous>, transform_indices = @transform_3, window_bounds = array<i64: 128, 128>}, {pipeline_mode = #tpu.pipeline_mode<synchronous>, transform_indices = @transform_4, window_bounds = array<i64: 128, 128>}, {pipeline_mode = #tpu.pipeline_mode<synchronous>, transform_indices = @transform_5, window_bounds = array<i64: 1, 128>}, {pipeline_mode = #tpu.pipeline_mode<synchronous>, transform_indices = @transform_6, window_bounds = array<i64: 1, 128>}, {transform_indices = @transform_7, window_bounds = array<i64: 1, 2000, 128>}]} {
    %get3A = arith.constant 0 : index
    %get3A_0 = arith.constant 0 : index
    %get3A_1 = arith.constant 0 : index
    %get3A_2 = vector.load %arg2[%get3A, %get3A_0, %get3A_1] : memref<1x2000x128xf32, #tpu.memory_space<vmem>>, vector<1x2000x128xf32>
    %get3A_3 = vector.shape_cast %get3A_2 : vector<1x2000x128xf32> to vector<2000x128xf32>
    %get3A_4 = arith.constant 0 : index
    %get3A_5 = arith.constant 0 : index
    %get3A_6 = vector.load %arg4[%get3A_4, %get3A_5] : memref<128x128xf32, #tpu.memory_space<vmem>>, vector<128x128xf32>
    %dot_general3A = arith.constant dense<0.000000e+00> : vector<2000x128xf32>
    %dot_general3A_7 = tpu.matmul %get3A_3, %get3A_6, %dot_general3A {dimension_numbers = #tpu.dot_dimension_numbers<[1], [0], [0], [1], [0, 0, 1, 1], [], []>, transpose_lhs_hint = false} : vector<2000x128xf32>, vector<128x128xf32>, vector<2000x128xf32> -> vector<2000x128xf32>
    %get3A_8 = arith.constant 0 : index
    %get3A_9 = arith.constant 0 : index
    %get3A_10 = arith.constant 0 : index
    %get3A_11 = vector.load %arg3[%get3A_8, %get3A_9, %get3A_10] : memref<1x2000x128xf32, #tpu.memory_space<vmem>>, vector<1x2000x128xf32>
    %get3A_12 = vector.shape_cast %get3A_11 : vector<1x2000x128xf32> to vector<2000x128xf32>
    %get3A_13 = arith.constant 0 : index
    %get3A_14 = arith.constant 0 : index
    %get3A_15 = vector.load %arg5[%get3A_13, %get3A_14] : memref<128x128xf32, #tpu.memory_space<vmem>>, vector<128x128xf32>
    %dot_general3A_16 = arith.constant dense<0.000000e+00> : vector<2000x128xf32>
    %dot_general3A_17 = tpu.matmul %get3A_12, %get3A_15, %dot_general3A_16 {dimension_numbers = #tpu.dot_dimension_numbers<[1], [0], [0], [1], [0, 0, 1, 1], [], []>, transpose_lhs_hint = false} : vector<2000x128xf32>, vector<128x128xf32>, vector<2000x128xf32> -> vector<2000x128xf32>
    %add3A = arith.addf %dot_general3A_7, %dot_general3A_17 : vector<2000x128xf32>
    %get3A_18 = arith.constant 0 : index
    %get3A_19 = arith.constant 0 : index
    %get3A_20 = vector.load %arg7[%get3A_18, %get3A_19] : memref<1x128xf32, #tpu.memory_space<vmem>>, vector<1x128xf32>
    %add3A_21 = vector.broadcast %get3A_20 : vector<1x128xf32> to vector<2000x128xf32>
    %add3A_22 = arith.addf %add3A, %add3A_21 : vector<2000x128xf32>
    %neg3A = arith.constant 0.000000e+00 : f32
    %neg3A_23 = vector.broadcast %neg3A : f32 to vector<2000x128xf32>
    %neg3A_24 = arith.subf %neg3A_23, %add3A_22 : vector<2000x128xf32>
    %exp3A = math.exp %neg3A_24 : vector<2000x128xf32>
    %add3A_25 = arith.constant 1.000000e+00 : f32
    %add3A_26 = vector.broadcast %add3A_25 : f32 to vector<2000x128xf32>
    %add3A_27 = arith.addf %add3A_26, %exp3A : vector<2000x128xf32>
    %div3A = arith.divf %add3A_22, %add3A_27 : vector<2000x128xf32>
    %get3A_28 = arith.constant 0 : index
    %get3A_29 = arith.constant 0 : index
    %get3A_30 = vector.load %arg6[%get3A_28, %get3A_29] : memref<128x128xf32, #tpu.memory_space<vmem>>, vector<128x128xf32>
    %dot_general3A_31 = arith.constant dense<0.000000e+00> : vector<2000x128xf32>
    %dot_general3A_32 = tpu.matmul %div3A, %get3A_30, %dot_general3A_31 {dimension_numbers = #tpu.dot_dimension_numbers<[1], [0], [0], [1], [0, 0, 1, 1], [], []>, transpose_lhs_hint = false} : vector<2000x128xf32>, vector<128x128xf32>, vector<2000x128xf32> -> vector<2000x128xf32>
    %add3A_33 = arith.addf %get3A_3, %dot_general3A_32 : vector<2000x128xf32>
    %get3A_34 = arith.constant 0 : index
    %get3A_35 = arith.constant 0 : index
    %get3A_36 = vector.load %arg8[%get3A_34, %get3A_35] : memref<1x128xf32, #tpu.memory_space<vmem>>, vector<1x128xf32>
    %add3A_37 = vector.broadcast %get3A_36 : vector<1x128xf32> to vector<2000x128xf32>
    %add3A_38 = arith.addf %add3A_33, %add3A_37 : vector<2000x128xf32>
    %swap3A = arith.constant 0 : index
    %swap3A_39 = arith.constant 0 : index
    %swap3A_40 = arith.constant 0 : index
    %swap3A_41 = vector.load %arg9[%swap3A, %swap3A_39, %swap3A_40] : memref<1x2000x128xf32, #tpu.memory_space<vmem>>, vector<1x2000x128xf32>
    %swap3A_42 = vector.shape_cast %swap3A_41 : vector<1x2000x128xf32> to vector<2000x128xf32>
    %swap3A_43 = vector.shape_cast %add3A_38 : vector<2000x128xf32> to vector<1x2000x128xf32>
    tpu.vector_store %arg9[%swap3A, %swap3A_39, %swap3A_40], %swap3A_43 {strides = array<i32>} : memref<1x2000x128xf32, #tpu.memory_space<vmem>>, vector<1x2000x128xf32>,
    return
  }
  func.func @transform_0(%arg0: i32, %arg1: i32) -> (i32, i32, i32) {
    %c0_i32 = arith.constant 0 : i32
    %c0_i32_0 = arith.constant 0 : i32
    return %arg0, %arg1, %c0_i32 : i32, i32, i32
  }
  func.func @transform_1(%arg0: i32, %arg1: i32) -> (i32, i32, i32) {
    %c0_i32 = arith.constant 0 : i32
    %c0_i32_0 = arith.constant 0 : i32
    return %arg0, %arg1, %c0_i32 : i32, i32, i32
  }
  func.func @transform_2(%arg0: i32, %arg1: i32) -> (i32, i32) {
    %c0_i32 = arith.constant 0 : i32
    %c0_i32_0 = arith.constant 0 : i32
    %c0_i32_1 = arith.constant 0 : i32
    return %c0_i32, %c0_i32_0 : i32, i32
  }
  func.func @transform_3(%arg0: i32, %arg1: i32) -> (i32, i32) {
    %c0_i32 = arith.constant 0 : i32
    %c0_i32_0 = arith.constant 0 : i32
    %c0_i32_1 = arith.constant 0 : i32
    return %c0_i32, %c0_i32_0 : i32, i32
  }
  func.func @transform_4(%arg0: i32, %arg1: i32) -> (i32, i32) {
    %c0_i32 = arith.constant 0 : i32
    %c0_i32_0 = arith.constant 0 : i32
    %c0_i32_1 = arith.constant 0 : i32
    return %c0_i32, %c0_i32_0 : i32, i32
  }
  func.func @transform_5(%arg0: i32, %arg1: i32) -> (i32, i32) {
    %c0_i32 = arith.constant 0 : i32
    %c0_i32_0 = arith.constant 0 : i32
    %c0_i32_1 = arith.constant 0 : i32
    return %c0_i32, %c0_i32_0 : i32, i32
  }
  func.func @transform_6(%arg0: i32, %arg1: i32) -> (i32, i32) {
    %c0_i32 = arith.constant 0 : i32
    %c0_i32_0 = arith.constant 0 : i32
    %c0_i32_1 = arith.constant 0 : i32
    return %c0_i32, %c0_i32_0 : i32, i32
  }
  func.func @transform_7(%arg0: i32, %arg1: i32) -> (i32, i32, i32) {
    %c0_i32 = arith.constant 0 : i32
    %c0_i32_0 = arith.constant 0 : i32
    return %arg0, %arg1, %c0_i32 : i32, i32, i32
  }
}

</mosaic_0001>

<sc_bundles>
// kernel: kernel.7.cloned.1.call-start
scs
__scs_entry_jumppad:
0x0: {  	(pc) =	sbr.rel $0x88, $3  }
0x1: {  	(tag) =	ssettag $0x0;
	lr =	simm.s32 $0x1  }
0x2: {  	[smem:$0x3F97] =	sst lr;
	_ =	strace $0xD0000000  }
0x3: {  	_ = 	snop  }
0x4: {  	_ = 	snop  }
0x5: {  	_ = 	snop  }
0x6: {  	_ = 	snop  }
0x7: {  	_ = 	snop  }
__scs_overlays_trampoline_lowered:
0x8: {  	[smem:$0x3FA6] =	sst s0  }
0x9: {  	[smem:$0x3FA7] =	sst s1  }
0xa: {  	[smem:$0x3FA8] =	sst s2  }
0xb: {  	[smem:$0x3FA9] =	sst s3  }
0xc: {  	[smem:$0x3FAA] =	sst s4  }
0xd: {  	[smem:$0x3FAB] =	sst s5  }
0xe: {  	[smem:$0x3FAC] =	sst s6  }
0xf: {  	[smem:$0x3FAD] =	sst s7  }
0x10: {  	[smem:$0x3FAE] =	sst s8  }
0x11: {  	[smem:$0x3FAF] =	sst s9;
	s0 =	simm.s32 @!p0 $0x0  }
0x12: {  	s1 =	sld [smem:$0x3F95];
	s0 =	simm.s32 @p0 $0x1  }
0x13: {  	[smem:$0x3FB0] =	sst s0;
	s0 =	simm.s32 @!p1 $0x0  }
0x14: {  	s2 =	sld [smem:$0x3F94];
	s0 =	simm.s32 @p1 $0x1  }
0x15: {  	[smem:$0x3FB1] =	sst s0;
	s0 =	simm.s32 @!p2 $0x0  }
0x16: {  	s3 =	sld [smem:$0x3FDB];
	s0 =	simm.s32 @p2 $0x1  }
0x17: {  	s4 =	simm.s32 $0x1BF5;
	[smem:$0x3FB3] =	sst s0  }
0x18: {  	s0 =	sld [smem:$0x3F96];
	_ =	swait.ge [sflag:s4], $0x0  }
0x19: {  	s7 =	sld [smem:$0x3F97]  }
0x1a: {  	s8 =	sadd.s32 $0xFFFFE003, lr  }
0x1b: {  	s9 =	sadd.s32 $0xFFFFFEF7, lr;
	s5 =	simm.s32 $0xFFFFFFFF;
	p2 =	slt.u32 s8, $0xFFFFF086  }
0x1c: {  	p1 =	slt.u32 s9, $0xF7A;
	s5 =	simm.s32 @!p2 $0x0  }
0x1d: {  	s5 =	simm.s32 @p1 $0x1;
	p0 =	seq.s32 s7, s2  }
0x1e: {  	s7 =	smul.u32 @!p0 $0xF7A, s2;
	p2 =	seq.s32 @!p0 s5, $0x0  }
0x1f: {  	s9 =	smul.u32 $0xF7A, s1;
	s8 =	simm.s32 @!p0 $0x1BF5;
	p2 =	por !p2, p0  }
0x20: {  	[sflag:s8] =	ssyncset.s32 @!p0 $0xFFFFF086;
	s6 =	sadd.s32 @!p0 s3, s7;
	s7 =	simm.s32 @!p0 $0x108  }
0x21: {  	s3 =	sadd.s32 s3, s9;
	s6 =	sadd.s32 @!p0 $0x88, s6;
	s7 =	simm.s32 @p2 $0x1082  }
0x22: {  	[simem:s7], [sflag:s8] =	dma.local @!p0 [hbm:s6], $0xF7A  }
0x23: {  	s9 =	sor.u32 $0xD0000000, s2;
	s6 =	simm.s32 $0x108;
	_ =	swait.ge @!p0 [sflag:s8], $0x0  }
0x24: {  	s3 =	sadd.s32 $0x88, s3;
	s6 =	simm.s32 @!p1 $0x1082;
	[sflag:s4] =	ssyncset.s32 $0xFFFFF086  }
0x25: {  	[simem:s6], [sflag:s4] =	dma.local [hbm:s3], $0xF7A  }
0x26: {  	[smem:$0x3F97] =	sst s1;
	(tag) =	ssettag s2;
	_ =	strace s9  }
0x27: {  	s1 =	sld [smem:$0x3FA7]  }
0x28: {  	s2 =	sld [smem:$0x3FA8]  }
0x29: {  	s4 =	sld [smem:$0x3FAA]  }
0x2a: {  	p0 =	seq.s32 s5, $0x0;
	s5 =	sld [smem:$0x3FAB]  }
0x2b: {  	s6 =	sld [smem:$0x3FAC]  }
0x2c: {  	s7 =	sld [smem:$0x3FAD]  }
0x2d: {  	s3 =	simm.s32 $0x108;
	s8 =	sld [smem:$0x3FAE]  }
0x2e: {  	s3 =	simm.s32 @!p0 $0x1082;
	s9 =	sld [smem:$0x3FAF]  }
0x2f: {  	lr =	sadd.s32 s0, s3;
	s0 =	sld [smem:$0x3FA6]  }
0x30: {  	s3 =	sld [smem:$0x3FA9]  }
0x31: {  	[smem:$0x3FB2] =	sst s10  }
0x32: {  	s10 =	sld [smem:$0x3FB0];
	_ =	sdelay $0x3  }
0x33: {  	p0 =	seq.s32 s10, $0x1;
	s10 =	sld [smem:$0x3FB2];
	_ =	sdelay $0x3  }
0x34: {  	[smem:$0x3FB2] =	sst s10  }
0x35: {  	s10 =	sld [smem:$0x3FB1];
	_ =	sdelay $0x3  }
0x36: {  	p1 =	seq.s32 s10, $0x1;
	s10 =	sld [smem:$0x3FB2];
	_ =	sdelay $0x3  }
0x37: {  	[smem:$0x3FB2] =	sst s10  }
0x38: {  	s10 =	sld [smem:$0x3FB3]  }
0x39: {  	_ = 	snop;
	(pc) =	sbr.ind lr, $3  }
0x3a: {  	_ = 	snop  }
0x3b: {  	_ = 	snop  }
0x3c: {  	p2 =	seq.s32 s10, $0x1;
	s10 =	sld [smem:$0x3FB2]  }
0x3d: {  	_ =	shalt  }
0x3e: {  	_ =	shalt  }
0x3f: {  	_ =	shalt  }
0x40: {  	_ =	shalt  }
0x41: {  	_ =	shalt  }
0x42: {  	_ =	shalt  }
0x43: {  	_ =	shalt  }
0x44: {  	_ =	shalt  }
0x45: {  	_ =	shalt  }
0x46: {  	_ =	shalt  }
0x47: {  	_ =	shalt  }
0x48: {  	_ =	shalt  }
0x49: {  	_ =	shalt  }
0x4a: {  	_ =	shalt  }
0x4b: {  	_ =	shalt  }
0x4c: {  	_ =	shalt  }
0x4d: {  	_ =	shalt  }
0x4e: {  	_ =	shalt  }
0x4f: {  	_ =	shalt  }
0x50: {  	_ =	shalt  }
0x51: {  	_ =	shalt  }
0x52: {  	_ =	shalt  }
0x53: {  	_ =	shalt  }
0x54: {  	_ =	shalt  }
0x55: {  	_ =	shalt  }
0x56: {  	_ =	shalt  }
0x57: {  	_ =	shalt  }
0x58: {  	_ =	shalt  }
0x59: {  	_ =	shalt  }
0x5a: {  	_ =	shalt  }
0x5b: {  	_ =	shalt  }
0x5c: {  	_ =	shalt  }
0x5d: {  	_ =	shalt  }
0x5e: {  	_ =	shalt  }
0x5f: {  	_ =	shalt  }
0x60: {  	_ =	shalt  }
0x61: {  	_ =	shalt  }
0x62: {  	_ =	shalt  }
0x63: {  	_ =	shalt  }
0x64: {  	_ =	shalt  }
0x65: {  	_ =	shalt  }
0x66: {  	_ =	shalt  }
0x67: {  	_ =	shalt  }
0x68: {  	_ =	shalt  }
0x69: {  	_ =	shalt  }
0x6a: {  	_ =	shalt  }
0x6b: {  	_ =	shalt  }
0x6c: {  	_ =	shalt  }
0x6d: {  	_ =	shalt  }
0x6e: {  	_ =	shalt  }
0x6f: {  	_ =	shalt  }
0x70: {  	_ =	shalt  }
0x71: {  	_ =	shalt  }
0x72: {  	_ =	shalt  }
0x73: {  	_ =	shalt  }
0x74: {  	_ =	shalt  }
0x75: {  	_ =	shalt  }
0x76: {  	_ =	shalt  }
0x77: {  	_ =	shalt  }
0x78: {  	_ =	shalt  }
0x79: {  	_ =	shalt  }
0x7a: {  	_ =	shalt  }
0x7b: {  	_ =	shalt  }
0x7c: {  	_ =	shalt  }
0x7d: {  	_ =	shalt  }
0x7e: {  	_ =	shalt  }
0x7f: {  	_ =	shalt  }
0x80: {  	_ =	shalt  }
0x81: {  	_ =	shalt  }
0x82: {  	_ =	shalt  }
0x83: {  	_ =	shalt  }
0x84: {  	_ =	shalt  }
0x85: {  	_ =	shalt  }
0x86: {  	_ =	shalt  }
0x87: {  	_ =	shalt  }
.Lfunc_end0:
.L_simem_size_0:
called_computation_lowered:
.L_overlay_start_0:
0x88: {  	s2 =	sld [smem:$0x3FD9]  }
0x89: {  	s3 =	sld [smem:$0x3FFE];
	_ =	sdelay $0x1  }
0x8a: {  	s1 =	srdreg.scid  }
0x8b: {  	s0 =	sand.u32 $0x1, s1  }
0x8c: {  	s17 =	sshll.u32 s0, $0xA;
	s2 =	sadd.s32 s3, s2  }
0x8d: {  	s2 =	sadd.s32 s2, s17  }
0x8e: {  	[smem:$0x3FBE] =	sst s2  }
0x8f: {  	_ = 	snop  }
0x90: {  	s2 =	sld [smem:$0x3FD0];
	(tm) =	ssettm $0x1  }
0x91: {  	s18 =	sld [smem:$0x3FFB];
	_ =	sdelay $0x3  }
0x92: {  	_ =	strace s18  }
0x93: {  	s3 =	sld [smem:$0x3FFC];
	_ =	sdelay $0x3  }
0x94: {  	_ =	strace s3  }
0x95: {  	s3 =	sld [smem:$0x3FFD];
	_ =	sdelay $0x3  }
0x96: {  	_ =	strace s3  }
0x97: {  	_ =	strace $0x8FFFFFFF  }
0x98: {  	s19 =	sld [smem:$0x3FDB];
	_ =	sdelay $0x1  }
0x99: {  	s4 =	simm.s32 $_scs_section_size  }
0x9a: {  	s5 =	simm.s32 $_size__tile_overlayer_lowered;
	s6 =	simm.s32 $_tile_overlayer_lowered  }
0x9b: {  	s22 =	simm.s32 $0x1BFF;
	s21 =	sshll.u32 s6, $0x1;
	s3 =	sadd.s32 s4, s19  }
0x9c: {  	s7 =	simm.s32 $0x0;
	s20 =	sshll.u32 s5, $0x1;
	s5 =	sadd.s32 s21, s3  }
0x9d: {  	[timem:s7], [sflag:s22] =	dma.local [hbm:s5], s20  }
0x9e: {  	_ =	swait.ge [sflag:s22], s20  }
0x9f: {  	s4 =	ssub.s32 $0x0, s20;
	[sflag:s22] =	ssyncset.done $0x0  }
0xa0: {  	[sflag:s22] =	ssyncadd.s32 s4;
	_ =	sdelay $0x1  }
0xa1: {  	s23 =	simm.s32 $0x1B8B  }
0xa2: {  	_ =	swait.ge [sflag:s23], $0x1  }
0xa3: {  	[sflag:s23] =	ssyncset.done $0x0  }
0xa4: {  	s25 =	simm.s32 $0x1B8E;
	s24 =	sld [smem:$0x3FFE];
	[sflag:s23] =	ssyncadd.s32 $0xFFFFFFFF  }
0xa5: {  	s26 =	simm.s32 $execute0_lowered;
	[smem:$0x3FD2] =	sst s25  }
0xa6: {  	s5 =	sshll.u32 s26, $0x1;
	_ =	strace $0x80000046;
	[dreg:$0x1] =	wrdreg $0xFFFFFFFF  }
0xa7: {  	s28 =	simm.s32 $_size_execute0_lowered;
	s3 =	sadd.s32 s3, s5;
	[dreg:$0x0] =	wrdreg $0x0  }
0xa8: {  	s5 =	sshll.u32 s28, $0x1;
	[dreg:$0x2] =	wrdreg s3  }
0xa9: {  	[dreg:$0x3] =	wrdreg s5  }
0xaa: {  	[dreg:$0x4] =	wrdreg $0xC0  }
0xab: {  	_ =	task [dreg:s7], $0x5FFFF  }
0xac: {  	[dreg:$0x1] =	wrdreg $0xFFFFFFFF  }
0xad: {  	[dreg:$0x0] =	wrdreg $0x60  }
0xae: {  	[dreg:$0x2] =	wrdreg s2  }
0xaf: {  	[dreg:$0x3] =	wrdreg s24  }
0xb0: {  	[dreg:$0x4] =	wrdreg $0xA2800  }
0xb1: {  	[dreg:$0x5] =	wrdreg $0x9  }
0xb2: {  	_ =	task.clear_ibuf [dreg:s7], $0x6FFFF;
	_ =	strace $0x90000046  }
0xb3: {  	s29 =	simm.s32 $0x9;
	_ =	strace $0x80000048  }
0xb4: {  	_ =	swait.ge [sflag:s29], $0x1  }
0xb5: {  	[sflag:s29] =	ssyncadd.s32 $0xFFFFFFFF  }
0xb6: {  	_ =	strace $0x90000048  }
0xb7: {  	_ =	sfence  }
0xb8: {  	s30 =	sld [smem:$0x0];
	_ =	sdelay $0x2  }
0xb9: {  	s31 =	sshll.u32 s1, $0xD;
	s1 =	sshrl.u32 s1, $0x2  }
0xba: {  	s3 =	sand.u32 $0x4000, s31;
	s1 =	sadd.s32 s1, s30  }
0xbb: {  	s0 =	sor.u32 s3, s0;
	s1 =	sshll.u32 s1, $0x11  }
0xbc: {  	s0 =	sor.u32 s1, s0  }
0xbd: {  	s0 =	sadd.s32 $0x8F2B, s0  }
0xbe: {  	[sflag:s0] =	ssyncadd.remote.s32 $0x1  }
0xbf: {  	_ =	sfence.sel $0xFFFF  }
0xc0: {  	[dreg:$0x0] =	wrdreg $0xFFFFFFFF;
	(pc) =	sbr.abs _section_cstart, $3  }
0xc1: {  	[dreg:$0x1] =	wrdreg $0xFFFFFFFF  }
0xc2: {  	_ =	task.clear_ibuf [dreg:s7], $0x2FFFF;
	_ =	strace $0x9FFFFFFF  }
0xc3: {  	(tm) =	ssettm $0x7FFFFFFF  }
tec
execute0_lowered:
.L_overlay_start_1:
0x0: {  	(tag) =	ssettag $0x1  }
0x1: {  	s0 =	rddreg [dreg:$0x1];
	s11 =	stileid.u32  }
0x2: {  	s1 =	srdreg.scid;
	s2 =	smul.u32 $0x2800, s11  }
0x3: {  	s12 =	rddreg [dreg:$0x2];
	s1 =	sand.u32 $0x1, s1;
	s20 =	smul.u32 $0x50000, s11  }
0x4: {  	s4 =	simm.s32 $0x0;
	s30 =	simm.s32 $0x1;
	s3 =	smul.u32 $0x28000, s1  }
0x5: {  	[smem:$0x7FF] =	sst s4;
	s5 =	sadd.s32 $0x15200, s0;
	s6 =	sadd.s32 $0x63400, s0  }
0x6: {  	s7 =	sadd.s32 $0x1600, s0;
	s2 =	sadd.s32 s2, s3;
	s3 =	sshrl.u32 s20, $0x2  }
0x7: {  	s8 =	sadd.s32 $0xB400, s0;
	s11 =	smul.u32 $0x2710, s11;
	s3 =	sadd.s32 s3, s12  }
0x8: {  	_ =	strace $0x80000047;
	s22 =	sadd.s32 $0x2800, s3;
	[dreg:$0x4] =	wrdreg s3  }
0x9: {  	s21 =	ssub.s32 $0x2, s1;
	s23 =	sadd.s32 $0x5000, s3;
	[dreg:$0x5] =	wrdreg s22  }
0xa: {  	s9 =	smul.u32 $0x27100, s1;
	s24 =	sadd.s32 $0x7800, s3;
	[dreg:$0x6] =	wrdreg s23  }
0xb: {  	s1 =	smul.u32 $0x2710, s1;
	s25 =	sadd.s32 $0xA000, s3;
	[dreg:$0x7] =	wrdreg s24  }
0xc: {  	s10 =	sshrl.u32 s21, $0x1;
	s26 =	sadd.s32 $0xC800, s3;
	[dreg:$0x8] =	wrdreg s25  }
0xd: {  	s20 =	simm.s32 $0x5280;
	s28 =	sadd.s32 $0xF000, s3;
	[dreg:$0x9] =	wrdreg s26  }
0xe: {  	s13 =	sadd.s32 s2, s0;
	s29 =	sadd.s32 $0x11800, s3;
	[dreg:$0xa] =	wrdreg s28  }
0xf: {  	s2 =	ssub.s32 s21, s10;
	s31 =	sadd.s32 $0x545400, s13;
	[dreg:$0xb] =	wrdreg s29  }
0x10: {  	s0 =	smov.u32 s12;
	s2 =	smax.u32 s2, $0x1;
	[dreg:$0xc] =	wrdreg s31  }
0x11: {  	s10 =	sadd.s32 s11, s9;
	s9 =	simm.s32 $0x4;
	[dreg:$0xd] =	wrdreg s2  }
0x12: {  	v1 =	vimm.f32 $0.0e+00;
	v0 =	vmov s1;
	s23 =	simm.s32 $0x3;
	s24 =	simm.s32 $0x50;
	s2 =	simm.s32 $0x0  }
.LBB2_1:
0x13: {  	[dreg:$0xe] =	wrdreg s2;
	s1 =	simm.s32 $0x0;
	s2 =	simm.s32 $0x200  }
.LBB2_2:
0x14: {  	p0 =	sne.s32 s2, $0x9E00;
	[tilespmem:s1+$0x52F0] =	vst v1  }
0x15: {  	[tilespmem:s1+$0x5280] =	vst v1  }
0x16: {  	[tilespmem:s1+$0x5290] =	vst v1  }
.Ltmp0:
0x17: {  	[tilespmem:s1+$0x52A0] =	vst v1;
	(pc) =	sbr.rel @p0 .LBB2_2-.Ltmp0, $4  }
0x18: {  	[tilespmem:s1+$0x52B0] =	vst v1  }
0x19: {  	[tilespmem:s1+$0x52C0] =	vst v1  }
0x1a: {  	[tilespmem:s1+$0x52D0] =	vst v1  }
0x1b: {  	[tilespmem:s1+$0x52E0] =	vst v1;
	s1 =	sshra.s32 s2, $0x2;
	s2 =	sadd.s32 $0x200, s2  }
0x1c: {  	[tilespmem:s1+$0x52F0] =	vst v1  }
0x1d: {  	[tilespmem:s1+$0x5280] =	vst v1  }
0x1e: {  	[tilespmem:s1+$0x5290] =	vst v1  }
0x1f: {  	[tilespmem:s1+$0x52A0] =	vst v1  }
0x20: {  	[tilespmem:s1+$0x52B0] =	vst v1  }
0x21: {  	[tilespmem:s1+$0x52C0] =	vst v1  }
0x22: {  	[tilespmem:s1+$0x52D0] =	vst v1  }
0x23: {  	[tilespmem:s1+$0x52E0] =	vst v1  }
0x24: {  	[spmem:s3] =	stream.linear.scatter [tilespmem:s20], [sflag:$0x4], $0x2800, $0x38;
	[tilespmem:$0x1E280] =	vst v63  }
0x25: {  	_ =	swait.ge [sflag:s9], $0x2800  }
0x26: {  	[sflag:s9] =	ssyncset.done $0x0  }
0x27: {  	s21 =	rddreg [dreg:$0x5];
	[sflag:s9] =	ssyncadd.s32 $0xFFFFD800  }
0x28: {  	[spmem:s21] =	stream.linear.scatter [tilespmem:s20], [sflag:$0x4], $0x2800, $0x38;
	[tilespmem:$0x1E280] =	vst v63  }
0x29: {  	_ =	swait.ge [sflag:s9], $0x2800  }
0x2a: {  	[sflag:s9] =	ssyncset.done $0x0  }
0x2b: {  	s22 =	rddreg [dreg:$0x6];
	[sflag:s9] =	ssyncadd.s32 $0xFFFFD800  }
0x2c: {  	[spmem:s22] =	stream.linear.scatter [tilespmem:s20], [sflag:$0x4], $0x2800, $0x38;
	[tilespmem:$0x1E280] =	vst v63  }
0x2d: {  	_ =	swait.ge [sflag:s9], $0x2800  }
0x2e: {  	[sflag:s9] =	ssyncset.done $0x0  }
0x2f: {  	s25 =	rddreg [dreg:$0x7];
	[sflag:s9] =	ssyncadd.s32 $0xFFFFD800  }
0x30: {  	[spmem:s25] =	stream.linear.scatter [tilespmem:s20], [sflag:$0x4], $0x2800, $0x38;
	[tilespmem:$0x1E280] =	vst v63  }
0x31: {  	_ =	swait.ge [sflag:s9], $0x2800  }
0x32: {  	[sflag:s9] =	ssyncset.done $0x0  }
0x33: {  	s26 =	rddreg [dreg:$0x8];
	[sflag:s9] =	ssyncadd.s32 $0xFFFFD800  }
0x34: {  	[spmem:s26] =	stream.linear.scatter [tilespmem:s20], [sflag:$0x4], $0x2800, $0x38;
	[tilespmem:$0x1E280] =	vst v63  }
0x35: {  	_ =	swait.ge [sflag:s9], $0x2800  }
0x36: {  	[sflag:s9] =	ssyncset.done $0x0  }
0x37: {  	s28 =	rddreg [dreg:$0x9];
	[sflag:s9] =	ssyncadd.s32 $0xFFFFD800  }
0x38: {  	[spmem:s28] =	stream.linear.scatter [tilespmem:s20], [sflag:$0x4], $0x2800, $0x38;
	[tilespmem:$0x1E280] =	vst v63  }
0x39: {  	_ =	swait.ge [sflag:s9], $0x2800  }
0x3a: {  	[sflag:s9] =	ssyncset.done $0x0  }
0x3b: {  	s29 =	rddreg [dreg:$0xa];
	[sflag:s9] =	ssyncadd.s32 $0xFFFFD800  }
0x3c: {  	[spmem:s29] =	stream.linear.scatter [tilespmem:s20], [sflag:$0x4], $0x2800, $0x38;
	[tilespmem:$0x1E280] =	vst v63  }
0x3d: {  	_ =	swait.ge [sflag:s9], $0x2800  }
0x3e: {  	[sflag:s9] =	ssyncset.done $0x0  }
0x3f: {  	s31 =	rddreg [dreg:$0xb];
	[sflag:s9] =	ssyncadd.s32 $0xFFFFD800  }
0x40: {  	[spmem:s31] =	stream.linear.scatter [tilespmem:s20], [sflag:$0x4], $0x2800, $0x38;
	[tilespmem:$0x1E280] =	vst v63  }
0x41: {  	_ =	swait.ge [sflag:s9], $0x2800  }
0x42: {  	[sflag:s9] =	ssyncset.done $0x0  }
0x43: {  	[sflag:s9] =	ssyncadd.s32 $0xFFFFD800  }
0x44: {  	s12 =	simm.s32 $0x0;
	[bflag:$0x0] =	sbarrier.arrive $0xFFFF  }
.LBB2_4:
0x45: {  	s1 =	smul.u32 $0x50, s12;
	_ =	sdelay $0x1  }
0x46: {  	s1 =	sadd.s32 s1, s10  }
0x47: {  	s2 =	sshrl.u32 s1, $0x3  }
0x48: {  	s3 =	sadd.s32 s7, s2  }
0x49: {  	[tilespmem:s4], [sflag:$0x3] =	stream.linear.gather [hbm4b:s3+s4], $0x50, $0x38;
	[tilespmem:$0x1E280] =	vst v63  }
0x4a: {  	s19 =	simm.s32 $0x80;
	s2 =	sadd.s32 s8, s2  }
0x4b: {  	[tilespmem:s19], [sflag:$0x3] =	stream.linear.gather [hbm4b:s2+s4], $0x50, $0x38;
	[tilespmem:$0x1E280] =	vst v63  }
0x4c: {  	_ =	swait.ge [sflag:s23], $0x50  }
0x4d: {  	[sflag:s23] =	ssyncset.done $0x0  }
0x4e: {  	[sflag:s23] =	ssyncadd.s32 $0xFFFFFFB0  }
0x4f: {  	_ =	swait.ge [sflag:s23], $0x50  }
0x50: {  	[sflag:s23] =	ssyncset.done $0x0  }
0x51: {  	[sflag:s23] =	ssyncadd.s32 $0xFFFFFFB0  }
0x52: {  	v2 =	vld [tilespmem:$0x0]  }
0x53: {  	v3 =	vld [tilespmem:$0x80]  }
0x54: {  	v4 =	vld [tilespmem:$0x10]  }
0x55: {  	v5 =	vld [tilespmem:$0x90]  }
0x56: {  	v6 =	vld [tilespmem:$0x20]  }
0x57: {  	v7 =	vld [tilespmem:$0xA0];
	v2 =	vadd.s32 v0, v2  }
0x58: {  	[tilespmem:$0x100] =	vst v2;
	v2 =	vadd.s32 v0, v3;
	v3 =	vld [tilespmem:$0x30]  }
0x59: {  	[tilespmem:$0x180] =	vst v2;
	v2 =	vadd.s32 v0, v4;
	v4 =	vld [tilespmem:$0xB0]  }
0x5a: {  	[tilespmem:$0x110] =	vst v2;
	v2 =	vadd.s32 v0, v5;
	v5 =	vld [tilespmem:$0x40]  }
0x5b: {  	[tilespmem:$0x190] =	vst v2;
	v2 =	vadd.s32 v0, v6;
	v6 =	vld [tilespmem:$0xC0]  }
0x5c: {  	[tilespmem:$0x120] =	vst v2;
	v2 =	vadd.s32 v0, v7  }
0x5d: {  	[tilespmem:$0x1A0] =	vst v2;
	v2 =	vadd.s32 v0, v3  }
0x5e: {  	[tilespmem:$0x130] =	vst v2;
	v2 =	vadd.s32 v0, v4  }
0x5f: {  	[tilespmem:$0x1B0] =	vst v2;
	v2 =	vadd.s32 v0, v5  }
0x60: {  	[tilespmem:$0x140] =	vst v2;
	v2 =	vadd.s32 v0, v6  }
0x61: {  	s22 =	simm.s32 $0x100;
	s9 =	simm.s32 $0x280;
	s21 =	rddreg [dreg:$0x0];
	[tilespmem:$0x1C0] =	vst v2  }
0x62: {  	[tilespmem:s9], [sflag:$0x1] =	stream.indirect.gather [hbm4b:s21+s24], $0x80, s22, s24, $0xb8;
	[tilespmem:$0x1E280] =	vst v63  }
0x63: {  	s25 =	simm.s32 $0x180;
	s26 =	simm.s32 $0x2A80;
	s1 =	sshll.u32 s1, $0x4  }
0x64: {  	[tilespmem:s26], [sflag:$0x1] =	stream.indirect.gather [hbm4b:s5+s24], $0x80, s25, s24, $0xb8;
	[tilespmem:$0x1E280] =	vst v63  }
0x65: {  	p0 =	seq.s32 s12, $0x0;
	s1 =	sadd.s32 s6, s1  }
0x66: {  	[tilespmem:s20], [sflag:$0x1] =	stream.linear.gather [hbm4b:s1+s4], $0x2800, $0x38;
	[tilespmem:$0x1E280] =	vst v63  }
0x67: {  	s1 =	simm.s32 @!p0 $0x2  }
0x68: {  	_ =	swait.ge @!p0 [sflag:s1], $0x2800  }
0x69: {  	[sflag:s1] =	ssyncset.done @!p0 $0x0  }
0x6a: {  	[sflag:s1] =	ssyncadd.s32 @!p0 $0xFFFFD800  }
0x6b: {  	_ =	swait.ge [sflag:s30], $0x2800  }
0x6c: {  	[sflag:s30] =	ssyncset.done $0x0  }
0x6d: {  	[sflag:s30] =	ssyncadd.s32 $0xFFFFD800  }
0x6e: {  	_ =	swait.ge [sflag:s30], $0x2800  }
0x6f: {  	[sflag:s30] =	ssyncset.done $0x0  }
0x70: {  	[sflag:s30] =	ssyncadd.s32 $0xFFFFD800  }
0x71: {  	_ =	swait.ge [sflag:s30], $0x2800  }
0x72: {  	[sflag:s30] =	ssyncset.done $0x0  }
0x73: {  	s3 =	simm.s32 $0x380;
	[sflag:s30] =	ssyncadd.s32 $0xFFFFD800  }
0x74: {  	s1 =	simm.s32 $0x2B80;
	v2 =	vld [tilespmem:s3+$0x80]  }
0x75: {  	v3 =	vld [tilespmem:s1+$0x80]  }
0x76: {  	s26 =	simm.s32 $0x5380  }
0x77: {  	v4 =	vld [tilespmem:s26+$0x80];
	_ =	sdelay $0x2  }
0x78: {  	v2 =	vadd.f32 v3, v2;
	_ =	sdelay $0x1  }
0x79: {  	v2 =	vadd.f32 v4, v2  }
0x7a: {  	v6 =	vld [tilespmem:s3+$0xFFFFFF00]  }
0x7b: {  	v7 =	vld [tilespmem:s1+$0xFFFFFF80];
	v5 =	vsub.f32 $0.0e+00, v2  }
0x7c: {  	v3 =	vld [tilespmem:s1+$0xFFFFFF00]  }
0x7d: {  	v4 =	vld [tilespmem:s3+$0xFFFFFF80];
	v5 =	vmul.f32 $1.442695020e+00, v5  }
0x7e: {  	v8 =	vld [tilespmem:s26+$0xFFFFFF00]  }
0x7f: {  	v9 =	vld [tilespmem:s26+$0xFFFFFF80];
	(erf) = vpow2.f32 v5;
	_ =	sdelay $0x1  }
0x80: {  	v3 =	vadd.f32 v3, v6  }
0x81: {  	v4 =	vadd.f32 v7, v4  }
0x82: {  	v3 =	vadd.f32 v8, v3  }
0x83: {  	v4 =	vadd.f32 v9, v4  }
0x84: {  	v5 =	vsub.f32 $0.0e+00, v3  }
0x85: {  	v6 =	vsub.f32 $0.0e+00, v4  }
0x86: {  	v5 =	vmul.f32 $1.442695020e+00, v5  }
0x87: {  	v6 =	vmul.f32 $1.442695020e+00, v6;
	v7 =	vpop (erf)  }
0x88: {  	(erf) = vpow2.f32 v5;
	v7 =	vadd.f32 $1.000000000e+00, v7  }
0x89: {  	v8 =	vld [tilespmem:s3+$0x0];
	(erf) = vpow2.f32 v6  }
0x8a: {  	v5 =	vld [tilespmem:s1+$0x0];
	(erf) = vrcp.f32 v7;
	_ =	sdelay $0x1  }
0x8b: {  	v6 =	vld [tilespmem:s26+$0x0];
	_ =	sdelay $0x2  }
0x8c: {  	v5 =	vadd.f32 v5, v8;
	_ =	sdelay $0x1  }
0x8d: {  	v5 =	vadd.f32 v6, v5;
	v6 =	vpop (erf)  }
0x8e: {  	v8 =	vpop (erf)  }
0x8f: {  	v7 =	vsub.f32 $0.0e+00, v5;
	v9 =	vpop (erf)  }
0x90: {  	v2 =	vmul.f32 v9, v2  }
0x91: {  	s13 =	simm.s32 $0x7B80;
	v7 =	vmul.f32 $1.442695020e+00, v7  }
0x92: {  	[tilespmem:s13+$0x80] =	vst v2  }
0x93: {  	(erf) = vpow2.f32 v7;
	v2 =	vld [tilespmem:s3+$0x90]  }
0x94: {  	v7 =	vld [tilespmem:s1+$0x90];
	_ =	sdelay $0x1  }
0x95: {  	v9 =	vld [tilespmem:s26+$0x90];
	_ =	sdelay $0x1  }
0x96: {  	v6 =	vadd.f32 $1.000000000e+00, v6  }
0x97: {  	v2 =	vadd.f32 v7, v2  }
0x98: {  	(erf) = vrcp.f32 v6  }
0x99: {  	v7 =	vadd.f32 $1.000000000e+00, v8;
	v2 =	vadd.f32 v9, v2  }
0x9a: {  	v6 =	vpop (erf)  }
0x9b: {  	v6 =	vadd.f32 $1.000000000e+00, v6;
	(erf) = vrcp.f32 v7;
	v7 =	vsub.f32 $0.0e+00, v2;
	_ =	sdelay $0x1  }
0x9c: {  	(erf) = vrcp.f32 v6;
	v6 =	vmul.f32 $1.442695020e+00, v7;
	_ =	sdelay $0x3  }
0x9d: {  	(erf) = vpow2.f32 v6;
	v6 =	vpop (erf)  }
0x9e: {  	v3 =	vmul.f32 v6, v3;
	_ =	sdelay $0x1  }
0x9f: {  	v6 =	vpop (erf)  }
0xa0: {  	v4 =	vmul.f32 v6, v4;
	[tilespmem:s13+$0xFFFFFF00] =	vst v3  }
0xa1: {  	v6 =	vld [tilespmem:s3+$0xFFFFFF10];
	v3 =	vpop (erf)  }
0xa2: {  	[tilespmem:s13+$0xFFFFFF80] =	vst v4;
	v4 =	vld [tilespmem:s1+$0xFFFFFF10];
	v3 =	vmul.f32 v3, v5  }
0xa3: {  	v5 =	vld [tilespmem:s3+$0xFFFFFF90]  }
0xa4: {  	[tilespmem:s13+$0x0] =	vst v3;
	v3 =	vld [tilespmem:s1+$0xFFFFFF90]  }
0xa5: {  	v9 =	vld [tilespmem:s26+$0xFFFFFF10];
	v7 =	vpop (erf)  }
0xa6: {  	v10 =	vld [tilespmem:s26+$0xFFFFFF90];
	v7 =	vadd.f32 $1.000000000e+00, v7  }
0xa7: {  	v8 =	vld [tilespmem:s3+$0x10]  }
0xa8: {  	(erf) = vrcp.f32 v7;
	v7 =	vld [tilespmem:s1+$0x10]  }
0xa9: {  	v3 =	vadd.f32 v3, v5  }
0xaa: {  	v4 =	vadd.f32 v4, v6  }
0xab: {  	v5 =	vld [tilespmem:s26+$0x10];
	v3 =	vadd.f32 v10, v3  }
0xac: {  	v4 =	vadd.f32 v9, v4  }
0xad: {  	v6 =	vadd.f32 v7, v8;
	v8 =	vsub.f32 $0.0e+00, v3  }
0xae: {  	v7 =	vsub.f32 $0.0e+00, v4;
	_ =	sdelay $0x1  }
0xaf: {  	v5 =	vadd.f32 v5, v6;
	v6 =	vmul.f32 $1.442695020e+00, v7  }
0xb0: {  	v7 =	vmul.f32 $1.442695020e+00, v8;
	v8 =	vpop (erf)  }
0xb1: {  	v9 =	vsub.f32 $0.0e+00, v5;
	(erf) = vpow2.f32 v6;
	v2 =	vmul.f32 v8, v2  }
0xb2: {  	(erf) = vpow2.f32 v7  }
0xb3: {  	v6 =	vmul.f32 $1.442695020e+00, v9;
	[tilespmem:s13+$0x90] =	vst v2  }
0xb4: {  	v2 =	vld [tilespmem:s3+$0xA0]  }
0xb5: {  	(erf) = vpow2.f32 v6;
	v6 =	vld [tilespmem:s1+$0xA0];
	_ =	sdelay $0x1  }
0xb6: {  	v7 =	vld [tilespmem:s26+$0xA0];
	_ =	sdelay $0x2  }
0xb7: {  	v8 =	vpop (erf);
	v2 =	vadd.f32 v6, v2  }
0xb8: {  	v6 =	vadd.f32 $1.000000000e+00, v8;
	v8 =	vpop (erf)  }
0xb9: {  	v2 =	vadd.f32 v7, v2;
	v7 =	vadd.f32 $1.000000000e+00, v8  }
0xba: {  	(erf) = vrcp.f32 v6  }
0xbb: {  	(erf) = vrcp.f32 v7  }
0xbc: {  	v6 =	vpop (erf);
	v8 =	vsub.f32 $0.0e+00, v2  }
0xbd: {  	v6 =	vadd.f32 $1.000000000e+00, v6  }
0xbe: {  	v7 =	vmul.f32 $1.442695020e+00, v8  }
0xbf: {  	(erf) = vrcp.f32 v6  }
0xc0: {  	(erf) = vpow2.f32 v7;
	_ =	sdelay $0x2  }
0xc1: {  	v6 =	vpop (erf)  }
0xc2: {  	s25 =	simm.s32 $0x580;
	v8 =	vpop (erf)  }
0xc3: {  	s22 =	simm.s32 $0x2D80;
	v7 =	vld [tilespmem:s25+$0x80];
	v3 =	vmul.f32 v8, v3  }
0xc4: {  	v4 =	vmul.f32 v6, v4;
	v6 =	vld [tilespmem:s22+$0x80]  }
0xc5: {  	s19 =	simm.s32 $0x5580;
	v12 =	vld [tilespmem:s22+$0xFFFFFF00]  }
0xc6: {  	[tilespmem:s13+$0xFFFFFF10] =	vst v4;
	v4 =	vld [tilespmem:s19+$0x80];
	v8 =	vpop (erf)  }
0xc7: {  	v14 =	vld [tilespmem:s25+$0xFFFFFF00];
	[tilespmem:s13+$0xFFFFFF90] =	vst v3;
	v3 =	vpop (erf)  }
0xc8: {  	v15 =	vld [tilespmem:s25+$0x0];
	v3 =	vadd.f32 $1.000000000e+00, v3  }
0xc9: {  	v16 =	vld [tilespmem:s19+$0xFFFFFF00];
	v6 =	vadd.f32 v6, v7  }
0xca: {  	v9 =	vld [tilespmem:s3+$0xFFFFFF20];
	(erf) = vrcp.f32 v3  }
0xcb: {  	v10 =	vld [tilespmem:s1+$0xFFFFFF20];
	v4 =	vadd.f32 v4, v6  }
0xcc: {  	v11 =	vld [tilespmem:s3+$0xFFFFFFA0]  }
0xcd: {  	v6 =	vld [tilespmem:s22+$0xFFFFFF80];
	v13 =	vsub.f32 $0.0e+00, v4  }
0xce: {  	v3 =	vld [tilespmem:s25+$0xFFFFFF80]  }
0xcf: {  	v7 =	vld [tilespmem:s1+$0xFFFFFFA0];
	v5 =	vmul.f32 v8, v5;
	v13 =	vmul.f32 $1.442695020e+00, v13  }
0xd0: {  	v8 =	vld [tilespmem:s19+$0xFFFFFF80]  }
0xd1: {  	[tilespmem:s13+$0x10] =	vst v5;
	v5 =	vld [tilespmem:s19+$0x0];
	(erf) = vpow2.f32 v13  }
0xd2: {  	v12 =	vadd.f32 v12, v14;
	v13 =	vld [tilespmem:s22+$0x0]  }
0xd3: {  	v17 =	vld [tilespmem:s1+$0x20];
	v3 =	vadd.f32 v6, v3;
	v14 =	vpop (erf)  }
0xd4: {  	v12 =	vadd.f32 v16, v12;
	v6 =	vld [tilespmem:s3+$0x20];
	v2 =	vmul.f32 v14, v2  }
0xd5: {  	v3 =	vadd.f32 v8, v3;
	v8 =	vld [tilespmem:s26+$0xFFFFFFA0]  }
0xd6: {  	v16 =	vsub.f32 $0.0e+00, v12;
	v14 =	vld [tilespmem:s26+$0xFFFFFF20];
	[tilespmem:s13+$0xA0] =	vst v2  }
0xd7: {  	v2 =	vadd.f32 v13, v15;
	v15 =	vld [tilespmem:s3+$0xB0]  }
0xd8: {  	v16 =	vmul.f32 $1.442695020e+00, v16;
	v13 =	vsub.f32 $0.0e+00, v3;
	v18 =	vld [tilespmem:s1+$0xB0]  }
0xd9: {  	v9 =	vadd.f32 v10, v9;
	v2 =	vadd.f32 v5, v2;
	v5 =	vld [tilespmem:s26+$0x20]  }
0xda: {  	v7 =	vadd.f32 v7, v11;
	(erf) = vpow2.f32 v16;
	v19 =	vpop (erf);
	v16 =	vld [tilespmem:s26+$0xB0];
	v13 =	vmul.f32 $1.442695020e+00, v13  }
0xdb: {  	v6 =	vadd.f32 v17, v6;
	v10 =	vadd.f32 $1.000000000e+00, v19  }
0xdc: {  	v7 =	vadd.f32 v8, v7;
	v9 =	vadd.f32 v14, v9;
	(erf) = vpow2.f32 v13  }
0xdd: {  	v11 =	vsub.f32 $0.0e+00, v2;
	(erf) = vrcp.f32 v10;
	v8 =	vadd.f32 v18, v15  }
0xde: {  	v5 =	vadd.f32 v5, v6;
	v6 =	vsub.f32 $0.0e+00, v9  }
0xdf: {  	v10 =	vmul.f32 $1.442695020e+00, v11;
	v11 =	vsub.f32 $0.0e+00, v7;
	v8 =	vadd.f32 v16, v8  }
0xe0: {  	v13 =	vsub.f32 $0.0e+00, v5;
	v6 =	vmul.f32 $1.442695020e+00, v6  }
0xe1: {  	(erf) = vpow2.f32 v10;
	v10 =	vmul.f32 $1.442695020e+00, v11;
	v11 =	vsub.f32 $0.0e+00, v8  }
0xe2: {  	v13 =	vmul.f32 $1.442695020e+00, v13;
	_ =	sdelay $0x1  }
0xe3: {  	(erf) = vpow2.f32 v6;
	v6 =	vpop (erf)  }
0xe4: {  	(erf) = vpow2.f32 v10;
	v10 =	vmul.f32 $1.442695020e+00, v11;
	v11 =	vpop (erf)  }
0xe5: {  	(erf) = vpow2.f32 v13;
	v13 =	vpop (erf)  }
0xe6: {  	v4 =	vmul.f32 v13, v4;
	_ =	sdelay $0x1  }
0xe7: {  	(erf) = vpow2.f32 v10  }
0xe8: {  	s14 =	simm.s32 $0x7D80;
	v6 =	vadd.f32 $1.000000000e+00, v6  }
0xe9: {  	v10 =	vadd.f32 $1.000000000e+00, v11;
	[tilespmem:s14+$0x80] =	vst v4;
	v4 =	vpop (erf)  }
0xea: {  	(erf) = vrcp.f32 v6;
	v6 =	vld [tilespmem:s25+$0x90];
	v4 =	vadd.f32 $1.000000000e+00, v4  }
0xeb: {  	(erf) = vrcp.f32 v10;
	v10 =	vld [tilespmem:s22+$0x90];
	v11 =	vpop (erf)  }
0xec: {  	(erf) = vrcp.f32 v4;
	v4 =	vadd.f32 $1.000000000e+00, v11  }
0xed: {  	v13 =	vld [tilespmem:s19+$0x90]  }
0xee: {  	v11 =	vpop (erf)  }
0xef: {  	v11 =	vadd.f32 $1.000000000e+00, v11;
	v14 =	vpop (erf)  }
0xf0: {  	v14 =	vadd.f32 $1.000000000e+00, v14;
	(erf) = vrcp.f32 v4;
	v6 =	vadd.f32 v10, v6;
	v4 =	vpop (erf)  }
0xf1: {  	(erf) = vrcp.f32 v11;
	v4 =	vadd.f32 $1.000000000e+00, v4  }
0xf2: {  	(erf) = vrcp.f32 v14;
	v6 =	vadd.f32 v13, v6  }
0xf3: {  	v10 =	vpop (erf);
	(erf) = vrcp.f32 v4  }
0xf4: {  	v11 =	vsub.f32 $0.0e+00, v6;
	v4 =	vmul.f32 v10, v12  }
0xf5: {  	v10 =	vpop (erf)  }
0xf6: {  	v3 =	vmul.f32 v10, v3;
	v11 =	vmul.f32 $1.442695020e+00, v11;
	[tilespmem:s14+$0xFFFFFF00] =	vst v4  }
0xf7: {  	v10 =	vld [tilespmem:s25+$0xFFFFFF10]  }
0xf8: {  	[tilespmem:s14+$0xFFFFFF80] =	vst v3;
	v3 =	vld [tilespmem:s22+$0xFFFFFF10];
	(erf) = vpow2.f32 v11;
	v4 =	vpop (erf)  }
0xf9: {  	v17 =	vld [tilespmem:s19+$0xFFFFFF10];
	v2 =	vmul.f32 v4, v2;
	v12 =	vpop (erf)  }
0xfa: {  	v4 =	vld [tilespmem:s25+$0xFFFFFF90];
	v11 =	vpop (erf)  }
0xfb: {  	[tilespmem:s14+$0x0] =	vst v2;
	v2 =	vld [tilespmem:s22+$0xFFFFFF90];
	v14 =	vpop (erf)  }
0xfc: {  	v13 =	vld [tilespmem:s25+$0x10];
	v16 =	vpop (erf)  }
0xfd: {  	v15 =	vld [tilespmem:s22+$0x10];
	v8 =	vmul.f32 v16, v8  }
0xfe: {  	v16 =	vld [tilespmem:s19+$0xFFFFFF90]  }
0xff: {  	v18 =	vld [tilespmem:s19+$0x10];
	v3 =	vadd.f32 v3, v10;
	[tilespmem:s13+$0xB0] =	vst v8  }
0x100: {  	v8 =	vld [tilespmem:s3+$0xC0]  }
0x101: {  	v3 =	vadd.f32 v17, v3;
	v2 =	vadd.f32 v2, v4;
	v4 =	vpop (erf);
	v10 =	vld [tilespmem:s1+$0xC0]  }
0x102: {  	v9 =	vmul.f32 v12, v9;
	v12 =	vadd.f32 v15, v13;
	v4 =	vadd.f32 $1.000000000e+00, v4  }
0x103: {  	v13 =	vld [tilespmem:s26+$0xC0];
	v15 =	vadd.f32 v16, v2;
	v2 =	vsub.f32 $0.0e+00, v3  }
0x104: {  	v7 =	vmul.f32 v11, v7  }
0x105: {  	[tilespmem:s13+$0xFFFFFF20] =	vst v9;
	v9 =	vadd.f32 v18, v12;
	(erf) = vrcp.f32 v4;
	v2 =	vmul.f32 $1.442695020e+00, v2  }
0x106: {  	[tilespmem:s13+$0xFFFFFFA0] =	vst v7;
	v7 =	vld [tilespmem:s1+$0xFFFFFF30];
	v11 =	vsub.f32 $0.0e+00, v15;
	v8 =	vadd.f32 v10, v8  }
0x107: {  	v5 =	vmul.f32 v14, v5;
	v4 =	vld [tilespmem:s3+$0xFFFFFF30];
	v10 =	vsub.f32 $0.0e+00, v9;
	(erf) = vpow2.f32 v2  }
0x108: {  	v11 =	vmul.f32 $1.442695020e+00, v11;
	v8 =	vadd.f32 v13, v8  }
0x109: {  	[tilespmem:s13+$0x20] =	vst v5;
	v5 =	vld [tilespmem:s26+$0xFFFFFF30];
	v10 =	vmul.f32 $1.442695020e+00, v10  }
0x10a: {  	v13 =	vld [tilespmem:s3+$0x30];
	(erf) = vpow2.f32 v11;
	v11 =	vsub.f32 $0.0e+00, v8  }
0x10b: {  	(erf) = vpow2.f32 v10;
	v10 =	vld [tilespmem:s1+$0x30]  }
0x10c: {  	v12 =	vld [tilespmem:s3+$0xFFFFFFB0];
	v4 =	vadd.f32 v7, v4;
	v11 =	vmul.f32 $1.442695020e+00, v11  }
0x10d: {  	v2 =	vld [tilespmem:s1+$0xFFFFFFB0]  }
0x10e: {  	v14 =	vld [tilespmem:s26+$0x30];
	v4 =	vadd.f32 v5, v4;
	v16 =	vpop (erf)  }
0x10f: {  	v7 =	vld [tilespmem:s26+$0xFFFFFFB0];
	v5 =	vmul.f32 v16, v6  }
0x110: {  	(erf) = vpow2.f32 v11;
	v6 =	vadd.f32 v10, v13;
	v10 =	vsub.f32 $0.0e+00, v4;
	v11 =	vpop (erf)  }
0x111: {  	[tilespmem:s14+$0x90] =	vst v5;
	v5 =	vadd.f32 $1.000000000e+00, v11  }
0x112: {  	v2 =	vadd.f32 v2, v12;
	_ =	sdelay $0x1  }
0x113: {  	v7 =	vadd.f32 v7, v2;
	v2 =	vadd.f32 v14, v6;
	v6 =	vmul.f32 $1.442695020e+00, v10;
	v10 =	vpop (erf)  }
0x114: {  	(erf) = vrcp.f32 v5;
	v10 =	vadd.f32 $1.000000000e+00, v10;
	v5 =	vpop (erf)  }
0x115: {  	v12 =	vld [tilespmem:s22+$0xA0];
	(erf) = vpow2.f32 v6;
	v5 =	vadd.f32 $1.000000000e+00, v5  }
0x116: {  	v13 =	vsub.f32 $0.0e+00, v7;
	v11 =	vld [tilespmem:s25+$0xA0];
	(erf) = vrcp.f32 v10  }
0x117: {  	v14 =	vsub.f32 $0.0e+00, v2  }
0x118: {  	v16 =	vld [tilespmem:s19+$0xA0];
	v6 =	vmul.f32 $1.442695020e+00, v13  }
0x119: {  	v10 =	vmul.f32 $1.442695020e+00, v14;
	(erf) = vrcp.f32 v5;
	v5 =	vpop (erf)  }
0x11a: {  	(erf) = vpow2.f32 v6;
	v5 =	vadd.f32 $1.000000000e+00, v5  }
0x11b: {  	v6 =	vadd.f32 v12, v11;
	(erf) = vpow2.f32 v10  }
0x11c: {  	(erf) = vrcp.f32 v5  }
0x11d: {  	v6 =	vadd.f32 v16, v6;
	v10 =	vpop (erf)  }
0x11e: {  	v3 =	vmul.f32 v10, v3;
	v10 =	vpop (erf)  }
0x11f: {  	v5 =	vsub.f32 $0.0e+00, v6;
	v11 =	vpop (erf)  }
0x120: {  	[tilespmem:s14+$0xFFFFFF10] =	vst v3;
	v3 =	vmul.f32 v11, v15  }
0x121: {  	v5 =	vmul.f32 $1.442695020e+00, v5  }
0x122: {  	s17 =	simm.s32 $0x780;
	v11 =	vpop (erf)  }
0x123: {  	s16 =	simm.s32 $0x5780;
	v20 =	vld [tilespmem:s17+$0xFFFFFF00];
	(erf) = vpow2.f32 v5;
	v12 =	vpop (erf)  }
0x124: {  	v23 =	vld [tilespmem:s16+$0xFFFFFF80];
	[tilespmem:s14+$0xFFFFFF90] =	vst v3;
	v3 =	vpop (erf)  }
0x125: {  	s18 =	simm.s32 $0x2F80;
	v16 =	vld [tilespmem:s17+$0x80];
	v15 =	vpop (erf)  }
0x126: {  	v8 =	vmul.f32 v15, v8;
	v15 =	vld [tilespmem:s18+$0x80]  }
0x127: {  	v17 =	vld [tilespmem:s16+$0x80]  }
0x128: {  	v13 =	vld [tilespmem:s22+$0xFFFFFF20];
	[tilespmem:s13+$0xC0] =	vst v8;
	v8 =	vadd.f32 $1.000000000e+00, v10  }
0x129: {  	v12 =	vadd.f32 $1.000000000e+00, v12;
	v10 =	vld [tilespmem:s3+$0xD0]  }
0x12a: {  	v18 =	vld [tilespmem:s1+$0xD0];
	(erf) = vrcp.f32 v8  }
0x12b: {  	v5 =	vld [tilespmem:s25+$0xFFFFFF20];
	(erf) = vrcp.f32 v12;
	v12 =	vadd.f32 v15, v16  }
0x12c: {  	v9 =	vmul.f32 v11, v9;
	v11 =	vld [tilespmem:s16+$0xFFFFFF00];
	v3 =	vadd.f32 $1.000000000e+00, v3;
	v19 =	vpop (erf)  }
0x12d: {  	v15 =	vadd.f32 $1.000000000e+00, v19;
	v16 =	vld [tilespmem:s26+$0xD0];
	v12 =	vadd.f32 v17, v12  }
0x12e: {  	v14 =	vld [tilespmem:s25+$0xFFFFFFA0];
	(erf) = vrcp.f32 v3  }
0x12f: {  	v19 =	vld [tilespmem:s17+$0xFFFFFF80];
	(erf) = vrcp.f32 v15;
	v10 =	vadd.f32 v18, v10;
	v18 =	vsub.f32 $0.0e+00, v12  }
0x130: {  	v3 =	vld [tilespmem:s18+$0xFFFFFF00]  }
0x131: {  	v17 =	vld [tilespmem:s17+$0x0];
	v18 =	vmul.f32 $1.442695020e+00, v18  }
0x132: {  	v10 =	vadd.f32 v16, v10;
	v16 =	vld [tilespmem:s18+$0x0]  }
0x133: {  	[tilespmem:s14+$0x10] =	vst v9;
	v15 =	vld [tilespmem:s18+$0xFFFFFF80];
	(erf) = vpow2.f32 v18  }
0x134: {  	v25 =	vld [tilespmem:s25+$0x20];
	v21 =	vsub.f32 $0.0e+00, v10  }
0x135: {  	v22 =	vpop (erf);
	v18 =	vld [tilespmem:s16+$0x0]  }
0x136: {  	v8 =	vld [tilespmem:s22+$0xFFFFFFA0];
	v9 =	vpop (erf);
	v21 =	vmul.f32 $1.442695020e+00, v21  }
0x137: {  	v3 =	vadd.f32 v3, v20;
	v24 =	vpop (erf);
	v16 =	vadd.f32 v16, v17;
	v17 =	vld [tilespmem:s19+$0xFFFFFF20]  }
0x138: {  	v5 =	vadd.f32 v13, v5;
	v13 =	vld [tilespmem:s19+$0xFFFFFFA0];
	v15 =	vadd.f32 v15, v19;
	v20 =	vpop (erf);
	(erf) = vpow2.f32 v21  }
0x139: {  	v19 =	vld [tilespmem:s22+$0x20];
	v11 =	vadd.f32 v11, v3;
	v3 =	vmul.f32 v20, v6  }
0x13a: {  	v6 =	vadd.f32 v23, v15;
	v15 =	vadd.f32 v18, v16  }
0x13b: {  	v16 =	vld [tilespmem:s19+$0x20];
	v18 =	vsub.f32 $0.0e+00, v11;
	[tilespmem:s14+$0xA0] =	vst v3;
	v3 =	vadd.f32 v8, v14  }
0x13c: {  	v20 =	vmul.f32 v22, v4;
	v8 =	vsub.f32 $0.0e+00, v6;
	v14 =	vld [tilespmem:s25+$0xB0];
	v5 =	vadd.f32 v17, v5;
	v17 =	vpop (erf)  }
0x13d: {  	v18 =	vmul.f32 $1.442695020e+00, v18;
	v21 =	vld [tilespmem:s22+$0xB0];
	v3 =	vadd.f32 v13, v3;
	v13 =	vadd.f32 $1.000000000e+00, v17  }
0x13e: {  	v19 =	vadd.f32 v19, v25;
	v4 =	vsub.f32 $0.0e+00, v15;
	v8 =	vmul.f32 $1.442695020e+00, v8  }
0x13f: {  	v7 =	vmul.f32 v9, v7;
	(erf) = vpow2.f32 v18  }
0x140: {  	v18 =	vmul.f32 $1.442695020e+00, v4;
	v4 =	vadd.f32 v16, v19;
	(erf) = vpow2.f32 v8  }
0x141: {  	v17 =	vld [tilespmem:s19+$0xB0];
	v8 =	vsub.f32 $0.0e+00, v5;
	v16 =	vsub.f32 $0.0e+00, v3;
	(erf) = vrcp.f32 v13;
	v13 =	vpop (erf)  }
0x142: {  	[tilespmem:s13+$0xFFFFFF30] =	vst v20;
	v9 =	vadd.f32 v21, v14;
	v13 =	vadd.f32 $1.000000000e+00, v13  }
0x143: {  	[tilespmem:s13+$0xFFFFFFB0] =	vst v7;
	v7 =	vld [tilespmem:s1+$0xFFFFFF40];
	v14 =	vsub.f32 $0.0e+00, v4;
	v8 =	vmul.f32 $1.442695020e+00, v8;
	(erf) = vpow2.f32 v18  }
0x144: {  	v16 =	vmul.f32 $1.442695020e+00, v16;
	v18 =	vld [tilespmem:s3+$0xFFFFFF40];
	(erf) = vrcp.f32 v13  }
0x145: {  	v13 =	vmul.f32 $1.442695020e+00, v14;
	(erf) = vpow2.f32 v8  }
0x146: {  	v9 =	vadd.f32 v17, v9;
	v8 =	vld [tilespmem:s3+$0xFFFFFFC0];
	(erf) = vpow2.f32 v16  }
0x147: {  	v2 =	vmul.f32 v24, v2;
	v16 =	vld [tilespmem:s1+$0xFFFFFFC0];
	(erf) = vpow2.f32 v13  }
0x148: {  	v14 =	vsub.f32 $0.0e+00, v9;
	v17 =	vpop (erf);
	v13 =	vld [tilespmem:s26+$0xFFFFFF40]  }
0x149: {  	[tilespmem:s13+$0x30] =	vst v2;
	v19 =	vld [tilespmem:s26+$0xFFFFFFC0];
	v2 =	vadd.f32 v7, v18;
	v20 =	vpop (erf);
	v7 =	vadd.f32 $1.000000000e+00, v17  }
0x14a: {  	v14 =	vmul.f32 $1.442695020e+00, v14;
	v21 =	vpop (erf)  }
0x14b: {  	v12 =	vmul.f32 v21, v12  }
0x14c: {  	s15 =	simm.s32 $0x7F80;
	v17 =	vld [tilespmem:s1+$0x40];
	(erf) = vpow2.f32 v14;
	v8 =	vadd.f32 v16, v8;
	v16 =	vpop (erf)  }
0x14d: {  	v14 =	vld [tilespmem:s3+$0x40];
	(erf) = vrcp.f32 v7;
	[tilespmem:s15+$0x80] =	vst v12;
	v2 =	vadd.f32 v13, v2;
	v13 =	vadd.f32 $1.000000000e+00, v20;
	v7 =	vpop (erf)  }
0x14e: {  	v12 =	vadd.f32 $1.000000000e+00, v16;
	v16 =	vld [tilespmem:s17+$0x90];
	v8 =	vadd.f32 v19, v8;
	v18 =	vpop (erf)  }
0x14f: {  	(erf) = vrcp.f32 v13;
	v7 =	vmul.f32 v7, v10;
	v10 =	vld [tilespmem:s18+$0x90];
	v13 =	vadd.f32 $1.000000000e+00, v18;
	v18 =	vpop (erf)  }
0x150: {  	v22 =	vld [tilespmem:s16+$0x90];
	(erf) = vrcp.f32 v12;
	v21 =	vsub.f32 $0.0e+00, v8;
	v12 =	vadd.f32 $1.000000000e+00, v18;
	v18 =	vpop (erf)  }
0x151: {  	v19 =	vld [tilespmem:s26+$0x40];
	v20 =	vsub.f32 $0.0e+00, v2;
	[tilespmem:s13+$0xD0] =	vst v7;
	v7 =	vadd.f32 $1.000000000e+00, v18;
	(erf) = vrcp.f32 v13  }
0x152: {  	v18 =	vld [tilespmem:s3+$0xE0];
	(erf) = vrcp.f32 v12;
	v12 =	vadd.f32 v17, v14;
	v14 =	vmul.f32 $1.442695020e+00, v21  }
0x153: {  	v13 =	vmul.f32 $1.442695020e+00, v20;
	v17 =	vld [tilespmem:s1+$0xE0]  }
0x154: {  	(erf) = vrcp.f32 v7;
	v10 =	vadd.f32 v10, v16  }
0x155: {  	v7 =	vpop (erf);
	(erf) = vpow2.f32 v13;
	v13 =	vld [tilespmem:s26+$0xE0]  }
0x156: {  	v10 =	vadd.f32 v22, v10;
	v7 =	vadd.f32 $1.000000000e+00, v7;
	(erf) = vpow2.f32 v14;
	v14 =	vpop (erf)  }
0x157: {  	v12 =	vadd.f32 v19, v12;
	v11 =	vmul.f32 v14, v11  }
0x158: {  	v16 =	vadd.f32 v17, v18;
	v17 =	vsub.f32 $0.0e+00, v10;
	(erf) = vrcp.f32 v7  }
0x159: {  	v7 =	vsub.f32 $0.0e+00, v12  }
0x15a: {  	v14 =	vpop (erf);
	v13 =	vadd.f32 v13, v16;
	v16 =	vmul.f32 $1.442695020e+00, v17  }
0x15b: {  	v6 =	vmul.f32 v14, v6;
	[tilespmem:s15+$0xFFFFFF00] =	vst v11;
	v7 =	vmul.f32 $1.442695020e+00, v7;
	v11 =	vpop (erf)  }
0x15c: {  	v14 =	vld [tilespmem:s17+$0xFFFFFF10];
	v17 =	vpop (erf)  }
0x15d: {  	[tilespmem:s15+$0xFFFFFF80] =	vst v6;
	v22 =	vld [tilespmem:s16+$0xFFFFFF10];
	(erf) = vpow2.f32 v7;
	v6 =	vmul.f32 v11, v15;
	v11 =	vpop (erf)  }
0x15e: {  	v7 =	vld [tilespmem:s18+$0xFFFFFF10];
	(erf) = vpow2.f32 v16;
	v16 =	vpop (erf)  }
0x15f: {  	v15 =	vld [tilespmem:s17+$0xFFFFFF90];
	v18 =	vsub.f32 $0.0e+00, v13;
	v19 =	vpop (erf)  }
0x160: {  	[tilespmem:s15+$0x0] =	vst v6;
	v6 =	vld [tilespmem:s18+$0xFFFFFF90];
	v21 =	vpop (erf)  }
0x161: {  	v18 =	vmul.f32 $1.442695020e+00, v18;
	v20 =	vld [tilespmem:s17+$0x10];
	v23 =	vpop (erf)  }
0x162: {  	v24 =	vld [tilespmem:s18+$0x10];
	v9 =	vmul.f32 v23, v9  }
0x163: {  	(erf) = vpow2.f32 v18;
	v18 =	vadd.f32 $1.000000000e+00, v19;
	v19 =	vld [tilespmem:s16+$0xFFFFFF90]  }
0x164: {  	v7 =	vadd.f32 v7, v14;
	v14 =	vld [tilespmem:s16+$0x10];
	[tilespmem:s14+$0xB0] =	vst v9  }
0x165: {  	(erf) = vrcp.f32 v18;
	v18 =	vld [tilespmem:s25+$0xC0]  }
0x166: {  	v5 =	vmul.f32 v17, v5;
	v17 =	vadd.f32 v22, v7;
	v9 =	vadd.f32 $1.000000000e+00, v21;
	v7 =	vld [tilespmem:s22+$0xC0]  }
0x167: {  	v6 =	vadd.f32 v6, v15;
	v15 =	vpop (erf)  }
0x168: {  	v15 =	vadd.f32 $1.000000000e+00, v15;
	(erf) = vrcp.f32 v9;
	v9 =	vadd.f32 v24, v20;
	v20 =	vpop (erf)  }
0x169: {  	v3 =	vmul.f32 v11, v3;
	v11 =	vadd.f32 $1.000000000e+00, v20;
	v20 =	vld [tilespmem:s19+$0xC0]  }
0x16a: {  	[tilespmem:s14+$0xFFFFFF20] =	vst v5;
	v5 =	vsub.f32 $0.0e+00, v17;
	(erf) = vrcp.f32 v15;
	v15 =	vadd.f32 v19, v6  }
0x16b: {  	v4 =	vmul.f32 v16, v4;
	v16 =	vld [tilespmem:s25+$0xFFFFFF30];
	[tilespmem:s14+$0xFFFFFFA0] =	vst v3;
	v3 =	vadd.f32 v14, v9;
	v7 =	vadd.f32 v7, v18  }
0x16c: {  	v5 =	vmul.f32 $1.442695020e+00, v5;
	v6 =	vld [tilespmem:s22+$0xFFFFFF30];
	(erf) = vrcp.f32 v11;
	v11 =	vsub.f32 $0.0e+00, v15;
	v14 =	vpop (erf)  }
0x16d: {  	[tilespmem:s14+$0x20] =	vst v4;
	v9 =	vld [tilespmem:s25+$0xFFFFFFB0];
	v4 =	vsub.f32 $0.0e+00, v3;
	v14 =	vadd.f32 $1.000000000e+00, v14  }
0x16e: {  	v18 =	vld [tilespmem:s22+$0xFFFFFFB0];
	(erf) = vpow2.f32 v5;
	v5 =	vmul.f32 $1.442695020e+00, v11;
	v19 =	vadd.f32 v20, v7  }
0x16f: {  	v11 =	vld [tilespmem:s25+$0x30];
	v4 =	vmul.f32 $1.442695020e+00, v4;
	v7 =	vpop (erf);
	(erf) = vrcp.f32 v14  }
0x170: {  	v20 =	vld [tilespmem:s19+$0xFFFFFF30];
	(erf) = vpow2.f32 v5;
	v5 =	vsub.f32 $0.0e+00, v19  }
0x171: {  	v14 =	vld [tilespmem:s22+$0x30];
	v2 =	vmul.f32 v7, v2;
	v7 =	vpop (erf);
	(erf) = vpow2.f32 v4;
	v4 =	vadd.f32 v6, v16  }
0x172: {  	v21 =	vld [tilespmem:s19+$0xFFFFFFB0]  }
0x173: {  	v6 =	vmul.f32 v7, v8;
	v7 =	vld [tilespmem:s19+$0x30];
	[tilespmem:s13+$0xFFFFFF40] =	vst v2  }
0x174: {  	v2 =	vmul.f32 $1.442695020e+00, v5;
	v16 =	vld [tilespmem:s3+$0xFFFFFF50];
	v5 =	vpop (erf)  }
0x175: {  	v8 =	vadd.f32 v18, v9;
	[tilespmem:s13+$0xFFFFFFC0] =	vst v6;
	v18 =	vld [tilespmem:s1+$0xFFFFFF50];
	v6 =	vadd.f32 v20, v4;
	v4 =	vpop (erf)  }
0x176: {  	(erf) = vpow2.f32 v2;
	v2 =	vadd.f32 v14, v11;
	v11 =	vld [tilespmem:s3+$0xFFFFFFD0];
	v4 =	vmul.f32 v4, v10  }
0x177: {  	v8 =	vadd.f32 v21, v8;
	v14 =	vsub.f32 $0.0e+00, v6;
	v10 =	vld [tilespmem:s1+$0xFFFFFFD0];
	v20 =	vpop (erf)  }
0x178: {  	v9 =	vadd.f32 v7, v2;
	v2 =	vld [tilespmem:s26+$0xFFFFFF50];
	v7 =	vadd.f32 $1.000000000e+00, v20;
	[tilespmem:s15+$0x90] =	vst v4  }
0x179: {  	v4 =	vmul.f32 v5, v12;
	v12 =	vpop (erf);
	v20 =	vld [tilespmem:s17+$0xA0]  }
0x17a: {  	v14 =	vmul.f32 $1.442695020e+00, v14;
	v5 =	vsub.f32 $0.0e+00, v8;
	v22 =	vpop (erf);
	v23 =	vld [tilespmem:s18+$0xA0];
	(erf) = vrcp.f32 v7  }
0x17b: {  	v7 =	vadd.f32 v18, v16;
	v16 =	vld [tilespmem:s26+$0xFFFFFFD0];
	v12 =	vmul.f32 v12, v13;
	v13 =	vadd.f32 $1.000000000e+00, v22;
	v18 =	vpop (erf)  }
0x17c: {  	(erf) = vpow2.f32 v14;
	v18 =	vadd.f32 $1.000000000e+00, v18  }
0x17d: {  	[tilespmem:s13+$0x40] =	vst v4;
	v4 =	vmul.f32 $1.442695020e+00, v5;
	v22 =	vld [tilespmem:s16+$0xA0];
	(erf) = vrcp.f32 v13  }
0x17e: {  	v21 =	vsub.f32 $0.0e+00, v9;
	v10 =	vadd.f32 v10, v11;
	(erf) = vrcp.f32 v18  }
0x17f: {  	v14 =	vld [tilespmem:s3+$0x50];
	[tilespmem:s13+$0xE0] =	vst v12;
	v5 =	vadd.f32 v2, v7;
	v7 =	vpop (erf);
	(erf) = vpow2.f32 v4;
	v4 =	vadd.f32 v23, v20  }
0x180: {  	v2 =	vld [tilespmem:s3+$0xF0];
	v12 =	vadd.f32 $1.000000000e+00, v7;
	v7 =	vadd.f32 v16, v10  }
0x181: {  	v11 =	vld [tilespmem:s1+$0xF0];
	v10 =	vsub.f32 $0.0e+00, v5  }
0x182: {  	v21 =	vmul.f32 $1.442695020e+00, v21;
	v13 =	vld [tilespmem:s1+$0x50];
	v18 =	vadd.f32 v22, v4;
	v4 =	vsub.f32 $0.0e+00, v7  }
0x183: {  	v16 =	vld [tilespmem:s26+$0xF0];
	v10 =	vmul.f32 $1.442695020e+00, v10  }
0x184: {  	(erf) = vpow2.f32 v21;
	v4 =	vmul.f32 $1.442695020e+00, v4  }
0x185: {  	(erf) = vrcp.f32 v12;
	v12 =	vld [tilespmem:s26+$0x50]  }
0x186: {  	v2 =	vadd.f32 v11, v2;
	v20 =	vsub.f32 $0.0e+00, v18;
	v21 =	vpop (erf)  }
0x187: {  	v13 =	vadd.f32 v13, v14;
	v11 =	vmul.f32 v21, v17;
	(erf) = vpow2.f32 v10;
	v10 =	vpop (erf)  }
0x188: {  	v17 =	vmul.f32 $1.442695020e+00, v20;
	v2 =	vadd.f32 v16, v2;
	(erf) = vpow2.f32 v4;
	v4 =	vpop (erf)  }
0x189: {  	[tilespmem:s15+$0xFFFFFF10] =	vst v11;
	v11 =	vmul.f32 v4, v15  }
0x18a: {  	v14 =	vpop (erf);
	(erf) = vpow2.f32 v17;
	v4 =	vadd.f32 v12, v13;
	v12 =	vsub.f32 $0.0e+00, v2  }
0x18b: {  	v10 =	vadd.f32 $1.000000000e+00, v10;
	v15 =	vld [tilespmem:s17+$0xFFFFFF20];
	v13 =	vpop (erf)  }
0x18c: {  	s2 =	simm.s32 $0x980;
	v16 =	vld [tilespmem:s18+$0xFFFFFF20];
	v12 =	vmul.f32 $1.442695020e+00, v12  }
0x18d: {  	s9 =	simm.s32 $0x3180;
	[tilespmem:s15+$0xFFFFFF90] =	vst v11;
	(erf) = vrcp.f32 v10;
	v10 =	vld [tilespmem:s2+$0x80];
	v11 =	vpop (erf)  }
0x18e: {  	(erf) = vpow2.f32 v12;
	v12 =	vld [tilespmem:s9+$0x80];
	v21 =	vpop (erf)  }
0x18f: {  	s11 =	simm.s32 $0x5980;
	v13 =	vadd.f32 $1.000000000e+00, v13;
	v27 =	vld [tilespmem:s2+$0xFFFFFF00];
	v19 =	vmul.f32 v21, v19  }
0x190: {  	v17 =	vsub.f32 $0.0e+00, v4;
	v30 =	vld [tilespmem:s11+$0xFFFFFF80]  }
0x191: {  	v11 =	vadd.f32 $1.000000000e+00, v11;
	(erf) = vrcp.f32 v13;
	v13 =	vld [tilespmem:s11+$0x80]  }
0x192: {  	v20 =	vld [tilespmem:s17+$0xFFFFFFA0];
	v17 =	vmul.f32 $1.442695020e+00, v17;
	[tilespmem:s14+$0xC0] =	vst v19  }
0x193: {  	v10 =	vadd.f32 v12, v10;
	v19 =	vpop (erf);
	(erf) = vrcp.f32 v11;
	v11 =	vld [tilespmem:s25+$0xD0]  }
0x194: {  	v3 =	vmul.f32 v14, v3;
	v19 =	vadd.f32 $1.000000000e+00, v19;
	v21 =	vpop (erf);
	(erf) = vpow2.f32 v17;
	v17 =	vld [tilespmem:s22+$0xD0]  }
0x195: {  	v22 =	vld [tilespmem:s18+$0xFFFFFFA0];
	v21 =	vadd.f32 $1.000000000e+00, v21;
	v23 =	vpop (erf)  }
0x196: {  	[tilespmem:s15+$0x10] =	vst v3;
	v24 =	vadd.f32 v13, v10;
	(erf) = vrcp.f32 v19;
	v12 =	vadd.f32 $1.000000000e+00, v23;
	v19 =	vld [tilespmem:s19+$0xD0]  }
0x197: {  	v32 =	vld [tilespmem:s17+$0x20];
	v10 =	vpop (erf);
	(erf) = vrcp.f32 v21  }
0x198: {  	v23 =	vld [tilespmem:s9+$0xFFFFFF00];
	v25 =	vsub.f32 $0.0e+00, v24;
	v13 =	vpop (erf);
	(erf) = vrcp.f32 v12  }
0x199: {  	v21 =	vld [tilespmem:s2+$0xFFFFFF80];
	v13 =	vadd.f32 $1.000000000e+00, v13;
	v11 =	vadd.f32 v17, v11  }
0x19a: {  	v25 =	vmul.f32 $1.442695020e+00, v25;
	v17 =	vld [tilespmem:s2+$0x0]  }
0x19b: {  	v26 =	vpop (erf);
	(erf) = vrcp.f32 v13;
	v19 =	vadd.f32 v19, v11;
	v11 =	vld [tilespmem:s9+$0x0]  }
0x19c: {  	v12 =	vld [tilespmem:s9+$0xFFFFFF80];
	(erf) = vpow2.f32 v25;
	v28 =	vpop (erf)  }
0x19d: {  	v13 =	vld [tilespmem:s11+$0xFFFFFF00];
	v14 =	vpop (erf);
	v29 =	vsub.f32 $0.0e+00, v19  }
0x19e: {  	v15 =	vadd.f32 v16, v15;
	v16 =	vld [tilespmem:s18+$0x20];
	v14 =	vadd.f32 $1.000000000e+00, v14  }
0x19f: {  	v3 =	vld [tilespmem:s11+$0x0];
	v25 =	vpop (erf);
	v29 =	vmul.f32 $1.442695020e+00, v29  }
0x1a0: {  	v31 =	vpop (erf);
	(erf) = vrcp.f32 v14;
	v14 =	vadd.f32 v23, v27;
	v11 =	vadd.f32 v11, v17;
	v17 =	vld [tilespmem:s16+$0xFFFFFF20]  }
0x1a1: {  	v12 =	vadd.f32 v12, v21;
	v21 =	vpop (erf);
	(erf) = vpow2.f32 v29  }
0x1a2: {  	v20 =	vadd.f32 v22, v20;
	v14 =	vadd.f32 v13, v14;
	v18 =	vmul.f32 v21, v18  }
0x1a3: {  	v16 =	vadd.f32 v16, v32;
	v13 =	vadd.f32 v30, v12;
	v21 =	vld [tilespmem:s16+$0xFFFFFFA0]  }
0x1a4: {  	v6 =	vmul.f32 v10, v6;
	v12 =	vadd.f32 v3, v11;
	v11 =	vld [tilespmem:s16+$0x20];
	v3 =	vpop (erf);
	v22 =	vsub.f32 $0.0e+00, v14;
	[tilespmem:s15+$0xA0] =	vst v18  }
0x1a5: {  	v23 =	vmul.f32 v28, v9;
	v10 =	vsub.f32 $0.0e+00, v13;
	v18 =	vld [tilespmem:s17+$0xB0];
	v9 =	vadd.f32 v17, v15;
	v15 =	vpop (erf)  }
0x1a6: {  	v27 =	vld [tilespmem:s18+$0xB0];
	v22 =	vmul.f32 $1.442695020e+00, v22;
	v15 =	vadd.f32 $1.000000000e+00, v15  }
0x1a7: {  	v8 =	vmul.f32 v26, v8;
	v26 =	vsub.f32 $0.0e+00, v12;
	v60 =	vmul.f32 $1.442695020e+00, v10  }
0x1a8: {  	[tilespmem:s14+$0xFFFFFF30] =	vst v6;
	v17 =	vld [tilespmem:s16+$0xB0];
	v10 =	vadd.f32 v21, v20;
	(erf) = vpow2.f32 v22  }
0x1a9: {  	[tilespmem:s14+$0xFFFFFFB0] =	vst v8;
	v8 =	vld [tilespmem:s22+$0xFFFFFF40];
	v21 =	vmul.f32 $1.442695020e+00, v26;
	v6 =	vadd.f32 v11, v16;
	v16 =	vpop (erf);
	(erf) = vpow2.f32 v60  }
0x1aa: {  	v20 =	vld [tilespmem:s25+$0xFFFFFF40];
	v11 =	vsub.f32 $0.0e+00, v9;
	v22 =	vsub.f32 $0.0e+00, v10;
	(erf) = vrcp.f32 v15;
	v15 =	vpop (erf)  }
0x1ab: {  	v5 =	vmul.f32 v25, v5;
	v26 =	vld [tilespmem:s25+$0xFFFFFFC0];
	v18 =	vadd.f32 v27, v18;
	v15 =	vadd.f32 $1.000000000e+00, v15  }
0x1ac: {  	[tilespmem:s14+$0x30] =	vst v23;
	v23 =	vsub.f32 $0.0e+00, v6;
	v11 =	vmul.f32 $1.442695020e+00, v11;
	v27 =	vld [tilespmem:s22+$0xFFFFFFC0];
	(erf) = vpow2.f32 v21  }
0x1ad: {  	v21 =	vld [tilespmem:s25+$0x40];
	v22 =	vmul.f32 $1.442695020e+00, v22;
	v17 =	vadd.f32 v17, v18;
	(erf) = vrcp.f32 v15  }
0x1ae: {  	[tilespmem:s13+$0xFFFFFF50] =	vst v5;
	v18 =	vmul.f32 $1.442695020e+00, v23;
	v15 =	vld [tilespmem:s22+$0x40];
	(erf) = vpow2.f32 v11  }
0x1af: {  	v8 =	vadd.f32 v8, v20;
	v20 =	vld [tilespmem:s3+$0xFFFFFF60];
	v23 =	vsub.f32 $0.0e+00, v17;
	(erf) = vpow2.f32 v22  }
0x1b0: {  	v5 =	vmul.f32 v31, v7;
	v22 =	vld [tilespmem:s19+$0xFFFFFFC0]  }
0x1b1: {  	(erf) = vpow2.f32 v18;
	v18 =	vld [tilespmem:s19+$0x40];
	v23 =	vmul.f32 $1.442695020e+00, v23;
	v7 =	vpop (erf)  }
0x1b2: {  	v11 =	vld [tilespmem:s19+$0xFFFFFF40];
	v7 =	vadd.f32 $1.000000000e+00, v7;
	v25 =	vpop (erf)  }
0x1b3: {  	[tilespmem:s13+$0xFFFFFFD0] =	vst v5;
	v5 =	vadd.f32 v27, v26;
	v15 =	vadd.f32 v15, v21;
	v21 =	vld [tilespmem:s1+$0xFFFFFF60];
	(erf) = vpow2.f32 v23;
	v26 =	vpop (erf)  }
0x1b4: {  	v25 =	vadd.f32 $1.000000000e+00, v25;
	v24 =	vmul.f32 v26, v24;
	(erf) = vrcp.f32 v7  }
0x1b5: {  	s21 =	simm.s32 $0x8180;
	v4 =	vmul.f32 v16, v4;
	v23 =	vld [tilespmem:s3+$0xFFFFFFE0];
	v7 =	vadd.f32 v22, v5;
	v22 =	vpop (erf)  }
0x1b6: {  	v5 =	vadd.f32 v18, v15;
	v15 =	vadd.f32 $1.000000000e+00, v22;
	(erf) = vrcp.f32 v25;
	v22 =	vld [tilespmem:s26+$0xFFFFFF60];
	[tilespmem:s21+$0x80] =	vst v24;
	v18 =	vpop (erf)  }
0x1b7: {  	v11 =	vadd.f32 v11, v8;
	v25 =	vsub.f32 $0.0e+00, v7;
	v26 =	vld [tilespmem:s2+$0x90];
	v27 =	vpop (erf);
	v18 =	vmul.f32 v18, v19  }
0x1b8: {  	(erf) = vrcp.f32 v15;
	v15 =	vld [tilespmem:s9+$0x90];
	v16 =	vadd.f32 v21, v20;
	v27 =	vadd.f32 $1.000000000e+00, v27;
	v61 =	vpop (erf)  }
0x1b9: {  	v24 =	vsub.f32 $0.0e+00, v11;
	v20 =	vld [tilespmem:s11+$0x90];
	v21 =	vadd.f32 $1.000000000e+00, v61;
	[tilespmem:s14+$0xD0] =	vst v18  }
0x1ba: {  	v19 =	vsub.f32 $0.0e+00, v5;
	v25 =	vmul.f32 $1.442695020e+00, v25;
	v62 =	vpop (erf);
	(erf) = vrcp.f32 v27;
	v27 =	vld [tilespmem:s25+$0xE0]  }
0x1bb: {  	v18 =	vmul.f32 $1.442695020e+00, v24;
	v24 =	vadd.f32 $1.000000000e+00, v62;
	(erf) = vrcp.f32 v21;
	v21 =	vld [tilespmem:s22+$0xE0]  }
0x1bc: {  	[tilespmem:s13+$0x50] =	vst v4;
	v8 =	vld [tilespmem:s1+$0xFFFFFFE0];
	v4 =	vadd.f32 v22, v16;
	v16 =	vpop (erf)  }
0x1bd: {  	v19 =	vmul.f32 $1.442695020e+00, v19;
	(erf) = vrcp.f32 v24;
	v15 =	vadd.f32 v15, v26;
	v24 =	vld [tilespmem:s19+$0xE0];
	v22 =	vpop (erf)  }
0x1be: {  	v16 =	vadd.f32 $1.000000000e+00, v16;
	(erf) = vpow2.f32 v18;
	v14 =	vmul.f32 v22, v14  }
0x1bf: {  	v63 =	vld [tilespmem:s3+$0x60];
	v26 =	vsub.f32 $0.0e+00, v4;
	(erf) = vpow2.f32 v25;
	v25 =	vpop (erf);
	v20 =	vadd.f32 v20, v15  }
0x1c0: {  	v18 =	vld [tilespmem:s1+$0x60];
	(erf) = vrcp.f32 v16;
	v13 =	vmul.f32 v25, v13;
	[tilespmem:s21+$0xFFFFFF00] =	vst v14;
	v14 =	vadd.f32 v21, v27  }
0x1c1: {  	v22 =	vld [tilespmem:s26+$0xFFFFFFE0];
	(erf) = vpow2.f32 v19;
	v19 =	vmul.f32 $1.442695020e+00, v26;
	v25 =	vsub.f32 $0.0e+00, v20  }
0x1c2: {  	v8 =	vadd.f32 v8, v23;
	v23 =	vadd.f32 v24, v14  }
0x1c3: {  	v15 =	vld [tilespmem:s26+$0x60];
	v16 =	vpop (erf);
	(erf) = vpow2.f32 v19;
	v19 =	vmul.f32 $1.442695020e+00, v25  }
0x1c4: {  	v25 =	vsub.f32 $0.0e+00, v23  }
0x1c5: {  	v21 =	vld [tilespmem:s2+$0xFFFFFF10];
	v24 =	vpop (erf)  }
0x1c6: {  	[tilespmem:s21+$0xFFFFFF80] =	vst v13;
	v12 =	vmul.f32 v16, v12;
	v13 =	vld [tilespmem:s9+$0xFFFFFF10];
	v14 =	vadd.f32 v18, v63;
	v16 =	vadd.f32 v22, v8;
	v22 =	vpop (erf)  }
0x1c7: {  	v18 =	vld [tilespmem:s2+$0xFFFFFF90];
	(erf) = vpow2.f32 v19;
	v19 =	vpop (erf)  }
0x1c8: {  	[tilespmem:s21+$0x0] =	vst v12;
	v12 =	vld [tilespmem:s9+$0xFFFFFF90];
	v8 =	vadd.f32 v15, v14;
	v15 =	vmul.f32 $1.442695020e+00, v25;
	v25 =	vpop (erf)  }
0x1c9: {  	v9 =	vmul.f32 v24, v9;
	v10 =	vmul.f32 v22, v10;
	v22 =	vld [tilespmem:s11+$0xFFFFFF10];
	v24 =	vadd.f32 $1.000000000e+00, v25;
	v25 =	vpop (erf)  }
0x1ca: {  	v26 =	vld [tilespmem:s2+$0x10];
	v27 =	vsub.f32 $0.0e+00, v16;
	(erf) = vpow2.f32 v15;
	v33 =	vpop (erf)  }
0x1cb: {  	v14 =	vld [tilespmem:s9+$0x10];
	v15 =	vsub.f32 $0.0e+00, v8;
	v17 =	vmul.f32 v33, v17;
	(erf) = vrcp.f32 v24  }
0x1cc: {  	v32 =	vld [tilespmem:s11+$0xFFFFFF90];
	[tilespmem:s15+$0xFFFFFF20] =	vst v9;
	v13 =	vadd.f32 v13, v21;
	v25 =	vadd.f32 $1.000000000e+00, v25  }
0x1cd: {  	v9 =	vld [tilespmem:s11+$0x10];
	v27 =	vmul.f32 $1.442695020e+00, v27;
	v12 =	vadd.f32 v12, v18;
	v15 =	vmul.f32 $1.442695020e+00, v15;
	v24 =	vpop (erf);
	[tilespmem:s15+$0xB0] =	vst v17  }
0x1ce: {  	v18 =	vadd.f32 v22, v13;
	(erf) = vrcp.f32 v25;
	v24 =	vadd.f32 $1.000000000e+00, v24;
	v13 =	vld [tilespmem:s17+$0xC0]  }
0x1cf: {  	(erf) = vpow2.f32 v27;
	v22 =	vld [tilespmem:s18+$0xC0]  }
0x1d0: {  	[tilespmem:s15+$0xFFFFFFA0] =	vst v10;
	v10 =	vadd.f32 v14, v26;
	(erf) = vrcp.f32 v24  }
0x1d1: {  	v17 =	vpop (erf);
	(erf) = vpow2.f32 v15  }
0x1d2: {  	v21 =	vld [tilespmem:s17+$0xFFFFFF30];
	v10 =	vadd.f32 v9, v10;
	v14 =	vadd.f32 $1.000000000e+00, v17;
	v15 =	vpop (erf)  }
0x1d3: {  	v17 =	vadd.f32 v32, v12;
	v9 =	vadd.f32 $1.000000000e+00, v15;
	v15 =	vld [tilespmem:s16+$0xC0];
	v26 =	vpop (erf)  }
0x1d4: {  	v6 =	vmul.f32 v19, v6;
	v19 =	vld [tilespmem:s17+$0xFFFFFFB0];
	v13 =	vadd.f32 v22, v13;
	v22 =	vadd.f32 $1.000000000e+00, v26;
	v26 =	vpop (erf)  }
0x1d5: {  	v34 =	vld [tilespmem:s16+$0xFFFFFFB0];
	v12 =	vsub.f32 $0.0e+00, v18;
	(erf) = vrcp.f32 v14;
	v11 =	vmul.f32 v26, v11  }
0x1d6: {  	[tilespmem:s15+$0x20] =	vst v6;
	v25 =	vld [tilespmem:s18+$0xFFFFFF30];
	v24 =	vsub.f32 $0.0e+00, v10;
	(erf) = vrcp.f32 v9  }
0x1d7: {  	v27 =	vld [tilespmem:s18+$0x30];
	v6 =	vsub.f32 $0.0e+00, v17;
	v12 =	vmul.f32 $1.442695020e+00, v12;
	v26 =	vpop (erf)  }
0x1d8: {  	v14 =	vld [tilespmem:s18+$0xFFFFFFB0];
	v24 =	vmul.f32 $1.442695020e+00, v24;
	v35 =	vadd.f32 v15, v13;
	v13 =	vpop (erf)  }
0x1d9: {  	v9 =	vld [tilespmem:s17+$0x30];
	v6 =	vmul.f32 $1.442695020e+00, v6;
	(erf) = vpow2.f32 v12;
	[tilespmem:s14+$0xFFFFFF40] =	vst v11;
	v11 =	vpop (erf)  }
0x1da: {  	v12 =	vld [tilespmem:s16+$0xFFFFFF30];
	(erf) = vrcp.f32 v22;
	v7 =	vmul.f32 v26, v7;
	v26 =	vpop (erf)  }
0x1db: {  	(erf) = vpow2.f32 v6;
	v6 =	vld [tilespmem:s16+$0x30];
	v5 =	vmul.f32 v11, v5;
	v11 =	vadd.f32 $1.000000000e+00, v26  }
0x1dc: {  	v13 =	vadd.f32 $1.000000000e+00, v13;
	v22 =	vld [tilespmem:s25+$0xFFFFFF50]  }
0x1dd: {  	v21 =	vadd.f32 v25, v21;
	(erf) = vpow2.f32 v24;
	[tilespmem:s14+$0xFFFFFFC0] =	vst v7;
	v7 =	vld [tilespmem:s22+$0xFFFFFF50];
	v15 =	vsub.f32 $0.0e+00, v35  }
0x1de: {  	v24 =	vld [tilespmem:s25+$0xFFFFFFD0];
	(erf) = vrcp.f32 v13;
	v25 =	vpop (erf)  }
0x1df: {  	v13 =	vmul.f32 $1.442695020e+00, v15;
	v15 =	vadd.f32 v12, v21;
	[tilespmem:s14+$0x40] =	vst v5;
	v5 =	vld [tilespmem:s22+$0xFFFFFFD0];
	(erf) = vrcp.f32 v11;
	v11 =	vpop (erf)  }
0x1e0: {  	v12 =	vadd.f32 v14, v19;
	v11 =	vmul.f32 v11, v20  }
0x1e1: {  	v9 =	vadd.f32 v27, v9;
	(erf) = vpow2.f32 v13;
	v20 =	vsub.f32 $0.0e+00, v15  }
0x1e2: {  	v26 =	vld [tilespmem:s19+$0xFFFFFF50];
	v13 =	vadd.f32 v34, v12;
	v14 =	vpop (erf);
	[tilespmem:s21+$0x90] =	vst v11  }
0x1e3: {  	v4 =	vmul.f32 v25, v4;
	v12 =	vadd.f32 $1.000000000e+00, v14;
	v14 =	vadd.f32 v6, v9;
	v9 =	vld [tilespmem:s2+$0xA0]  }
0x1e4: {  	v7 =	vadd.f32 v7, v22;
	v25 =	vpop (erf);
	v5 =	vadd.f32 v5, v24;
	v6 =	vmul.f32 $1.442695020e+00, v20;
	v27 =	vld [tilespmem:s9+$0xA0]  }
0x1e5: {  	v11 =	vld [tilespmem:s19+$0xFFFFFFD0];
	v23 =	vmul.f32 v25, v23;
	v25 =	vsub.f32 $0.0e+00, v13;
	(erf) = vrcp.f32 v12;
	v20 =	vpop (erf)  }
0x1e6: {  	v12 =	vsub.f32 $0.0e+00, v14;
	v36 =	vld [tilespmem:s11+$0xA0];
	v20 =	vadd.f32 $1.000000000e+00, v20;
	v22 =	vpop (erf)  }
0x1e7: {  	(erf) = vpow2.f32 v6;
	[tilespmem:s14+$0xE0] =	vst v23;
	v23 =	vmul.f32 $1.442695020e+00, v25;
	v6 =	vadd.f32 $1.000000000e+00, v22  }
0x1e8: {  	v24 =	vmul.f32 $1.442695020e+00, v12;
	v12 =	vadd.f32 v26, v7;
	v7 =	vld [tilespmem:s22+$0xF0];
	v22 =	vpop (erf);
	(erf) = vrcp.f32 v20  }
0x1e9: {  	[tilespmem:s13+$0xFFFFFF60] =	vst v4;
	v20 =	vld [tilespmem:s25+$0xF0];
	v25 =	vpop (erf);
	v16 =	vmul.f32 v22, v16;
	(erf) = vrcp.f32 v6;
	v4 =	vadd.f32 v27, v9  }
0x1ea: {  	v21 =	vld [tilespmem:s25+$0x50];
	v11 =	vadd.f32 v11, v5;
	v5 =	vpop (erf);
	v6 =	vsub.f32 $0.0e+00, v12;
	v9 =	vmul.f32 v25, v8  }
0x1eb: {  	v19 =	vld [tilespmem:s22+$0x50];
	(erf) = vpow2.f32 v23;
	v5 =	vadd.f32 $1.000000000e+00, v5;
	v25 =	vadd.f32 v36, v4  }
0x1ec: {  	v23 =	vld [tilespmem:s19+$0xF0];
	[tilespmem:s13+$0xFFFFFFE0] =	vst v16;
	v16 =	vsub.f32 $0.0e+00, v11;
	(erf) = vpow2.f32 v24  }
0x1ed: {  	v24 =	vld [tilespmem:s3+$0xFFFFFF70];
	(erf) = vrcp.f32 v5;
	v5 =	vmul.f32 $1.442695020e+00, v6;
	v26 =	vsub.f32 $0.0e+00, v25  }
0x1ee: {  	v4 =	vld [tilespmem:s1+$0xFFFFFF70];
	v16 =	vmul.f32 $1.442695020e+00, v16;
	v6 =	vpop (erf);
	v20 =	vadd.f32 v7, v20  }
0x1ef: {  	v22 =	vld [tilespmem:s19+$0x50];
	(erf) = vpow2.f32 v5;
	v18 =	vmul.f32 v6, v18  }
0x1f0: {  	v27 =	vpop (erf);
	(erf) = vpow2.f32 v16;
	v16 =	vmul.f32 $1.442695020e+00, v26  }
0x1f1: {  	[tilespmem:s21+$0xFFFFFF10] =	vst v18;
	v18 =	vld [tilespmem:s26+$0xFFFFFF70];
	v26 =	vpop (erf)  }
0x1f2: {  	v19 =	vadd.f32 v19, v21;
	v5 =	vadd.f32 v23, v20;
	v20 =	vpop (erf);
	(erf) = vpow2.f32 v16  }
0x1f3: {  	v4 =	vadd.f32 v4, v24;
	v17 =	vmul.f32 v26, v17  }
0x1f4: {  	[tilespmem:s13+$0x60] =	vst v9;
	v9 =	vld [tilespmem:s1+$0xFFFFFFF0];
	v16 =	vadd.f32 v22, v19;
	v19 =	vsub.f32 $0.0e+00, v5;
	v22 =	vpop (erf)  }
0x1f5: {  	s28 =	simm.s32 $0x3380;
	v7 =	vld [tilespmem:s1+$0x70];
	[tilespmem:s21+$0xFFFFFF90] =	vst v17;
	v17 =	vadd.f32 $1.000000000e+00, v27;
	v26 =	vpop (erf);
	v22 =	vadd.f32 $1.000000000e+00, v22  }
0x1f6: {  	s1 =	simm.s32 $0xB80;
	v19 =	vmul.f32 $1.442695020e+00, v19;
	v26 =	vadd.f32 $1.000000000e+00, v26;
	v4 =	vadd.f32 v18, v4;
	v18 =	vld [tilespmem:s28+$0x80]  }
0x1f7: {  	s29 =	simm.s32 $0x5B80;
	v37 =	vsub.f32 $0.0e+00, v16;
	v38 =	vpop (erf);
	(erf) = vrcp.f32 v17;
	v17 =	vld [tilespmem:s1+$0x80]  }
0x1f8: {  	v39 =	vld [tilespmem:s29+$0x80];
	v29 =	vmul.f32 v38, v35;
	(erf) = vpow2.f32 v19  }
0x1f9: {  	v42 =	vld [tilespmem:s28+$0xFFFFFF00];
	v19 =	vmul.f32 $1.442695020e+00, v37;
	(erf) = vrcp.f32 v22;
	v22 =	vpop (erf)  }
0x1fa: {  	v44 =	vld [tilespmem:s28+$0xFFFFFF80];
	v40 =	vsub.f32 $0.0e+00, v4;
	[tilespmem:s15+$0xC0] =	vst v29;
	(erf) = vrcp.f32 v26;
	v26 =	vpop (erf)  }
0x1fb: {  	v22 =	vadd.f32 $1.000000000e+00, v22;
	v41 =	vld [tilespmem:s17+$0xD0];
	(erf) = vpow2.f32 v19;
	v19 =	vadd.f32 $1.000000000e+00, v26;
	v43 =	vpop (erf)  }
0x1fc: {  	v26 =	vld [tilespmem:s18+$0xD0];
	v17 =	vadd.f32 v18, v17;
	v18 =	vadd.f32 $1.000000000e+00, v43  }
0x1fd: {  	v47 =	vld [tilespmem:s28+$0x0];
	(erf) = vrcp.f32 v22;
	v22 =	vmul.f32 $1.442695020e+00, v40  }
0x1fe: {  	(erf) = vrcp.f32 v19;
	v19 =	vld [tilespmem:s16+$0xD0]  }
0x1ff: {  	v21 =	vld [tilespmem:s2+$0xFFFFFF20];
	(erf) = vpow2.f32 v22  }
0x200: {  	v23 =	vld [tilespmem:s9+$0xFFFFFF20];
	v17 =	vadd.f32 v39, v17;
	(erf) = vrcp.f32 v18;
	v18 =	vpop (erf)  }
0x201: {  	v27 =	vld [tilespmem:s2+$0xFFFFFFA0];
	v26 =	vadd.f32 v26, v41;
	v46 =	vpop (erf)  }
0x202: {  	v24 =	vld [tilespmem:s9+$0xFFFFFFA0];
	v33 =	vsub.f32 $0.0e+00, v17;
	v34 =	vpop (erf)  }
0x203: {  	v10 =	vmul.f32 v20, v10;
	v35 =	vld [tilespmem:s1+$0xFFFFFF00];
	v26 =	vadd.f32 v19, v26;
	v30 =	vadd.f32 $1.000000000e+00, v46;
	v19 =	vpop (erf)  }
0x204: {  	v22 =	vld [tilespmem:s1+$0xFFFFFF80];
	v33 =	vmul.f32 $1.442695020e+00, v33;
	v36 =	vpop (erf)  }
0x205: {  	v20 =	vld [tilespmem:s29+$0xFFFFFF00];
	[tilespmem:s21+$0x10] =	vst v10;
	(erf) = vrcp.f32 v30;
	v10 =	vadd.f32 $1.000000000e+00, v36  }
0x206: {  	v48 =	vld [tilespmem:s29+$0xFFFFFF80];
	(erf) = vpow2.f32 v33  }
0x207: {  	v45 =	vld [tilespmem:s1+$0x0];
	v37 =	vsub.f32 $0.0e+00, v26;
	v49 =	vpop (erf)  }
0x208: {  	v27 =	vadd.f32 v24, v27;
	v24 =	vadd.f32 v42, v35;
	v15 =	vmul.f32 v18, v15;
	v50 =	vpop (erf)  }
0x209: {  	v38 =	vld [tilespmem:s29+$0x0];
	v18 =	vadd.f32 v44, v22;
	v37 =	vmul.f32 $1.442695020e+00, v37;
	(erf) = vrcp.f32 v10;
	v10 =	vpop (erf)  }
0x20a: {  	v52 =	vld [tilespmem:s11+$0xFFFFFF20];
	v21 =	vadd.f32 v23, v21;
	v32 =	vadd.f32 v20, v24;
	v22 =	vpop (erf)  }
0x20b: {  	v23 =	vld [tilespmem:s2+$0x20];
	v24 =	vadd.f32 v48, v18;
	(erf) = vpow2.f32 v37;
	v20 =	vmul.f32 v22, v25  }
0x20c: {  	v28 =	vadd.f32 v47, v45;
	v51 =	vld [tilespmem:s9+$0x20];
	v18 =	vsub.f32 $0.0e+00, v32  }
0x20d: {  	v53 =	vld [tilespmem:s11+$0xFFFFFFA0];
	v13 =	vmul.f32 v34, v13;
	v10 =	vadd.f32 $1.000000000e+00, v10;
	[tilespmem:s21+$0xA0] =	vst v20;
	v20 =	vsub.f32 $0.0e+00, v24  }
0x20e: {  	[tilespmem:s15+$0xFFFFFF30] =	vst v15;
	v15 =	vld [tilespmem:s11+$0x20];
	v14 =	vmul.f32 v19, v14;
	v55 =	vmul.f32 $1.442695020e+00, v18;
	v22 =	vadd.f32 v38, v28;
	v19 =	vpop (erf)  }
0x20f: {  	(erf) = vrcp.f32 v10;
	v57 =	vmul.f32 $1.442695020e+00, v20;
	v20 =	vadd.f32 v52, v21;
	v21 =	vpop (erf)  }
0x210: {  	[tilespmem:s15+$0xFFFFFFB0] =	vst v13;
	(erf) = vpow2.f32 v55;
	v54 =	vld [tilespmem:s2+$0xB0];
	v13 =	vadd.f32 $1.000000000e+00, v21  }
0x211: {  	v23 =	vadd.f32 v51, v23;
	v10 =	vsub.f32 $0.0e+00, v22;
	v56 =	vld [tilespmem:s9+$0xB0];
	(erf) = vpow2.f32 v57  }
0x212: {  	v59 =	vld [tilespmem:s17+$0xFFFFFFC0];
	[tilespmem:s15+$0x30] =	vst v14;
	v14 =	vsub.f32 $0.0e+00, v20;
	(erf) = vrcp.f32 v13  }
0x213: {  	v18 =	vadd.f32 v53, v27;
	v27 =	vmul.f32 $1.442695020e+00, v10;
	v10 =	vadd.f32 v15, v23;
	v21 =	vld [tilespmem:s11+$0xB0];
	v15 =	vpop (erf)  }
0x214: {  	v61 =	vld [tilespmem:s17+$0x40];
	v60 =	vpop (erf);
	v14 =	vmul.f32 $1.442695020e+00, v14  }
0x215: {  	v12 =	vmul.f32 v49, v12;
	v13 =	vld [tilespmem:s18+$0xFFFFFFC0];
	v30 =	vadd.f32 $1.000000000e+00, v60  }
0x216: {  	v23 =	vsub.f32 $0.0e+00, v18;
	v28 =	vadd.f32 v56, v54;
	(erf) = vpow2.f32 v27;
	v27 =	vld [tilespmem:s18+$0x40]  }
0x217: {  	v58 =	vld [tilespmem:s18+$0xFFFFFF40];
	v11 =	vmul.f32 v50, v11;
	v62 =	vsub.f32 $0.0e+00, v10;
	(erf) = vrcp.f32 v30  }
0x218: {  	v25 =	vld [tilespmem:s17+$0xFFFFFF40];
	v63 =	vmul.f32 $1.442695020e+00, v23;
	v23 =	vadd.f32 v21, v28;
	(erf) = vpow2.f32 v14;
	v14 =	vpop (erf)  }
0x219: {  	v40 =	vld [tilespmem:s16+$0xFFFFFFC0];
	[tilespmem:s14+$0xFFFFFFD0] =	vst v11;
	v11 =	vmul.f32 v15, v16;
	v39 =	vmul.f32 $1.442695020e+00, v62;
	v15 =	vpop (erf)  }
0x21a: {  	[tilespmem:s14+$0xFFFFFF50] =	vst v12;
	v21 =	vld [tilespmem:s16+$0xFFFFFF40];
	v12 =	vsub.f32 $0.0e+00, v23;
	(erf) = vpow2.f32 v63;
	v43 =	vpop (erf)  }
0x21b: {  	v41 =	vld [tilespmem:s16+$0x40];
	[tilespmem:s14+$0x50] =	vst v11;
	v11 =	vadd.f32 v13, v59;
	(erf) = vpow2.f32 v39;
	v13 =	vadd.f32 v27, v61;
	v27 =	vpop (erf)  }
0x21c: {  	v8 =	vld [tilespmem:s3+$0xFFFFFFF0];
	v12 =	vmul.f32 $1.442695020e+00, v12;
	v17 =	vmul.f32 v27, v17  }
0x21d: {  	v42 =	vld [tilespmem:s25+$0xFFFFFF60];
	v25 =	vadd.f32 v58, v25;
	v15 =	vadd.f32 $1.000000000e+00, v15  }
0x21e: {  	v16 =	vld [tilespmem:s22+$0xFFFFFF60];
	(erf) = vpow2.f32 v12;
	v31 =	vadd.f32 $1.000000000e+00, v43  }
0x21f: {  	v6 =	vld [tilespmem:s3+$0x70];
	s3 =	simm.s32 $0x8380;
	v12 =	vadd.f32 v40, v11;
	(erf) = vrcp.f32 v15;
	v15 =	vadd.f32 v21, v25;
	v21 =	vpop (erf)  }
0x220: {  	v11 =	vadd.f32 v41, v13;
	v13 =	vadd.f32 $1.000000000e+00, v21;
	v21 =	vld [tilespmem:s19+$0xFFFFFF60];
	[tilespmem:s3+$0x80] =	vst v17;
	v17 =	vpop (erf)  }
0x221: {  	(erf) = vrcp.f32 v31;
	v48 =	vld [tilespmem:s1+$0x90];
	v17 =	vmul.f32 v17, v26  }
0x222: {  	v8 =	vadd.f32 v9, v8;
	v49 =	vpop (erf);
	(erf) = vrcp.f32 v13;
	v13 =	vld [tilespmem:s28+$0x90]  }
0x223: {  	v44 =	vld [tilespmem:s25+$0xFFFFFFE0];
	v16 =	vadd.f32 v16, v42;
	v47 =	vsub.f32 $0.0e+00, v12  }
0x224: {  	v46 =	vsub.f32 $0.0e+00, v15;
	v50 =	vld [tilespmem:s29+$0x90];
	v34 =	vadd.f32 $1.000000000e+00, v49;
	v36 =	vpop (erf);
	[tilespmem:s15+$0xD0] =	vst v17  }
0x225: {  	v63 =	vadd.f32 v7, v6;
	v31 =	vmul.f32 $1.442695020e+00, v47;
	v36 =	vadd.f32 $1.000000000e+00, v36;
	v52 =	vld [tilespmem:s17+$0xE0];
	v17 =	vpop (erf)  }
0x226: {  	v30 =	vmul.f32 $1.442695020e+00, v46;
	v53 =	vld [tilespmem:s18+$0xE0];
	(erf) = vrcp.f32 v34;
	v51 =	vadd.f32 $1.000000000e+00, v17  }
0x227: {  	v45 =	vld [tilespmem:s22+$0xFFFFFFE0];
	(erf) = vrcp.f32 v36;
	v17 =	vadd.f32 v21, v16;
	v16 =	vpop (erf);
	v13 =	vadd.f32 v13, v48  }
0x228: {  	v26 =	vsub.f32 $0.0e+00, v11;
	v55 =	vld [tilespmem:s16+$0xE0];
	v21 =	vpop (erf);
	v16 =	vadd.f32 $1.000000000e+00, v16;
	(erf) = vrcp.f32 v51  }
0x229: {  	v27 =	vld [tilespmem:s25+$0x60];
	v9 =	vmul.f32 v21, v32;
	v21 =	vadd.f32 v50, v13;
	(erf) = vpow2.f32 v30  }
0x22a: {  	v25 =	vld [tilespmem:s22+$0x60];
	v26 =	vmul.f32 $1.442695020e+00, v26;
	v13 =	vsub.f32 $0.0e+00, v17;
	(erf) = vpow2.f32 v31  }
0x22b: {  	v54 =	vld [tilespmem:s19+$0xFFFFFFE0];
	v57 =	vpop (erf);
	[tilespmem:s3+$0xFFFFFF00] =	vst v9;
	v9 =	vadd.f32 v53, v52;
	v62 =	vsub.f32 $0.0e+00, v21;
	(erf) = vrcp.f32 v16  }
0x22c: {  	v56 =	vld [tilespmem:s19+$0x60];
	v59 =	vpop (erf);
	v16 =	vmul.f32 v57, v24;
	(erf) = vpow2.f32 v26;
	v26 =	vadd.f32 v45, v44  }
0x22d: {  	v60 =	vmul.f32 $1.442695020e+00, v13;
	v6 =	vmul.f32 v59, v22;
	v22 =	vadd.f32 v55, v9  }
0x22e: {  	v58 =	vld [tilespmem:s26+$0xFFFFFFF0];
	v7 =	vmul.f32 v3, v2;
	[tilespmem:s3+$0xFFFFFF80] =	vst v16;
	v16 =	vmul.f32 $1.442695020e+00, v62  }
0x22f: {  	v2 =	vadd.f32 v25, v27;
	v24 =	vld [tilespmem:s26+$0x70];
	(erf) = vpow2.f32 v60;
	v3 =	vsub.f32 $0.0e+00, v22  }
0x230: {  	v61 =	vld [tilespmem:s1+$0xFFFFFF10];
	v13 =	vadd.f32 v54, v26;
	v26 =	vpop (erf);
	(erf) = vpow2.f32 v16  }
0x231: {  	v36 =	vld [tilespmem:s28+$0xFFFFFF10];
	v16 =	vadd.f32 v56, v2;
	v27 =	vpop (erf);
	v2 =	vmul.f32 v26, v20;
	v20 =	vmul.f32 $1.442695020e+00, v3  }
0x232: {  	v9 =	vld [tilespmem:s1+$0xFFFFFF90];
	v38 =	vpop (erf)  }
0x233: {  	[tilespmem:s3+$0x0] =	vst v6;
	v6 =	vmul.f32 v19, v5;
	v25 =	vld [tilespmem:s28+$0xFFFFFF90];
	v39 =	vpop (erf)  }
0x234: {  	v19 =	vld [tilespmem:s1+$0x10];
	v3 =	vadd.f32 v58, v8;
	v8 =	vmul.f32 v27, v18;
	v27 =	vadd.f32 $1.000000000e+00, v39;
	v40 =	vpop (erf)  }
0x235: {  	v5 =	vsub.f32 $0.0e+00, v13;
	v26 =	vld [tilespmem:s28+$0x10];
	(erf) = vpow2.f32 v20;
	v20 =	vpop (erf)  }
0x236: {  	v18 =	vld [tilespmem:s29+$0xFFFFFF10];
	v28 =	vadd.f32 $1.000000000e+00, v40;
	v20 =	vmul.f32 v20, v23;
	(erf) = vrcp.f32 v27  }
0x237: {  	v41 =	vld [tilespmem:s29+$0xFFFFFF90];
	v5 =	vmul.f32 $1.442695020e+00, v5;
	[tilespmem:s21+$0xFFFFFF20] =	vst v2  }
0x238: {  	v42 =	vsub.f32 $0.0e+00, v16;
	v23 =	vld [tilespmem:s29+$0x10];
	v2 =	vpop (erf);
	v27 =	vadd.f32 v36, v61;
	(erf) = vrcp.f32 v28;
	[tilespmem:s21+$0xB0] =	vst v20  }
0x239: {  	v44 =	vadd.f32 $1.000000000e+00, v2;
	(erf) = vpow2.f32 v5;
	v5 =	vadd.f32 v25, v9;
	v25 =	vld [tilespmem:s2+$0xC0]  }
0x23a: {  	[tilespmem:s21+$0xFFFFFFA0] =	vst v8;
	v8 =	vadd.f32 v26, v19;
	v2 =	vadd.f32 v24, v63;
	v24 =	vmul.f32 $1.442695020e+00, v42;
	v26 =	vld [tilespmem:s9+$0xC0]  }
0x23b: {  	v9 =	vpop (erf);
	v20 =	vadd.f32 v18, v27;
	(erf) = vrcp.f32 v44  }
0x23c: {  	v43 =	vld [tilespmem:s2+$0xFFFFFF30];
	v9 =	vadd.f32 $1.000000000e+00, v9;
	(erf) = vpow2.f32 v24  }
0x23d: {  	v45 =	vld [tilespmem:s9+$0xFFFFFF30];
	v24 =	vmul.f32 v38, v10;
	v19 =	vadd.f32 v41, v5;
	v5 =	vsub.f32 $0.0e+00, v20;
	v27 =	vpop (erf)  }
0x23e: {  	v10 =	vmul.f32 v14, v4;
	v18 =	vadd.f32 v23, v8;
	v4 =	vadd.f32 $1.000000000e+00, v27;
	v8 =	vld [tilespmem:s11+$0xC0];
	v27 =	vpop (erf)  }
0x23f: {  	v49 =	vld [tilespmem:s11+$0xFFFFFF30];
	(erf) = vrcp.f32 v9;
	v25 =	vadd.f32 v26, v25;
	v26 =	vadd.f32 $1.000000000e+00, v27;
	v27 =	vpop (erf)  }
0x240: {  	v46 =	vld [tilespmem:s2+$0xFFFFFFB0];
	v5 =	vmul.f32 $1.442695020e+00, v5;
	v15 =	vmul.f32 v27, v15  }
0x241: {  	v9 =	vld [tilespmem:s9+$0xFFFFFFB0];
	[tilespmem:s21+$0x20] =	vst v24;
	v23 =	vsub.f32 $0.0e+00, v19;
	(erf) = vrcp.f32 v4  }
0x242: {  	v48 =	vsub.f32 $0.0e+00, v2;
	v4 =	vld [tilespmem:s2+$0x30];
	(erf) = vpow2.f32 v5;
	v27 =	vpop (erf)  }
0x243: {  	v24 =	vsub.f32 $0.0e+00, v18;
	v47 =	vld [tilespmem:s9+$0x30];
	v23 =	vmul.f32 $1.442695020e+00, v23;
	v5 =	vadd.f32 v8, v25;
	v8 =	vpop (erf)  }
0x244: {  	v14 =	vsub.f32 $0.0e+00, v3;
	v25 =	vld [tilespmem:s11+$0xFFFFFFB0];
	(erf) = vrcp.f32 v26;
	v12 =	vmul.f32 v27, v12;
	[tilespmem:s15+$0xFFFFFF40] =	vst v15;
	v15 =	vpop (erf)  }
0x245: {  	v24 =	vmul.f32 $1.442695020e+00, v24;
	v26 =	vadd.f32 v45, v43;
	(erf) = vpow2.f32 v23;
	v23 =	vld [tilespmem:s11+$0x30];
	v50 =	vpop (erf)  }
0x246: {  	v8 =	vadd.f32 $1.000000000e+00, v8;
	v27 =	vld [tilespmem:s17+$0xFFFFFF50];
	[tilespmem:s15+$0xFFFFFFC0] =	vst v12;
	v12 =	vadd.f32 $1.000000000e+00, v50  }
0x247: {  	(erf) = vpow2.f32 v24;
	v24 =	vsub.f32 $0.0e+00, v5;
	v51 =	vld [tilespmem:s17+$0xFFFFFFD0];
	v11 =	vmul.f32 v15, v11  }
0x248: {  	v14 =	vmul.f32 $1.442695020e+00, v14;
	v9 =	vadd.f32 v9, v46;
	v4 =	vadd.f32 v47, v4;
	v15 =	vld [tilespmem:s18+$0xFFFFFF50]  }
0x249: {  	v24 =	vmul.f32 $1.442695020e+00, v24;
	(erf) = vrcp.f32 v8;
	v8 =	vadd.f32 v49, v26;
	v26 =	vpop (erf);
	[tilespmem:s15+$0x40] =	vst v11;
	v11 =	vld [tilespmem:s18+$0xFFFFFFD0]  }
0x24a: {  	v9 =	vadd.f32 v25, v9;
	v17 =	vmul.f32 v26, v17;
	(erf) = vrcp.f32 v12;
	v26 =	vld [tilespmem:s18+$0x50];
	v12 =	vpop (erf)  }
0x24b: {  	v25 =	vsub.f32 $0.0e+00, v8;
	(erf) = vpow2.f32 v24;
	v24 =	vld [tilespmem:s17+$0x50];
	v21 =	vmul.f32 v12, v21;
	v53 =	vpop (erf)  }
0x24c: {  	v12 =	vadd.f32 v23, v4;
	(erf) = vpow2.f32 v14;
	v4 =	vld [tilespmem:s16+$0xFFFFFF50];
	v14 =	vadd.f32 $1.000000000e+00, v53  }
0x24d: {  	v52 =	vmul.f32 $1.442695020e+00, v48;
	v25 =	vmul.f32 $1.442695020e+00, v25;
	[tilespmem:s3+$0x90] =	vst v21;
	v21 =	vld [tilespmem:s16+$0xFFFFFFD0]  }
0x24e: {  	v15 =	vadd.f32 v15, v27;
	v23 =	vsub.f32 $0.0e+00, v9;
	v54 =	vpop (erf);
	v56 =	vld [tilespmem:s1+$0xA0]  }
0x24f: {  	(erf) = vpow2.f32 v52;
	v11 =	vadd.f32 v11, v51;
	v22 =	vmul.f32 v54, v22;
	v27 =	vld [tilespmem:s28+$0xA0]  }
0x250: {  	v55 =	vsub.f32 $0.0e+00, v12;
	v23 =	vmul.f32 $1.442695020e+00, v23;
	(erf) = vrcp.f32 v14;
	v14 =	vpop (erf)  }
0x251: {  	v24 =	vadd.f32 v26, v24;
	[tilespmem:s15+$0xE0] =	vst v22;
	v22 =	vld [tilespmem:s29+$0xA0];
	(erf) = vpow2.f32 v25;
	v14 =	vadd.f32 $1.000000000e+00, v14;
	v25 =	vpop (erf)  }
0x252: {  	v29 =	vmul.f32 $1.442695020e+00, v55;
	v15 =	vadd.f32 v4, v15;
	v25 =	vadd.f32 $1.000000000e+00, v25;
	v57 =	vpop (erf)  }
0x253: {  	v4 =	vld [tilespmem:s17+$0xF0];
	(erf) = vrcp.f32 v14;
	v13 =	vmul.f32 v57, v13;
	v58 =	vpop (erf);
	v14 =	vadd.f32 v21, v11  }
0x254: {  	[tilespmem:s14+$0xFFFFFF60] =	vst v17;
	v21 =	vsub.f32 $0.0e+00, v15;
	v17 =	vadd.f32 v27, v56;
	(erf) = vrcp.f32 v25;
	v25 =	vld [tilespmem:s18+$0xF0];
	v11 =	vpop (erf)  }
0x255: {  	v26 =	vmul.f32 v58, v16;
	(erf) = vpow2.f32 v23;
	v23 =	vld [tilespmem:s16+$0x50];
	v11 =	vadd.f32 $1.000000000e+00, v11  }
0x256: {  	v27 =	vld [tilespmem:s16+$0xF0];
	v21 =	vmul.f32 $1.442695020e+00, v21;
	v16 =	vadd.f32 v22, v17;
	(erf) = vpow2.f32 v29  }
0x257: {  	v60 =	vld [tilespmem:s25+$0xFFFFFF70];
	v59 =	vsub.f32 $0.0e+00, v14;
	[tilespmem:s14+$0xFFFFFFE0] =	vst v13;
	v13 =	vpop (erf);
	(erf) = vrcp.f32 v11  }
0x258: {  	v61 =	vld [tilespmem:s22+$0xFFFFFFF0];
	v17 =	vadd.f32 $1.000000000e+00, v13;
	(erf) = vpow2.f32 v21;
	v21 =	vsub.f32 $0.0e+00, v16  }
0x259: {  	v11 =	vld [tilespmem:s22+$0xFFFFFF70];
	v28 =	vmul.f32 $1.442695020e+00, v59;
	v22 =	vpop (erf);
	v4 =	vadd.f32 v25, v4  }
0x25a: {  	[tilespmem:s14+$0x60] =	vst v26;
	v25 =	vld [tilespmem:s25+$0xFFFFFFF0];
	v26 =	vpop (erf);
	v13 =	vadd.f32 v23, v24;
	(erf) = vrcp.f32 v17  }
0x25b: {  	v17 =	vmul.f32 v26, v20;
	v20 =	vpop (erf);
	v26 =	vld [tilespmem:s25+$0x70];
	v4 =	vadd.f32 v27, v4;
	(erf) = vpow2.f32 v28  }
0x25c: {  	[tilespmem:s13+$0xF0] =	vst v7;
	v7 =	vmul.f32 $1.442695020e+00, v21;
	v20 =	vadd.f32 $1.000000000e+00, v20;
	v27 =	vld [tilespmem:s22+$0x70];
	v21 =	vpop (erf)  }
0x25d: {  	v62 =	vsub.f32 $0.0e+00, v13;
	[tilespmem:s3+$0xFFFFFF10] =	vst v17;
	v19 =	vmul.f32 v21, v19;
	v23 =	vpop (erf);
	v24 =	vsub.f32 $0.0e+00, v4;
	v21 =	vld [tilespmem:s19+$0xFFFFFF70]  }
0x25e: {  	[tilespmem:s14+$0xF0] =	vst v6;
	v6 =	vadd.f32 v11, v60;
	(erf) = vpow2.f32 v7;
	v17 =	vld [tilespmem:s1+$0xFFFFFF20];
	v11 =	vmul.f32 v23, v18;
	v23 =	vpop (erf)  }
0x25f: {  	v7 =	vadd.f32 $1.000000000e+00, v22;
	v18 =	vld [tilespmem:s28+$0xFFFFFF20];
	(erf) = vrcp.f32 v20;
	[tilespmem:s3+$0xFFFFFF90] =	vst v19;
	v22 =	vpop (erf);
	v63 =	vmul.f32 $1.442695020e+00, v24  }
0x260: {  	s31 =	simm.s32 $0xD80;
	[tilespmem:s13+$0xFFFFFF70] =	vst v10;
	v23 =	vadd.f32 $1.000000000e+00, v23;
	v19 =	vld [tilespmem:s1+$0xFFFFFFA0];
	v24 =	vadd.f32 $1.000000000e+00, v22;
	v22 =	vmul.f32 $1.442695020e+00, v62  }
0x261: {  	s26 =	simm.s32 $0x10;
	s25 =	simm.s32 $0x5B80;
	s22 =	simm.s32 $0x3380;
	[tilespmem:s3+$0x10] =	vst v11;
	v11 =	vadd.f32 v61, v25;
	v20 =	vld [tilespmem:s28+$0xFFFFFFA0];
	v25 =	vpop (erf);
	v10 =	vadd.f32 v27, v26;
	(erf) = vpow2.f32 v63  }
.LBB2_5:
0x262: {  	v26 =	vld [tilespmem:s31+$0x80];
	s28 =	sadd.s32 $0x200, s28;
	v25 =	vmul.f32 v25, v5;
	(erf) = vrcp.f32 v23;
	v23 =	vpop (erf);
	v5 =	vadd.f32 v21, v6  }
0x263: {  	s29 =	sadd.s32 $0x200, s29;
	v6 =	vld [tilespmem:s28+$0x80];
	(erf) = vrcp.f32 v24;
	v21 =	vadd.f32 $1.000000000e+00, v23;
	v23 =	vpop (erf)  }
0x264: {  	v24 =	vld [tilespmem:s29+$0x80];
	v18 =	vadd.f32 v18, v17;
	[tilespmem:s21+$0xC0] =	vst v25;
	v17 =	vpop (erf);
	(erf) = vpow2.f32 v22;
	v27 =	vsub.f32 $0.0e+00, v5  }
0x265: {  	v3 =	vmul.f32 v23, v3;
	v25 =	vld [tilespmem:s2+$0xD0];
	v28 =	vadd.f32 $1.000000000e+00, v17;
	(erf) = vrcp.f32 v21  }
0x266: {  	v19 =	vadd.f32 v20, v19;
	v20 =	vld [tilespmem:s9+$0xD0];
	v21 =	vmul.f32 $1.442695020e+00, v27;
	(erf) = vrcp.f32 v7  }
0x267: {  	v7 =	vld [tilespmem:s28+$0xFFFFFF00];
	v22 =	vpop (erf);
	(erf) = vrcp.f32 v28;
	[tilespmem:s13+$0xFFFFFFF0] =	vst v3  }
0x268: {  	v26 =	vadd.f32 v6, v26;
	v6 =	vadd.f32 $1.000000000e+00, v22;
	v22 =	vld [tilespmem:s11+$0xD0];
	v17 =	vpop (erf);
	(erf) = vpow2.f32 v21  }
0x269: {  	v21 =	vld [tilespmem:s31+$0xFFFFFF80];
	v8 =	vmul.f32 v17, v8  }
0x26a: {  	s26 =	sadd.s32 $0x4, s26;
	v23 =	vld [tilespmem:s28+$0xFFFFFF80];
	v17 =	vadd.f32 v24, v26;
	(erf) = vrcp.f32 v6;
	v3 =	vpop (erf)  }
0x26b: {  	p0 =	slt.u32 s26, $0x4C;
	v6 =	vld [tilespmem:s31+$0x0];
	[tilespmem:s21+$0xFFFFFF30] =	vst v8;
	v27 =	vadd.f32 v20, v25;
	v20 =	vpop (erf);
	v3 =	vadd.f32 $1.000000000e+00, v3  }
0x26c: {  	v24 =	vld [tilespmem:s28+$0x0];
	v25 =	vsub.f32 $0.0e+00, v17;
	v28 =	vmul.f32 v20, v9;
	v9 =	vpop (erf)  }
0x26d: {  	v26 =	vld [tilespmem:s31+$0xFFFFFF00];
	v12 =	vmul.f32 v9, v12;
	v9 =	vadd.f32 v22, v27;
	v8 =	vpop (erf);
	(erf) = vrcp.f32 v3  }
0x26e: {  	v3 =	vld [tilespmem:s29+$0xFFFFFF00];
	v27 =	vmul.f32 $1.442695020e+00, v25;
	[tilespmem:s21+$0xFFFFFFB0] =	vst v28;
	v28 =	vadd.f32 $1.000000000e+00, v8;
	v20 =	vpop (erf)  }
0x26f: {  	v21 =	vadd.f32 v23, v21;
	v23 =	vld [tilespmem:s29+$0xFFFFFF80];
	[tilespmem:s21+$0x30] =	vst v12;
	v12 =	vsub.f32 $0.0e+00, v9;
	v15 =	vmul.f32 v20, v15;
	v20 =	vpop (erf)  }
0x270: {  	v25 =	vld [tilespmem:s29+$0x0];
	(erf) = vpow2.f32 v27;
	v22 =	vpop (erf);
	v2 =	vmul.f32 v20, v2  }
0x271: {  	v6 =	vadd.f32 v24, v6;
	v20 =	vld [tilespmem:s1+$0x20];
	v12 =	vmul.f32 $1.442695020e+00, v12;
	[tilespmem:s15+$0xFFFFFF50] =	vst v15;
	(erf) = vrcp.f32 v28;
	v8 =	vpop (erf)  }
0x272: {  	v22 =	vmul.f32 v22, v14;
	v7 =	vadd.f32 v7, v26;
	v24 =	vld [tilespmem:s22+$0x20];
	v8 =	vadd.f32 $1.000000000e+00, v8;
	[tilespmem:s13+$0x70] =	vst v2;
	s13 =	smov.u32 s14;
	s14 =	smov.u32 s15;
	s15 =	smov.u32 s21  }
0x273: {  	s21 =	smov.u32 s3;
	v2 =	vld [tilespmem:s25+$0xFFFFFF20];
	v26 =	vpop (erf);
	(erf) = vpow2.f32 v12  }
0x274: {  	v15 =	vadd.f32 v3, v7;
	v14 =	vadd.f32 v23, v21;
	v12 =	vld [tilespmem:s25+$0xFFFFFFA0];
	v23 =	vmul.f32 v26, v16;
	[tilespmem:s14+$0xFFFFFFD0] =	vst v22  }
0x275: {  	v7 =	vadd.f32 v25, v6;
	v6 =	vld [tilespmem:s25+$0x20];
	(erf) = vrcp.f32 v8  }
0x276: {  	v8 =	vsub.f32 $0.0e+00, v15;
	v16 =	vsub.f32 $0.0e+00, v14;
	[tilespmem:s3+$0xA0] =	vst v23;
	v21 =	vld [tilespmem:s2+$0xFFFFFF40];
	v3 =	vpop (erf)  }
0x277: {  	v22 =	vsub.f32 $0.0e+00, v7;
	v20 =	vadd.f32 v24, v20;
	v23 =	vld [tilespmem:s1+$0xB0];
	v4 =	vmul.f32 v3, v4  }
0x278: {  	v8 =	vmul.f32 $1.442695020e+00, v8;
	v16 =	vmul.f32 $1.442695020e+00, v16;
	v3 =	vadd.f32 v2, v18;
	v18 =	vld [tilespmem:s22+$0xB0]  }
0x279: {  	v22 =	vmul.f32 $1.442695020e+00, v22;
	v24 =	vpop (erf);
	v2 =	vadd.f32 v12, v19;
	v12 =	vld [tilespmem:s9+$0xFFFFFF40];
	[tilespmem:s14+$0xF0] =	vst v4  }
0x27a: {  	v4 =	vadd.f32 $1.000000000e+00, v24;
	(erf) = vpow2.f32 v8;
	v8 =	vadd.f32 v6, v20;
	v6 =	vld [tilespmem:s25+$0xB0];
	v19 =	vpop (erf)  }
0x27b: {  	(erf) = vpow2.f32 v16;
	v16 =	vsub.f32 $0.0e+00, v3;
	v20 =	vsub.f32 $0.0e+00, v2;
	v24 =	vld [tilespmem:s2+$0xFFFFFFC0]  }
0x27c: {  	v27 =	vmul.f32 v19, v13;
	(erf) = vrcp.f32 v4;
	v4 =	vsub.f32 $0.0e+00, v8;
	v25 =	vld [tilespmem:s9+$0xFFFFFFC0];
	v26 =	vpop (erf)  }
0x27d: {  	(erf) = vpow2.f32 v22;
	v18 =	vadd.f32 v18, v23;
	v19 =	vld [tilespmem:s2+$0x40];
	v22 =	vadd.f32 $1.000000000e+00, v26  }
0x27e: {  	v16 =	vmul.f32 $1.442695020e+00, v16;
	v20 =	vmul.f32 $1.442695020e+00, v20;
	v21 =	vadd.f32 v12, v21;
	v23 =	vld [tilespmem:s9+$0x40];
	[tilespmem:s14+$0x50] =	vst v27;
	v13 =	vpop (erf)  }
0x27f: {  	v4 =	vmul.f32 $1.442695020e+00, v4;
	v12 =	vadd.f32 v6, v18;
	v6 =	vld [tilespmem:s11+$0xFFFFFF40];
	(erf) = vrcp.f32 v22  }
0x280: {  	v5 =	vmul.f32 v13, v5;
	(erf) = vpow2.f32 v16;
	v16 =	vld [tilespmem:s11+$0xFFFFFFC0]  }
0x281: {  	v13 =	vsub.f32 $0.0e+00, v12;
	(erf) = vpow2.f32 v20;
	v18 =	vadd.f32 v25, v24;
	v20 =	vld [tilespmem:s11+$0x40]  }
0x282: {  	(erf) = vpow2.f32 v4;
	v22 =	vld [tilespmem:s17+$0xFFFFFF60];
	[tilespmem:s13+$0xFFFFFF70] =	vst v5  }
0x283: {  	v4 =	vpop (erf);
	v13 =	vmul.f32 $1.442695020e+00, v13;
	v19 =	vadd.f32 v23, v19;
	v23 =	vld [tilespmem:s18+$0xFFFFFF60]  }
0x284: {  	v4 =	vadd.f32 $1.000000000e+00, v4;
	v24 =	vpop (erf);
	v5 =	vadd.f32 v6, v21;
	v21 =	vld [tilespmem:s17+$0xFFFFFFE0]  }
0x285: {  	v24 =	vadd.f32 $1.000000000e+00, v24;
	v25 =	vpop (erf);
	(erf) = vpow2.f32 v13;
	v6 =	vadd.f32 v16, v18;
	v13 =	vld [tilespmem:s18+$0xFFFFFFE0]  }
0x286: {  	v16 =	vmul.f32 v25, v17;
	(erf) = vrcp.f32 v4;
	v17 =	vpop (erf);
	v4 =	vadd.f32 v20, v19;
	v18 =	vld [tilespmem:s17+$0x60]  }
0x287: {  	s3 =	sadd.s32 $0x200, s3;
	v19 =	vsub.f32 $0.0e+00, v5;
	v28 =	vadd.f32 $1.000000000e+00, v17;
	(erf) = vrcp.f32 v24;
	v20 =	vld [tilespmem:s18+$0x60]  }
0x288: {  	[tilespmem:s3+$0x80] =	vst v16;
	v16 =	vsub.f32 $0.0e+00, v6;
	v24 =	vsub.f32 $0.0e+00, v4;
	v25 =	vpop (erf);
	v26 =	vld [tilespmem:s16+$0xFFFFFF60]  }
0x289: {  	v22 =	vadd.f32 v23, v22;
	v27 =	vld [tilespmem:s31+$0x90];
	(erf) = vrcp.f32 v28;
	v17 =	vpop (erf);
	v9 =	vmul.f32 v25, v9  }
0x28a: {  	v19 =	vmul.f32 $1.442695020e+00, v19;
	v23 =	vld [tilespmem:s28+$0x90];
	v17 =	vadd.f32 $1.000000000e+00, v17;
	v25 =	vpop (erf);
	v16 =	vmul.f32 $1.442695020e+00, v16  }
0x28b: {  	v24 =	vmul.f32 $1.442695020e+00, v24;
	v13 =	vadd.f32 v13, v21;
	v28 =	vld [tilespmem:s29+$0x90];
	v25 =	vadd.f32 $1.000000000e+00, v25;
	v29 =	vpop (erf);
	[tilespmem:s15+$0xD0] =	vst v9  }
0x28c: {  	v29 =	vadd.f32 $1.000000000e+00, v29;
	(erf) = vrcp.f32 v17;
	v17 =	vld [tilespmem:s2+$0xE0];
	v18 =	vadd.f32 v20, v18  }
0x28d: {  	(erf) = vrcp.f32 v25;
	v20 =	vld [tilespmem:s9+$0xE0];
	v9 =	vadd.f32 v26, v22  }
0x28e: {  	(erf) = vrcp.f32 v29;
	v21 =	vpop (erf);
	v22 =	vld [tilespmem:s16+$0xFFFFFFE0]  }
0x28f: {  	v23 =	vadd.f32 v23, v27;
	v25 =	vpop (erf);
	v21 =	vadd.f32 $1.000000000e+00, v21;
	v26 =	vld [tilespmem:s11+$0xE0];
	(erf) = vpow2.f32 v19  }
0x290: {  	v27 =	vmul.f32 v25, v15;
	v19 =	vpop (erf);
	(erf) = vpow2.f32 v16;
	v16 =	vsub.f32 $0.0e+00, v9;
	v25 =	vld [tilespmem:s16+$0x60]  }
0x291: {  	v19 =	vmul.f32 v19, v14;
	v14 =	vadd.f32 v28, v23;
	(erf) = vrcp.f32 v21;
	v21 =	vld [tilespmem:s19+$0xFFFFFFF0]  }
0x292: {  	[tilespmem:s3+$0xFFFFFF00] =	vst v27;
	v15 =	vpop (erf);
	v17 =	vadd.f32 v20, v17;
	(erf) = vpow2.f32 v24;
	v16 =	vmul.f32 $1.442695020e+00, v16;
	v20 =	vld [tilespmem:s19+$0x70];
	s19 =	smov.u32 s16;
	s16 =	smov.u32 s11;
	s11 =	smov.u32 s25  }
0x293: {  	s25 =	smov.u32 s29;
	v23 =	vld [tilespmem:s31+$0xFFFFFF10];
	[tilespmem:s3+$0xFFFFFF80] =	vst v19;
	v27 =	vmul.f32 v15, v7;
	v24 =	vsub.f32 $0.0e+00, v14;
	v7 =	vadd.f32 v22, v13  }
0x294: {  	v22 =	vld [tilespmem:s28+$0xFFFFFF10];
	v15 =	vadd.f32 v26, v17;
	(erf) = vpow2.f32 v16  }
0x295: {  	v16 =	vld [tilespmem:s31+$0xFFFFFF90];
	[tilespmem:s3+$0x0] =	vst v27;
	v17 =	vmul.f32 $1.442695020e+00, v24;
	v19 =	vpop (erf);
	v24 =	vsub.f32 $0.0e+00, v7;
	v13 =	vadd.f32 v25, v18  }
0x296: {  	v18 =	vld [tilespmem:s28+$0xFFFFFF90];
	v19 =	vmul.f32 v19, v3;
	v25 =	vpop (erf);
	v27 =	vsub.f32 $0.0e+00, v15;
	v3 =	vadd.f32 v21, v11  }
0x297: {  	v11 =	vld [tilespmem:s31+$0x10];
	(erf) = vpow2.f32 v17;
	v17 =	vmul.f32 v25, v2;
	v2 =	vpop (erf);
	v21 =	vsub.f32 $0.0e+00, v13  }
0x298: {  	v25 =	vld [tilespmem:s28+$0x10];
	[tilespmem:s21+$0xFFFFFF20] =	vst v19;
	v28 =	vmul.f32 v2, v8;
	v19 =	vmul.f32 $1.442695020e+00, v27;
	v26 =	vpop (erf);
	v2 =	vadd.f32 v20, v10  }
0x299: {  	v10 =	vadd.f32 v22, v23;
	v20 =	vld [tilespmem:s29+$0xFFFFFF10];
	[tilespmem:s21+$0xFFFFFFA0] =	vst v17;
	v17 =	vadd.f32 $1.000000000e+00, v26;
	v22 =	vpop (erf);
	v23 =	vmul.f32 $1.442695020e+00, v24  }
0x29a: {  	v24 =	vld [tilespmem:s29+$0xFFFFFF90];
	[tilespmem:s21+$0x20] =	vst v28;
	v8 =	vpop (erf);
	v22 =	vadd.f32 $1.000000000e+00, v22;
	(erf) = vpow2.f32 v19;
	v19 =	vmul.f32 $1.442695020e+00, v21  }
0x29b: {  	v16 =	vadd.f32 v18, v16;
	v18 =	vld [tilespmem:s29+$0x10];
	v27 =	vmul.f32 v8, v12;
	(erf) = vrcp.f32 v17;
	v12 =	vpop (erf)  }
0x29c: {  	v21 =	vld [tilespmem:s1+$0xFFFFFF30];
	v12 =	vadd.f32 $1.000000000e+00, v12;
	(erf) = vrcp.f32 v22;
	v22 =	vsub.f32 $0.0e+00, v3  }
0x29d: {  	v25 =	vadd.f32 v25, v11;
	v26 =	vld [tilespmem:s22+$0xFFFFFF30];
	[tilespmem:s21+$0xB0] =	vst v27;
	v8 =	vpop (erf);
	(erf) = vpow2.f32 v23;
	v23 =	vsub.f32 $0.0e+00, v2  }
0x29e: {  	v17 =	vadd.f32 v20, v10;
	v20 =	vld [tilespmem:s1+$0xC0];
	(erf) = vrcp.f32 v12;
	v8 =	vadd.f32 $1.000000000e+00, v8  }
0x29f: {  	v11 =	vadd.f32 v24, v16;
	v12 =	vld [tilespmem:s22+$0xC0];
	(erf) = vpow2.f32 v19;
	v16 =	vmul.f32 $1.442695020e+00, v22  }
0x2a0: {  	v19 =	vsub.f32 $0.0e+00, v17;
	v10 =	vadd.f32 v18, v25;
	v18 =	vpop (erf);
	v22 =	vld [tilespmem:s1+$0xFFFFFFB0];
	(erf) = vrcp.f32 v8  }
0x2a1: {  	v23 =	vmul.f32 $1.442695020e+00, v23;
	v8 =	vsub.f32 $0.0e+00, v11;
	v18 =	vadd.f32 $1.000000000e+00, v18;
	v24 =	vld [tilespmem:s11+$0xC0]  }
0x2a2: {  	v19 =	vmul.f32 $1.442695020e+00, v19;
	v25 =	vsub.f32 $0.0e+00, v10;
	v21 =	vadd.f32 v26, v21;
	v26 =	vld [tilespmem:s22+$0xFFFFFFB0]  }
0x2a3: {  	v8 =	vmul.f32 $1.442695020e+00, v8;
	(erf) = vrcp.f32 v18;
	v18 =	vld [tilespmem:s1+$0x30];
	v27 =	vpop (erf)  }
0x2a4: {  	v25 =	vmul.f32 $1.442695020e+00, v25;
	v28 =	vld [tilespmem:s22+$0x30];
	v31 =	vadd.f32 v12, v20;
	v20 =	vadd.f32 $1.000000000e+00, v27;
	v27 =	vpop (erf)  }
0x2a5: {  	(erf) = vpow2.f32 v19;
	v19 =	vld [tilespmem:s11+$0xFFFFFF30];
	v27 =	vmul.f32 v27, v5;
	v29 =	vpop (erf)  }
0x2a6: {  	v30 =	vld [tilespmem:s11+$0xFFFFFFB0];
	v5 =	vadd.f32 v24, v31;
	v29 =	vmul.f32 v29, v6;
	(erf) = vrcp.f32 v20;
	v12 =	vpop (erf)  }
0x2a7: {  	(erf) = vpow2.f32 v8;
	v20 =	vadd.f32 v26, v22;
	v22 =	vld [tilespmem:s11+$0x30];
	[tilespmem:s15+$0xFFFFFF40] =	vst v27;
	v8 =	vpop (erf);
	v12 =	vadd.f32 $1.000000000e+00, v12  }
0x2a8: {  	(erf) = vpow2.f32 v25;
	v24 =	vsub.f32 $0.0e+00, v5;
	v25 =	vld [tilespmem:s2+$0xFFFFFF50];
	[tilespmem:s15+$0xFFFFFFC0] =	vst v29;
	v4 =	vmul.f32 v8, v4;
	v6 =	vpop (erf)  }
0x2a9: {  	v18 =	vadd.f32 v28, v18;
	v26 =	vld [tilespmem:s9+$0xFFFFFF50];
	v28 =	vadd.f32 $1.000000000e+00, v6;
	v27 =	vpop (erf);
	(erf) = vrcp.f32 v12  }
0x2aa: {  	v8 =	vadd.f32 v19, v21;
	v19 =	vmul.f32 $1.442695020e+00, v24;
	v21 =	vld [tilespmem:s2+$0xFFFFFFD0];
	[tilespmem:s15+$0x40] =	vst v4;
	v4 =	vmul.f32 v27, v9  }
0x2ab: {  	v9 =	vadd.f32 v30, v20;
	v20 =	vld [tilespmem:s9+$0xFFFFFFD0];
	(erf) = vrcp.f32 v28  }
0x2ac: {  	v6 =	vpop (erf);
	v24 =	vsub.f32 $0.0e+00, v8;
	v12 =	vadd.f32 v22, v18;
	(erf) = vpow2.f32 v19;
	v18 =	vld [tilespmem:s2+$0x50];
	[tilespmem:s14+$0xFFFFFF60] =	vst v4  }
0x2ad: {  	v4 =	vmul.f32 v6, v14;
	v6 =	vsub.f32 $0.0e+00, v9;
	v14 =	vld [tilespmem:s9+$0x50];
	(erf) = vpow2.f32 v16  }
0x2ae: {  	v16 =	vpop (erf);
	v19 =	vmul.f32 $1.442695020e+00, v24;
	v22 =	vsub.f32 $0.0e+00, v12;
	v24 =	vadd.f32 v26, v25;
	v25 =	vld [tilespmem:s16+$0xFFFFFF50]  }
0x2af: {  	v28 =	vadd.f32 $1.000000000e+00, v16;
	[tilespmem:s3+$0x90] =	vst v4;
	v4 =	vmul.f32 $1.442695020e+00, v6;
	v6 =	vld [tilespmem:s16+$0xFFFFFFD0];
	v26 =	vpop (erf);
	(erf) = vpow2.f32 v23  }
0x2b0: {  	v23 =	vld [tilespmem:s31+$0xA0];
	v27 =	vpop (erf);
	v22 =	vmul.f32 $1.442695020e+00, v22;
	v20 =	vadd.f32 v20, v21;
	v15 =	vmul.f32 v26, v15  }
0x2b1: {  	v21 =	vadd.f32 $1.000000000e+00, v27;
	v26 =	vld [tilespmem:s28+$0xA0];
	(erf) = vrcp.f32 v28;
	v16 =	vpop (erf)  }
0x2b2: {  	v28 =	vadd.f32 $1.000000000e+00, v16;
	v27 =	vld [tilespmem:s29+$0xA0];
	(erf) = vpow2.f32 v19;
	v18 =	vadd.f32 v14, v18;
	[tilespmem:s15+$0xE0] =	vst v15;
	v14 =	vpop (erf)  }
0x2b3: {  	(erf) = vrcp.f32 v21;
	v15 =	vadd.f32 v25, v24;
	v19 =	vld [tilespmem:s2+$0xF0];
	v7 =	vmul.f32 v14, v7  }
0x2b4: {  	(erf) = vrcp.f32 v28;
	v14 =	vadd.f32 v6, v20;
	v6 =	vld [tilespmem:s9+$0xF0];
	v16 =	vpop (erf)  }
0x2b5: {  	(erf) = vpow2.f32 v4;
	v4 =	vpop (erf);
	v20 =	vsub.f32 $0.0e+00, v15;
	v21 =	vld [tilespmem:s16+$0x50];
	[tilespmem:s14+$0xFFFFFFE0] =	vst v7;
	v7 =	vmul.f32 v16, v13  }
0x2b6: {  	v13 =	vadd.f32 v26, v23;
	v4 =	vadd.f32 $1.000000000e+00, v4;
	(erf) = vpow2.f32 v22;
	v22 =	vld [tilespmem:s16+$0xF0];
	v16 =	vpop (erf)  }
0x2b7: {  	v23 =	vsub.f32 $0.0e+00, v14;
	v20 =	vmul.f32 $1.442695020e+00, v20;
	v24 =	vld [tilespmem:s17+$0xFFFFFF70];
	[tilespmem:s14+$0x60] =	vst v7;
	v7 =	vadd.f32 $1.000000000e+00, v16  }
0x2b8: {  	v16 =	vadd.f32 v27, v13;
	(erf) = vrcp.f32 v4;
	v25 =	vld [tilespmem:s18+$0xFFFFFF70];
	v26 =	vpop (erf)  }
0x2b9: {  	v23 =	vmul.f32 $1.442695020e+00, v23;
	v4 =	vadd.f32 v6, v19;
	(erf) = vpow2.f32 v20;
	v20 =	vld [tilespmem:s17+$0xFFFFFFF0]  }
0x2ba: {  	v29 =	vsub.f32 $0.0e+00, v16;
	v19 =	vpop (erf);
	v13 =	vadd.f32 v21, v18;
	v27 =	vld [tilespmem:s18+$0xFFFFFFF0];
	(erf) = vrcp.f32 v7  }
0x2bb: {  	v21 =	vmul.f32 v19, v17;
	v17 =	vpop (erf);
	v4 =	vadd.f32 v22, v4;
	(erf) = vpow2.f32 v23;
	v28 =	vld [tilespmem:s17+$0x70];
	s17 =	smov.u32 s2;
	s2 =	smov.u32 s1;
	s1 =	smov.u32 s31  }
0x2bc: {  	v18 =	vmul.f32 $1.442695020e+00, v29;
	v6 =	vpop (erf);
	v19 =	vadd.f32 $1.000000000e+00, v17;
	v22 =	vsub.f32 $0.0e+00, v13;
	v29 =	vld [tilespmem:s18+$0x70];
	s18 =	smov.u32 s9;
	s9 =	smov.u32 s22;
	s22 =	smov.u32 s28  }
.Ltmp1:
0x2bd: {  	[tilespmem:s3+$0xFFFFFF10] =	vst v21;
	v31 =	vmul.f32 v6, v11;
	v7 =	vpop (erf);
	v30 =	vsub.f32 $0.0e+00, v4;
	v6 =	vadd.f32 v25, v24;
	v21 =	vld [tilespmem:s19+$0xFFFFFF70];
	(pc) =	sbr.rel @p0 .LBB2_5-.Ltmp1, $4  }
0x2be: {  	v17 =	vld [tilespmem:s31+$0xFFFFFF20];
	v10 =	vmul.f32 v7, v10;
	(erf) = vpow2.f32 v18;
	v23 =	vpop (erf);
	v7 =	vadd.f32 $1.000000000e+00, v26  }
0x2bf: {  	v18 =	vld [tilespmem:s28+$0xFFFFFF20];
	[tilespmem:s3+$0xFFFFFF90] =	vst v31;
	v23 =	vadd.f32 $1.000000000e+00, v23;
	(erf) = vrcp.f32 v19;
	v11 =	vpop (erf);
	v26 =	vmul.f32 $1.442695020e+00, v30  }
0x2c0: {  	v22 =	vmul.f32 $1.442695020e+00, v22;
	v19 =	vld [tilespmem:s31+$0xFFFFFFA0];
	[tilespmem:s3+$0x10] =	vst v10;
	v24 =	vadd.f32 $1.000000000e+00, v11;
	v11 =	vadd.f32 v27, v20  }
0x2c1: {  	s31 =	sadd.s32 $0x200, s31;
	v20 =	vld [tilespmem:s28+$0xFFFFFFA0];
	v25 =	vpop (erf);
	(erf) = vpow2.f32 v26;
	v10 =	vadd.f32 v29, v28  }
0x2c2: {  	v25 =	vmul.f32 v25, v5  }
0x2c3: {  	(erf) = vrcp.f32 v23;
	v40 =	vpop (erf);
	v5 =	vadd.f32 v21, v6  }
0x2c4: {  	(erf) = vrcp.f32 v24;
	v41 =	vadd.f32 $1.000000000e+00, v40;
	v6 =	vpop (erf);
	[tilespmem:s21+$0xC0] =	vst v25  }
0x2c5: {  	v42 =	vpop (erf);
	(erf) = vpow2.f32 v22;
	v43 =	vsub.f32 $0.0e+00, v5;
	v44 =	vld [tilespmem:s2+$0xD0]  }
0x2c6: {  	v23 =	vadd.f32 $1.000000000e+00, v42;
	(erf) = vrcp.f32 v41;
	v45 =	vld [tilespmem:s9+$0xD0]  }
0x2c7: {  	v22 =	vmul.f32 $1.442695020e+00, v43;
	(erf) = vrcp.f32 v7;
	v46 =	vpop (erf)  }
0x2c8: {  	v47 =	vld [tilespmem:s11+$0xD0];
	(erf) = vrcp.f32 v23;
	v7 =	vadd.f32 $1.000000000e+00, v46  }
0x2c9: {  	(erf) = vpow2.f32 v22  }
0x2ca: {  	v48 =	vpop (erf);
	(erf) = vrcp.f32 v7  }
0x2cb: {  	v49 =	vpop (erf);
	v21 =	vadd.f32 v45, v44  }
0x2cc: {  	v50 =	vpop (erf)  }
0x2cd: {  	v51 =	vpop (erf);
	v21 =	vadd.f32 v47, v21  }
0x2ce: {  	v52 =	vpop (erf)  }
0x2cf: {  	v26 =	vadd.f32 $1.000000000e+00, v49;
	v27 =	vpop (erf);
	v28 =	vsub.f32 $0.0e+00, v21  }
0x2d0: {  	v23 =	vadd.f32 $1.000000000e+00, v52;
	v7 =	vpop (erf)  }
0x2d1: {  	(erf) = vrcp.f32 v26;
	v53 =	vpop (erf);
	v28 =	vmul.f32 $1.442695020e+00, v28  }
0x2d2: {  	v29 =	vld [tilespmem:s1+$0x20];
	(erf) = vrcp.f32 v23;
	v54 =	vpop (erf)  }
0x2d3: {  	v55 =	vld [tilespmem:s25+$0xFFFFFF20];
	(erf) = vpow2.f32 v28;
	v31 =	vpop (erf)  }
0x2d4: {  	v56 =	vld [tilespmem:s25+$0xFFFFFFA0];
	v16 =	vmul.f32 v31, v16  }
0x2d5: {  	v30 =	vld [tilespmem:s22+$0x20]  }
0x2d6: {  	v32 =	vld [tilespmem:s25+$0x20];
	[tilespmem:s3+$0xA0] =	vst v16  }
0x2d7: {  	v57 =	vadd.f32 v18, v17;
	v58 =	vadd.f32 v20, v19;
	v33 =	vld [tilespmem:s1+$0xB0]  }
0x2d8: {  	v59 =	vld [tilespmem:s22+$0xB0]  }
0x2d9: {  	v22 =	vadd.f32 v55, v57;
	v17 =	vadd.f32 v56, v58  }
0x2da: {  	v60 =	vadd.f32 v30, v29;
	v61 =	vmul.f32 v48, v8;
	v8 =	vpop (erf);
	v62 =	vld [tilespmem:s25+$0xB0]  }
0x2db: {  	v34 =	vsub.f32 $0.0e+00, v22;
	v35 =	vsub.f32 $0.0e+00, v17;
	v63 =	vpop (erf)  }
0x2dc: {  	v23 =	vadd.f32 $1.000000000e+00, v54;
	v16 =	vadd.f32 v32, v60;
	v36 =	vpop (erf)  }
0x2dd: {  	[tilespmem:s21+$0xFFFFFF30] =	vst v61;
	v9 =	vmul.f32 v50, v9;
	v18 =	vadd.f32 v59, v33;
	v29 =	vadd.f32 $1.000000000e+00, v36  }
0x2de: {  	v37 =	vld [tilespmem:s2+$0xFFFFFF40];
	v20 =	vmul.f32 $1.442695020e+00, v34;
	(erf) = vrcp.f32 v23;
	v39 =	vsub.f32 $0.0e+00, v16  }
0x2df: {  	v38 =	vld [tilespmem:s9+$0xFFFFFF40];
	v24 =	vmul.f32 $1.442695020e+00, v35;
	v28 =	vadd.f32 v62, v18;
	(erf) = vrcp.f32 v29  }
0x2e0: {  	v46 =	vld [tilespmem:s11+$0xFFFFFF40];
	[tilespmem:s21+$0xFFFFFFB0] =	vst v9;
	v42 =	vmul.f32 $1.442695020e+00, v39;
	(erf) = vpow2.f32 v20  }
0x2e1: {  	v12 =	vmul.f32 v51, v12;
	v40 =	vld [tilespmem:s2+$0xFFFFFFC0];
	v44 =	vsub.f32 $0.0e+00, v28;
	(erf) = vpow2.f32 v24  }
0x2e2: {  	v41 =	vld [tilespmem:s9+$0xFFFFFFC0];
	(erf) = vpow2.f32 v42  }
0x2e3: {  	[tilespmem:s21+$0x30] =	vst v12;
	v47 =	vld [tilespmem:s11+$0xFFFFFFC0];
	v23 =	vmul.f32 $1.442695020e+00, v44  }
0x2e4: {  	v43 =	vld [tilespmem:s2+$0x40]  }
0x2e5: {  	v15 =	vmul.f32 v27, v15;
	v45 =	vld [tilespmem:s9+$0x40];
	v49 =	vadd.f32 v38, v37;
	(erf) = vpow2.f32 v23;
	_ =	sdelay $0x1  }
0x2e6: {  	v48 =	vld [tilespmem:s11+$0x40];
	[tilespmem:s15+$0xFFFFFF50] =	vst v15;
	v14 =	vmul.f32 v53, v14;
	v15 =	vadd.f32 v46, v49;
	v12 =	vadd.f32 v41, v40;
	v9 =	vpop (erf)  }
0x2e7: {  	v50 =	vld [tilespmem:s17+$0xFFFFFF60];
	v51 =	vpop (erf)  }
0x2e8: {  	v52 =	vld [tilespmem:s18+$0xFFFFFF60];
	[tilespmem:s15+$0xFFFFFFD0] =	vst v14;
	v57 =	vsub.f32 $0.0e+00, v15;
	v12 =	vadd.f32 v47, v12;
	v53 =	vpop (erf);
	v21 =	vmul.f32 v51, v21  }
0x2e9: {  	v54 =	vld [tilespmem:s17+$0xFFFFFFE0];
	v20 =	vadd.f32 v45, v43;
	v18 =	vadd.f32 $1.000000000e+00, v53;
	v55 =	vpop (erf)  }
0x2ea: {  	v56 =	vld [tilespmem:s18+$0xFFFFFFE0];
	v26 =	vmul.f32 $1.442695020e+00, v57;
	v59 =	vsub.f32 $0.0e+00, v12;
	v25 =	vadd.f32 $1.000000000e+00, v55;
	v58 =	vpop (erf);
	[tilespmem:s21+$0xD0] =	vst v21  }
0x2eb: {  	v20 =	vadd.f32 v48, v20;
	v27 =	vadd.f32 $1.000000000e+00, v58;
	(erf) = vrcp.f32 v18;
	v60 =	vld [tilespmem:s2+$0xE0]  }
0x2ec: {  	v13 =	vmul.f32 v63, v13;
	v61 =	vld [tilespmem:s9+$0xE0];
	(erf) = vrcp.f32 v25  }
0x2ed: {  	v63 =	vld [tilespmem:s16+$0xFFFFFF60];
	v62 =	vsub.f32 $0.0e+00, v20;
	v21 =	vmul.f32 $1.442695020e+00, v59;
	(erf) = vrcp.f32 v27;
	v31 =	vpop (erf)  }
0x2ee: {  	v33 =	vld [tilespmem:s11+$0xE0];
	v32 =	vadd.f32 $1.000000000e+00, v31;
	(erf) = vpow2.f32 v26  }
0x2ef: {  	v35 =	vld [tilespmem:s16+$0xFFFFFFE0];
	[tilespmem:s15+$0x50] =	vst v13;
	v29 =	vmul.f32 $1.442695020e+00, v62;
	(erf) = vpow2.f32 v21  }
0x2f0: {  	v14 =	vadd.f32 v52, v50;
	v34 =	vld [tilespmem:s17+$0x60];
	(erf) = vrcp.f32 v32  }
0x2f1: {  	v36 =	vld [tilespmem:s18+$0x60];
	v18 =	vadd.f32 v61, v60;
	(erf) = vpow2.f32 v29  }
0x2f2: {  	v13 =	vadd.f32 v63, v14  }
0x2f3: {  	v37 =	vadd.f32 v56, v54;
	v38 =	vld [tilespmem:s16+$0x60];
	v25 =	vadd.f32 v33, v18  }
0x2f4: {  	v39 =	vsub.f32 $0.0e+00, v13;
	v40 =	vpop (erf)  }
0x2f5: {  	v19 =	vadd.f32 v35, v37;
	v42 =	vsub.f32 $0.0e+00, v25;
	v41 =	vpop (erf)  }
0x2f6: {  	v23 =	vadd.f32 v36, v34;
	v18 =	vmul.f32 $1.442695020e+00, v39;
	v43 =	vpop (erf)  }
0x2f7: {  	v44 =	vsub.f32 $0.0e+00, v19;
	v21 =	vmul.f32 $1.442695020e+00, v42;
	v45 =	vpop (erf)  }
0x2f8: {  	(erf) = vpow2.f32 v18;
	v18 =	vadd.f32 v38, v23;
	v46 =	vadd.f32 $1.000000000e+00, v45;
	v47 =	vpop (erf)  }
0x2f9: {  	v29 =	vmul.f32 $1.442695020e+00, v44;
	(erf) = vpow2.f32 v21;
	v48 =	vpop (erf);
	v24 =	vadd.f32 $1.000000000e+00, v47  }
0x2fa: {  	v49 =	vsub.f32 $0.0e+00, v18;
	v28 =	vmul.f32 v48, v28;
	(erf) = vrcp.f32 v46;
	v50 =	vpop (erf)  }
0x2fb: {  	v23 =	vadd.f32 $1.000000000e+00, v50;
	(erf) = vrcp.f32 v24  }
0x2fc: {  	v21 =	vmul.f32 $1.442695020e+00, v49;
	[tilespmem:s3+$0xB0] =	vst v28;
	(erf) = vpow2.f32 v29  }
0x2fd: {  	v51 =	vld [tilespmem:s1+$0xC0];
	(erf) = vrcp.f32 v23  }
0x2fe: {  	v52 =	vld [tilespmem:s22+$0xC0];
	(erf) = vpow2.f32 v21;
	_ =	sdelay $0x1  }
0x2ff: {  	v53 =	vmul.f32 v40, v22;
	v54 =	vld [tilespmem:s25+$0xC0]  }
0x300: {  	v57 =	vld [tilespmem:s19+$0x70];
	v14 =	vmul.f32 v41, v17;
	v56 =	vpop (erf)  }
0x301: {  	v55 =	vld [tilespmem:s19+$0xFFFFFFF0];
	[tilespmem:s3+$0xFFFFFF20] =	vst v53;
	v61 =	vadd.f32 $1.000000000e+00, v56;
	v58 =	vpop (erf)  }
0x302: {  	v16 =	vmul.f32 v43, v16;
	[tilespmem:s3+$0xFFFFFFA0] =	vst v14;
	v60 =	vld [tilespmem:s22+$0xFFFFFF30];
	v23 =	vadd.f32 v52, v51;
	v17 =	vadd.f32 $1.000000000e+00, v58;
	v59 =	vpop (erf)  }
0x303: {  	v63 =	vld [tilespmem:s1+$0xFFFFFFB0];
	(erf) = vrcp.f32 v61;
	v62 =	vpop (erf)  }
0x304: {  	[tilespmem:s3+$0x20] =	vst v16;
	v37 =	vld [tilespmem:s22+$0xFFFFFFB0];
	v22 =	vadd.f32 v54, v23;
	(erf) = vrcp.f32 v17;
	v36 =	vpop (erf)  }
0x305: {  	v39 =	vld [tilespmem:s1+$0x30];
	v38 =	vpop (erf)  }
0x306: {  	v21 =	vld [tilespmem:s1+$0xFFFFFF30];
	v40 =	vadd.f32 $1.000000000e+00, v36;
	v41 =	vsub.f32 $0.0e+00, v22;
	v42 =	vpop (erf)  }
0x307: {  	v43 =	vld [tilespmem:s22+$0x30];
	v32 =	vadd.f32 $1.000000000e+00, v42  }
0x308: {  	v34 =	vld [tilespmem:s25+$0xFFFFFF30];
	(erf) = vrcp.f32 v40;
	v44 =	vmul.f32 $1.442695020e+00, v41  }
0x309: {  	v11 =	vadd.f32 v55, v11;
	v45 =	vld [tilespmem:s25+$0xFFFFFFB0];
	v15 =	vmul.f32 v59, v15;
	(erf) = vrcp.f32 v32  }
0x30a: {  	v10 =	vadd.f32 v57, v10;
	v46 =	vld [tilespmem:s25+$0x30];
	(erf) = vpow2.f32 v44  }
0x30b: {  	v47 =	vsub.f32 $0.0e+00, v11;
	v14 =	vadd.f32 v60, v21;
	[tilespmem:s21+$0xFFFFFF40] =	vst v15  }
0x30c: {  	v16 =	vadd.f32 v37, v63;
	v50 =	vadd.f32 v43, v39;
	v12 =	vmul.f32 v62, v12;
	v48 =	vld [tilespmem:s2+$0xFFFFFF50];
	v53 =	vpop (erf)  }
0x30d: {  	v52 =	vsub.f32 $0.0e+00, v10;
	v27 =	vadd.f32 v34, v14;
	v51 =	vld [tilespmem:s9+$0xFFFFFF50];
	v57 =	vpop (erf)  }
0x30e: {  	v23 =	vadd.f32 v45, v16;
	[tilespmem:s21+$0xFFFFFFC0] =	vst v12;
	v49 =	vmul.f32 v38, v20;
	v62 =	vld [tilespmem:s11+$0xFFFFFF50];
	v20 =	vmul.f32 v57, v25  }
0x30f: {  	v24 =	vadd.f32 v46, v50;
	v15 =	vmul.f32 $1.442695020e+00, v47;
	v56 =	vsub.f32 $0.0e+00, v27;
	v54 =	vld [tilespmem:s2+$0xFFFFFFD0]  }
0x310: {  	v14 =	vmul.f32 $1.442695020e+00, v52;
	v59 =	vsub.f32 $0.0e+00, v23;
	v55 =	vld [tilespmem:s9+$0xFFFFFFD0]  }
0x311: {  	v61 =	vsub.f32 $0.0e+00, v24;
	v63 =	vld [tilespmem:s11+$0xFFFFFFD0];
	[tilespmem:s21+$0x40] =	vst v49;
	v60 =	vmul.f32 $1.442695020e+00, v56;
	(erf) = vpow2.f32 v15;
	v21 =	vpop (erf)  }
0x312: {  	v31 =	vmul.f32 $1.442695020e+00, v59;
	v58 =	vld [tilespmem:s2+$0x50];
	(erf) = vpow2.f32 v14;
	[tilespmem:s21+$0xE0] =	vst v20;
	v20 =	vpop (erf)  }
0x313: {  	v36 =	vmul.f32 $1.442695020e+00, v61;
	(erf) = vpow2.f32 v60;
	v37 =	vld [tilespmem:s2+$0xF0];
	v38 =	vpop (erf)  }
0x314: {  	v39 =	vld [tilespmem:s9+$0xF0];
	(erf) = vpow2.f32 v31;
	v16 =	vadd.f32 $1.000000000e+00, v38  }
0x315: {  	v40 =	vld [tilespmem:s9+$0x50];
	v17 =	vadd.f32 v51, v48;
	(erf) = vpow2.f32 v36  }
0x316: {  	v12 =	vadd.f32 v55, v54;
	v41 =	vld [tilespmem:s11+$0xF0];
	(erf) = vrcp.f32 v16  }
0x317: {  	v42 =	vld [tilespmem:s11+$0x50];
	v17 =	vadd.f32 v62, v17  }
0x318: {  	v25 =	vadd.f32 v63, v12  }
0x319: {  	v43 =	vsub.f32 $0.0e+00, v17;
	v15 =	vadd.f32 v39, v37  }
0x31a: {  	v30 =	vadd.f32 v40, v58;
	v44 =	vpop (erf)  }
0x31b: {  	v45 =	vsub.f32 $0.0e+00, v25;
	v46 =	vmul.f32 $1.442695020e+00, v43;
	v47 =	vpop (erf);
	v12 =	vadd.f32 v41, v15  }
0x31c: {  	v13 =	vmul.f32 v53, v13;
	v28 =	vadd.f32 v42, v30;
	v48 =	vadd.f32 $1.000000000e+00, v44;
	v50 =	vpop (erf)  }
0x31d: {  	v49 =	vmul.f32 $1.442695020e+00, v45;
	(erf) = vpow2.f32 v46;
	v51 =	vsub.f32 $0.0e+00, v12;
	v52 =	vpop (erf)  }
0x31e: {  	v53 =	vadd.f32 $1.000000000e+00, v50;
	(erf) = vrcp.f32 v48;
	v54 =	vpop (erf)  }
0x31f: {  	[tilespmem:s15+$0xFFFFFF60] =	vst v13;
	v55 =	vsub.f32 $0.0e+00, v28;
	(erf) = vpow2.f32 v49;
	v56 =	vmul.f32 $1.442695020e+00, v51;
	v57 =	vpop (erf)  }
0x320: {  	v58 =	vld [tilespmem:s17+$0xFFFFFF70];
	v29 =	vadd.f32 $1.000000000e+00, v52;
	(erf) = vrcp.f32 v53;
	v59 =	vmul.f32 v57, v22  }
0x321: {  	v60 =	vld [tilespmem:s18+$0xFFFFFF70];
	v61 =	vadd.f32 $1.000000000e+00, v54;
	(erf) = vpow2.f32 v56  }
0x322: {  	v62 =	vld [tilespmem:s16+$0xFFFFFF70];
	v13 =	vmul.f32 $1.442695020e+00, v55;
	(erf) = vrcp.f32 v29;
	[tilespmem:s3+$0xC0] =	vst v59  }
0x323: {  	(erf) = vrcp.f32 v61;
	v63 =	vld [tilespmem:s1+$0xD0]  }
0x324: {  	(erf) = vpow2.f32 v13;
	v33 =	vld [tilespmem:s22+$0xD0];
	_ =	sdelay $0x1  }
0x325: {  	v34 =	vadd.f32 v60, v58;
	v35 =	vpop (erf);
	v36 =	vld [tilespmem:s25+$0xD0]  }
0x326: {  	v14 =	vpop (erf)  }
0x327: {  	v13 =	vadd.f32 v62, v34;
	v37 =	vpop (erf)  }
0x328: {  	v16 =	vadd.f32 $1.000000000e+00, v35;
	v38 =	vpop (erf);
	v22 =	vadd.f32 v33, v63  }
0x329: {  	v39 =	vadd.f32 $1.000000000e+00, v47;
	v40 =	vsub.f32 $0.0e+00, v13;
	v41 =	vpop (erf)  }
0x32a: {  	v15 =	vadd.f32 $1.000000000e+00, v37;
	(erf) = vrcp.f32 v16;
	v42 =	vpop (erf);
	v22 =	vadd.f32 v36, v22  }
0x32b: {  	v43 =	vmul.f32 $1.442695020e+00, v40;
	(erf) = vrcp.f32 v39;
	v44 =	vpop (erf)  }
0x32c: {  	(erf) = vrcp.f32 v15;
	v45 =	vadd.f32 $1.000000000e+00, v41;
	v46 =	vpop (erf);
	v47 =	vsub.f32 $0.0e+00, v22  }
0x32d: {  	(erf) = vpow2.f32 v43;
	v48 =	vadd.f32 $1.000000000e+00, v46  }
0x32e: {  	(erf) = vrcp.f32 v45;
	v49 =	vmul.f32 $1.442695020e+00, v47  }
0x32f: {  	(erf) = vrcp.f32 v48  }
0x330: {  	(erf) = vpow2.f32 v49;
	_ =	sdelay $0x2  }
0x331: {  	v50 =	vpop (erf)  }
0x332: {  	v15 =	vpop (erf)  }
0x333: {  	v51 =	vpop (erf)  }
0x334: {  	v52 =	vpop (erf)  }
0x335: {  	v16 =	vpop (erf)  }
0x336: {  	v53 =	vpop (erf)  }
0x337: {  	v32 =	vadd.f32 $1.000000000e+00, v52;
	v35 =	vpop (erf)  }
0x338: {  	v35 =	vadd.f32 $1.000000000e+00, v35  }
0x339: {  	v27 =	vmul.f32 v38, v27;
	(erf) = vrcp.f32 v32  }
0x33a: {  	(erf) = vrcp.f32 v35  }
0x33b: {  	[tilespmem:s3+$0xFFFFFF30] =	vst v27  }
0x33c: {  	v27 =	vld [tilespmem:s1+$0xFFFFFF40];
	v23 =	vmul.f32 v42, v23  }
0x33d: {  	v54 =	vld [tilespmem:s22+$0xFFFFFF40]  }
0x33e: {  	v57 =	vld [tilespmem:s25+$0xFFFFFF40];
	[tilespmem:s3+$0xFFFFFFB0] =	vst v23  }
0x33f: {  	v24 =	vmul.f32 v44, v24;
	v55 =	vld [tilespmem:s1+$0xFFFFFFC0]  }
0x340: {  	v56 =	vld [tilespmem:s22+$0xFFFFFFC0]  }
0x341: {  	[tilespmem:s3+$0x30] =	vst v24;
	v60 =	vld [tilespmem:s25+$0xFFFFFFC0]  }
0x342: {  	v58 =	vld [tilespmem:s1+$0x40];
	v29 =	vmul.f32 v50, v17;
	v17 =	vpop (erf)  }
0x343: {  	v59 =	vld [tilespmem:s22+$0x40];
	v23 =	vadd.f32 v54, v27;
	v35 =	vpop (erf)  }
0x344: {  	v61 =	vld [tilespmem:s25+$0x40];
	[tilespmem:s21+$0xFFFFFF50] =	vst v29;
	v22 =	vmul.f32 v35, v22  }
0x345: {  	v24 =	vadd.f32 v57, v23;
	v62 =	vld [tilespmem:s2+$0xFFFFFF60]  }
0x346: {  	v63 =	vld [tilespmem:s9+$0xFFFFFF60];
	[tilespmem:s3+$0xD0] =	vst v22  }
0x347: {  	v40 =	vsub.f32 $0.0e+00, v24;
	v36 =	vld [tilespmem:s1+$0xE0]  }
0x348: {  	v26 =	vadd.f32 v56, v55;
	v41 =	vld [tilespmem:s22+$0xE0]  }
0x349: {  	v42 =	vld [tilespmem:s11+$0xFFFFFF60];
	v32 =	vadd.f32 v59, v58;
	v22 =	vmul.f32 $1.442695020e+00, v40  }
0x34a: {  	v26 =	vadd.f32 v60, v26;
	v43 =	vld [tilespmem:s25+$0xE0]  }
0x34b: {  	v25 =	vmul.f32 v51, v25;
	v29 =	vadd.f32 v61, v32;
	(erf) = vpow2.f32 v22  }
0x34c: {  	v44 =	vsub.f32 $0.0e+00, v26;
	v23 =	vadd.f32 v63, v62  }
0x34d: {  	[tilespmem:s21+$0xFFFFFFD0] =	vst v25;
	v45 =	vmul.f32 v53, v28;
	v46 =	vadd.f32 v41, v36  }
0x34e: {  	v47 =	vld [tilespmem:s2+$0xFFFFFFE0];
	v48 =	vsub.f32 $0.0e+00, v29;
	v32 =	vadd.f32 v42, v23;
	v22 =	vmul.f32 $1.442695020e+00, v44  }
0x34f: {  	v49 =	vld [tilespmem:s9+$0xFFFFFFE0];
	v25 =	vadd.f32 v43, v46  }
0x350: {  	v55 =	vld [tilespmem:s11+$0xFFFFFFE0];
	[tilespmem:s21+$0x50] =	vst v45;
	v51 =	vmul.f32 $1.442695020e+00, v48;
	v52 =	vsub.f32 $0.0e+00, v32;
	(erf) = vpow2.f32 v22  }
0x351: {  	v50 =	vld [tilespmem:s2+$0x60];
	v54 =	vsub.f32 $0.0e+00, v25  }
0x352: {  	v53 =	vld [tilespmem:s9+$0x60];
	v22 =	vmul.f32 $1.442695020e+00, v52;
	(erf) = vpow2.f32 v51  }
0x353: {  	v56 =	vmul.f32 $1.442695020e+00, v54  }
0x354: {  	v57 =	vld [tilespmem:s11+$0x60];
	(erf) = vpow2.f32 v22;
	v58 =	vpop (erf)  }
0x355: {  	v23 =	vadd.f32 v49, v47;
	v22 =	vadd.f32 $1.000000000e+00, v58;
	(erf) = vpow2.f32 v56;
	_ =	sdelay $0x1  }
0x356: {  	v23 =	vadd.f32 v55, v23;
	v27 =	vadd.f32 v53, v50;
	(erf) = vrcp.f32 v22;
	_ =	sdelay $0x1  }
0x357: {  	v59 =	vsub.f32 $0.0e+00, v23;
	v60 =	vpop (erf);
	v22 =	vadd.f32 v57, v27  }
0x358: {  	v19 =	vmul.f32 v21, v19;
	v27 =	vadd.f32 $1.000000000e+00, v60  }
0x359: {  	v28 =	vmul.f32 $1.442695020e+00, v59;
	v62 =	vpop (erf);
	v61 =	vsub.f32 $0.0e+00, v22  }
0x35a: {  	[tilespmem:s15+$0xFFFFFFE0] =	vst v19;
	v30 =	vadd.f32 $1.000000000e+00, v62;
	(erf) = vrcp.f32 v27  }
0x35b: {  	v33 =	vld [tilespmem:s17+$0xFFFFFFF0];
	v31 =	vpop (erf);
	(erf) = vpow2.f32 v28;
	v63 =	vmul.f32 $1.442695020e+00, v61  }
0x35c: {  	v35 =	vld [tilespmem:s18+$0xFFFFFFF0];
	v21 =	vadd.f32 $1.000000000e+00, v31;
	(erf) = vrcp.f32 v30;
	v34 =	vpop (erf)  }
0x35d: {  	v18 =	vmul.f32 v20, v18;
	(erf) = vpow2.f32 v63;
	v36 =	vadd.f32 $1.000000000e+00, v34  }
0x35e: {  	v38 =	vld [tilespmem:s16+$0xFFFFFFF0];
	(erf) = vrcp.f32 v21;
	v37 =	vpop (erf)  }
0x35f: {  	[tilespmem:s15+$0x60] =	vst v18;
	v21 =	vmul.f32 v37, v24;
	(erf) = vrcp.f32 v36  }
0x360: {  	v39 =	vld [tilespmem:s17+$0x70]  }
0x361: {  	v40 =	vld [tilespmem:s18+$0x70];
	v20 =	vadd.f32 v35, v33;
	[tilespmem:s3+$0xFFFFFF40] =	vst v21  }
0x362: {  	v21 =	vld [tilespmem:s1+$0xFFFFFF50]  }
0x363: {  	v18 =	vadd.f32 v38, v20;
	v41 =	vpop (erf);
	v42 =	vld [tilespmem:s22+$0xFFFFFF50]  }
0x364: {  	v43 =	vld [tilespmem:s16+$0x70];
	v44 =	vpop (erf)  }
0x365: {  	v47 =	vsub.f32 $0.0e+00, v18;
	v26 =	vmul.f32 v41, v26;
	v45 =	vpop (erf);
	v46 =	vld [tilespmem:s25+$0xFFFFFF50]  }
0x366: {  	v48 =	vpop (erf)  }
0x367: {  	v19 =	vadd.f32 v40, v39;
	v51 =	vmul.f32 $1.442695020e+00, v47;
	v20 =	vadd.f32 $1.000000000e+00, v44;
	[tilespmem:s3+$0xFFFFFFC0] =	vst v26;
	v50 =	vpop (erf)  }
0x368: {  	v49 =	vmul.f32 v45, v29;
	v53 =	vld [tilespmem:s1+$0xFFFFFFD0];
	v52 =	vadd.f32 $1.000000000e+00, v48;
	v21 =	vadd.f32 v42, v21;
	v54 =	vpop (erf)  }
0x369: {  	v19 =	vadd.f32 v43, v19;
	(erf) = vrcp.f32 v20;
	v55 =	vld [tilespmem:s22+$0xFFFFFFD0];
	v56 =	vmul.f32 v54, v25  }
0x36a: {  	v59 =	vld [tilespmem:s25+$0xFFFFFFD0];
	[tilespmem:s3+$0x40] =	vst v49;
	(erf) = vrcp.f32 v52;
	v28 =	vadd.f32 v46, v21  }
0x36b: {  	v58 =	vsub.f32 $0.0e+00, v19;
	v57 =	vld [tilespmem:s1+$0x50];
	(erf) = vpow2.f32 v51;
	[tilespmem:s3+$0xE0] =	vst v56  }
0x36c: {  	v60 =	vsub.f32 $0.0e+00, v28;
	v24 =	vld [tilespmem:s1+$0xF0]  }
0x36d: {  	v21 =	vmul.f32 $1.442695020e+00, v58;
	v61 =	vld [tilespmem:s22+$0xF0]  }
0x36e: {  	v62 =	vld [tilespmem:s22+$0x50];
	v29 =	vmul.f32 $1.442695020e+00, v60  }
0x36f: {  	(erf) = vpow2.f32 v21;
	v63 =	vld [tilespmem:s25+$0xF0]  }
0x370: {  	v36 =	vld [tilespmem:s25+$0x50];
	v20 =	vadd.f32 v55, v53;
	(erf) = vpow2.f32 v29;
	_ =	sdelay $0x1  }
0x371: {  	v27 =	vadd.f32 v59, v20;
	v29 =	vpop (erf);
	v37 =	vadd.f32 v61, v24  }
0x372: {  	v38 =	vadd.f32 v62, v57;
	v30 =	vpop (erf)  }
0x373: {  	v39 =	vmul.f32 v50, v32;
	v41 =	vsub.f32 $0.0e+00, v27;
	v40 =	vpop (erf);
	v20 =	vadd.f32 v63, v37  }
0x374: {  	v43 =	vadd.f32 v36, v38;
	v42 =	vadd.f32 $1.000000000e+00, v40  }
0x375: {  	[tilespmem:s21+$0xFFFFFF60] =	vst v39;
	v44 =	vmul.f32 $1.442695020e+00, v41;
	v45 =	vsub.f32 $0.0e+00, v20  }
0x376: {  	v46 =	vld [tilespmem:s2+$0xFFFFFF70];
	v47 =	vsub.f32 $0.0e+00, v43;
	(erf) = vrcp.f32 v42  }
0x377: {  	v48 =	vld [tilespmem:s9+$0xFFFFFF70];
	v49 =	vpop (erf);
	(erf) = vpow2.f32 v44;
	v50 =	vmul.f32 $1.442695020e+00, v45  }
0x378: {  	v21 =	vmul.f32 $1.442695020e+00, v47;
	v51 =	vpop (erf)  }
0x379: {  	v52 =	vld [tilespmem:s11+$0xFFFFFF70];
	v53 =	vadd.f32 $1.000000000e+00, v51;
	(erf) = vpow2.f32 v50  }
0x37a: {  	(erf) = vpow2.f32 v21  }
0x37b: {  	(erf) = vrcp.f32 v53  }
0x37c: {  	v54 =	vadd.f32 v48, v46;
	_ =	sdelay $0x1  }
0x37d: {  	v21 =	vadd.f32 v52, v54  }
0x37e: {  	v24 =	vpop (erf)  }
0x37f: {  	v55 =	vadd.f32 $1.000000000e+00, v49;
	v57 =	vsub.f32 $0.0e+00, v21;
	v56 =	vpop (erf)  }
0x380: {  	v31 =	vadd.f32 $1.000000000e+00, v56  }
0x381: {  	v32 =	vmul.f32 $1.442695020e+00, v57;
	(erf) = vrcp.f32 v55;
	v58 =	vpop (erf)  }
0x382: {  	(erf) = vrcp.f32 v31;
	v25 =	vadd.f32 $1.000000000e+00, v58;
	v59 =	vpop (erf)  }
0x383: {  	(erf) = vpow2.f32 v32;
	v31 =	vadd.f32 $1.000000000e+00, v59;
	v60 =	vpop (erf)  }
0x384: {  	(erf) = vrcp.f32 v25;
	v61 =	vmul.f32 v60, v28  }
0x385: {  	(erf) = vrcp.f32 v31  }
0x386: {  	[tilespmem:s3+$0xFFFFFF50] =	vst v61  }
0x387: {  	v62 =	vld [tilespmem:s1+$0xFFFFFF60]  }
0x388: {  	v63 =	vld [tilespmem:s22+$0xFFFFFF60];
	_ =	sdelay $0x1  }
0x389: {  	v25 =	vpop (erf);
	v36 =	vld [tilespmem:s25+$0xFFFFFF60]  }
0x38a: {  	v37 =	vpop (erf)  }
0x38b: {  	v38 =	vpop (erf)  }
0x38c: {  	v27 =	vmul.f32 v37, v27;
	v28 =	vadd.f32 v63, v62;
	v33 =	vpop (erf)  }
0x38d: {  	v39 =	vpop (erf)  }
0x38e: {  	[tilespmem:s3+$0xFFFFFFD0] =	vst v27;
	v40 =	vadd.f32 v36, v28;
	v26 =	vmul.f32 v39, v43  }
0x38f: {  	v41 =	vld [tilespmem:s1+$0xFFFFFFE0]  }
0x390: {  	v42 =	vld [tilespmem:s22+$0xFFFFFFE0];
	v43 =	vsub.f32 $0.0e+00, v40;
	[tilespmem:s3+$0x50] =	vst v26  }
0x391: {  	v44 =	vadd.f32 $1.000000000e+00, v38;
	v45 =	vld [tilespmem:s1+$0x60]  }
0x392: {  	v46 =	vld [tilespmem:s22+$0x60];
	v31 =	vmul.f32 $1.442695020e+00, v43  }
0x393: {  	(erf) = vrcp.f32 v44;
	v47 =	vld [tilespmem:s25+$0xFFFFFFE0]  }
0x394: {  	v48 =	vld [tilespmem:s25+$0x60];
	(erf) = vpow2.f32 v31;
	_ =	sdelay $0x1  }
0x395: {  	v26 =	vadd.f32 v42, v41  }
0x396: {  	v49 =	vadd.f32 v46, v45  }
0x397: {  	v26 =	vadd.f32 v47, v26  }
0x398: {  	v28 =	vadd.f32 v48, v49  }
0x399: {  	v50 =	vsub.f32 $0.0e+00, v26  }
0x39a: {  	v23 =	vmul.f32 v29, v23;
	v51 =	vsub.f32 $0.0e+00, v28  }
0x39b: {  	v32 =	vpop (erf);
	v31 =	vmul.f32 $1.442695020e+00, v50  }
0x39c: {  	v22 =	vmul.f32 v30, v22;
	[tilespmem:s21+$0xFFFFFFE0] =	vst v23;
	v52 =	vmul.f32 $1.442695020e+00, v51;
	v53 =	vpop (erf)  }
0x39d: {  	v54 =	vld [tilespmem:s2+$0xFFFFFFF0];
	(erf) = vpow2.f32 v31;
	v29 =	vadd.f32 $1.000000000e+00, v53  }
0x39e: {  	[tilespmem:s21+$0x60] =	vst v22;
	v55 =	vld [tilespmem:s9+$0xFFFFFFF0];
	(erf) = vpow2.f32 v52  }
0x39f: {  	v57 =	vld [tilespmem:s9+$0x70];
	(erf) = vrcp.f32 v29  }
0x3a0: {  	v56 =	vld [tilespmem:s2+$0x70]  }
0x3a1: {  	v58 =	vld [tilespmem:s11+$0xFFFFFFF0]  }
0x3a2: {  	v59 =	vld [tilespmem:s11+$0x70];
	_ =	sdelay $0x1  }
0x3a3: {  	v22 =	vadd.f32 v55, v54  }
0x3a4: {  	v23 =	vadd.f32 v57, v56  }
0x3a5: {  	v22 =	vadd.f32 v58, v22;
	v60 =	vpop (erf)  }
0x3a6: {  	v23 =	vadd.f32 v59, v23;
	v61 =	vpop (erf)  }
0x3a7: {  	v31 =	vsub.f32 $0.0e+00, v22;
	v29 =	vadd.f32 $1.000000000e+00, v60;
	v62 =	vpop (erf)  }
0x3a8: {  	v63 =	vsub.f32 $0.0e+00, v23;
	v30 =	vadd.f32 $1.000000000e+00, v61;
	v27 =	vmul.f32 v62, v40  }
0x3a9: {  	v31 =	vmul.f32 $1.442695020e+00, v31;
	(erf) = vrcp.f32 v29  }
0x3aa: {  	v34 =	vmul.f32 $1.442695020e+00, v63;
	(erf) = vrcp.f32 v30;
	[tilespmem:s3+$0xFFFFFF60] =	vst v27  }
0x3ab: {  	(erf) = vpow2.f32 v31;
	v27 =	vld [tilespmem:s1+$0xFFFFFF70]  }
0x3ac: {  	(erf) = vpow2.f32 v34;
	v35 =	vld [tilespmem:s22+$0xFFFFFF70];
	_ =	sdelay $0x1  }
0x3ad: {  	v36 =	vld [tilespmem:s25+$0xFFFFFF70];
	_ =	sdelay $0x2  }
0x3ae: {  	v27 =	vadd.f32 v35, v27  }
0x3af: {  	v37 =	vpop (erf)  }
0x3b0: {  	v38 =	vpop (erf);
	v27 =	vadd.f32 v36, v27  }
0x3b1: {  	v26 =	vmul.f32 v37, v26;
	v39 =	vpop (erf)  }
0x3b2: {  	v29 =	vadd.f32 $1.000000000e+00, v39;
	v40 =	vpop (erf);
	v41 =	vsub.f32 $0.0e+00, v27  }
0x3b3: {  	[tilespmem:s3+$0xFFFFFFE0] =	vst v26;
	v42 =	vmul.f32 v38, v28;
	v43 =	vadd.f32 $1.000000000e+00, v40  }
0x3b4: {  	v44 =	vld [tilespmem:s1+$0xFFFFFFF0];
	(erf) = vrcp.f32 v29;
	v45 =	vmul.f32 $1.442695020e+00, v41  }
0x3b5: {  	v46 =	vld [tilespmem:s22+$0xFFFFFFF0];
	[tilespmem:s3+$0x60] =	vst v42;
	(erf) = vrcp.f32 v43  }
0x3b6: {  	v47 =	vld [tilespmem:s1+$0x70];
	(erf) = vpow2.f32 v45  }
0x3b7: {  	v48 =	vld [tilespmem:s22+$0x70]  }
0x3b8: {  	v49 =	vld [tilespmem:s25+$0xFFFFFFF0]  }
0x3b9: {  	v50 =	vld [tilespmem:s25+$0x70];
	_ =	sdelay $0x1  }
0x3ba: {  	v26 =	vadd.f32 v46, v44  }
0x3bb: {  	v28 =	vadd.f32 v48, v47  }
0x3bc: {  	v26 =	vadd.f32 v49, v26;
	v51 =	vpop (erf)  }
0x3bd: {  	v28 =	vadd.f32 v50, v28;
	v52 =	vpop (erf)  }
0x3be: {  	v54 =	vsub.f32 $0.0e+00, v26;
	v53 =	vpop (erf)  }
0x3bf: {  	v55 =	vsub.f32 $0.0e+00, v28;
	v31 =	vadd.f32 $1.000000000e+00, v53  }
0x3c0: {  	v34 =	vmul.f32 $1.442695020e+00, v54  }
0x3c1: {  	v56 =	vmul.f32 $1.442695020e+00, v55;
	(erf) = vrcp.f32 v31  }
0x3c2: {  	(erf) = vpow2.f32 v34  }
0x3c3: {  	(erf) = vpow2.f32 v56;
	_ =	sdelay $0x5  }
0x3c4: {  	v3 =	vmul.f32 v6, v3  }
0x3c5: {  	v2 =	vmul.f32 v7, v2;
	v57 =	vpop (erf)  }
0x3c6: {  	[tilespmem:s13+$0xFFFFFFF0] =	vst v3;
	v3 =	vmul.f32 v8, v4;
	v58 =	vpop (erf)  }
0x3c7: {  	[tilespmem:s13+$0x70] =	vst v2;
	v2 =	vmul.f32 v9, v5;
	v4 =	vadd.f32 $1.000000000e+00, v58;
	v59 =	vpop (erf)  }
0x3c8: {  	[tilespmem:s15+$0xF0] =	vst v3;
	v3 =	vmul.f32 v14, v11;
	v5 =	vadd.f32 $1.000000000e+00, v59  }
0x3c9: {  	[tilespmem:s14+$0xFFFFFF70] =	vst v2;
	v2 =	vmul.f32 v15, v10;
	(erf) = vrcp.f32 v4  }
0x3ca: {  	[tilespmem:s14+$0xFFFFFFF0] =	vst v3;
	v3 =	vmul.f32 v16, v12;
	(erf) = vrcp.f32 v5  }
0x3cb: {  	[tilespmem:s14+$0x70] =	vst v2;
	v2 =	vmul.f32 v17, v13  }
0x3cc: {  	[tilespmem:s21+$0xF0] =	vst v3;
	v3 =	vmul.f32 v24, v18  }
0x3cd: {  	[tilespmem:s15+$0xFFFFFF70] =	vst v2;
	v2 =	vmul.f32 v25, v19  }
0x3ce: {  	[tilespmem:s15+$0xFFFFFFF0] =	vst v3;
	v3 =	vmul.f32 v33, v20  }
0x3cf: {  	[tilespmem:s15+$0x70] =	vst v2;
	v2 =	vmul.f32 v32, v21  }
0x3d0: {  	[tilespmem:s3+$0xF0] =	vst v3;
	v3 =	vmul.f32 v51, v22  }
0x3d1: {  	[tilespmem:s21+$0xFFFFFF70] =	vst v2;
	v2 =	vmul.f32 v52, v23  }
0x3d2: {  	[tilespmem:s21+$0xFFFFFFF0] =	vst v3;
	v3 =	vmul.f32 v57, v27;
	v4 =	vpop (erf)  }
0x3d3: {  	[tilespmem:s21+$0x70] =	vst v2;
	v2 =	vmul.f32 v4, v26;
	v60 =	vpop (erf)  }
0x3d4: {  	[tilespmem:s3+$0xFFFFFF70] =	vst v3;
	v3 =	vmul.f32 v60, v28  }
0x3d5: {  	[tilespmem:s3+$0xFFFFFFF0] =	vst v2  }
0x3d6: {  	[tilespmem:s3+$0x70] =	vst v3  }
0x3d7: {  	v2 =	vld [tilespmem:$0x80]  }
0x3d8: {  	v3 =	vld [tilespmem:$0x90]  }
0x3d9: {  	v61 =	vld [tilespmem:$0xA0]  }
0x3da: {  	v62 =	vld [tilespmem:$0xB0]  }
0x3db: {  	s12 =	sadd.s32 $0x1, s12;
	v63 =	vld [tilespmem:$0xC0]  }
0x3dc: {  	p0 =	sne.s32 s12, $0x7D;
	[tilespmem:$0x200] =	vst v2  }
.Ltmp2:
0x3dd: {  	[tilespmem:$0x210] =	vst v3;
	(pc) =	sbr.rel @p0 .LBB2_4-.Ltmp2, $4  }
0x3de: {  	[tilespmem:$0x220] =	vst v61  }
0x3df: {  	[tilespmem:$0x230] =	vst v62  }
0x3e0: {  	s29 =	simm.s32 $0x200;
	s31 =	simm.s32 $0x7A80;
	[tilespmem:$0x240] =	vst v63  }
0x3e1: {  	[spmem:s0] =	stream.indirect.scatter.add.f32 [tilespmem:s31], [sflag:$0x2], $0x80, s29, s24, $0xb8;
	[tilespmem:$0x1E280] =	vst v63  }
0x3e2: {  	s1 =	simm.s32 $0x2  }
0x3e3: {  	_ =	swait.ge [sflag:s1], $0x2800  }
0x3e4: {  	[sflag:s1] =	ssyncset.done $0x0  }
0x3e5: {  	[sflag:s1] =	ssyncadd.s32 $0xFFFFD800  }
0x3e6: {  	s28 =	stileid.u32;
	[bflag:$0x0] =	sbarrier.arrive $0xFFFF  }
0x3e7: {  	s1 =	sshll.u32 s28, $0x6;
	s3 =	rddreg [dreg:$0x4]  }
0x3e8: {  	s1 =	sor.u32 $0x1C04, s1;
	s9 =	rddreg [dreg:$0xc];
	s2 =	sshrl.u32 s3, $0x3  }
0x3e9: {  	[hbm:s9], [sflag:s1] =	dma.local [spmem:s2], $0x2800  }
0x3ea: {  	s9 =	simm.s32 $0x4  }
0x3eb: {  	_ =	swait.ge [sflag:s9], $0x2800  }
0x3ec: {  	s29 =	rddreg [dreg:$0xe]  }
0x3ed: {  	s31 =	rddreg [dreg:$0xd];
	s2 =	sadd.s32 $0x1, s29  }
0x3ee: {  	p0 =	sne.s32 s2, s31  }
.Ltmp3:
0x3ef: {  	_ = 	snop;
	(pc) =	sbr.rel @p0 .LBB2_1-.Ltmp3, $3  }
0x3f0: {  	_ =	sdelay $0x1  }
0x3f1: {  	[sflag:s9] =	ssyncset.done $0x0  }
0x3f2: {  	[sflag:s9] =	ssyncadd.s32 $0xFFFFD800  }
0x3f3: {  	_ =	sfence.sel $0x180000  }
0x3f4: {  	[bflag:$0x0] =	sbarrier.arrive $0xFFFF  }
0x3f5: {  	_ =	strace $0x90000047  }
0x3f6: {  	s0 =	stileid.u32;
	[bflag:$0x2] =	sbarrier.arrive $0xFFFF  }
0x3f7: {  	p0 =	sne.s32 s0, $0x0;
	s0 =	rddreg [dreg:$0x3]  }
0x3f8: {  	s0 =	sadd.s32 @!p0 $0x100000, s0  }
0x3f9: {  	[sflag:s0] =	ssyncadd.tile.s32 @!p0 $0x1;
	_ =	shalt  }
.Lfunc_end2:
_tile_overlayer_lowered:
.L_overlay_start_2:
0x3fa: {  	(tag) =	ssettag $0x2  }
0x3fb: {  	s0 =	rddreg [dreg:$0x0];
	s2 =	stileid.u32  }
0x3fc: {  	s1 =	rddreg [dreg:$0x1];
	p0 =	sne.s32 s2, $0x0  }
0x3fd: {  	s3 =	rddreg [dreg:$0x2];
	[bflag:$0x3] =	sbarrier.arrive $0xFFFF;
	s2 =	simm.s32 @!p0 $0x1C04  }
0x3fe: {  	[timem:s3], [sflag:s2] =	dma.local @!p0 [hbm:s0], s1  }
0x3ff: {  	s0 =	simm.s32 @!p0 $0x4  }
0x400: {  	_ =	swait.ge @!p0 [sflag:s0], s1  }
0x401: {  	s1 =	ssub.s32 @!p0 $0x0, s1;
	[sflag:s0] =	ssyncset.done @!p0 $0x0  }
0x402: {  	[sflag:s0] =	ssyncadd.s32 @!p0 s1  }
0x403: {  	[bflag:$0x3] =	sbarrier.arrive $0xFFFF  }
0x404: {  	_ =	shalt  }

</sc_bundles>
